<compile_context>
chip_gen: v7x
topology: tpu7x:2x2x1
jax: 0.10.2.dev20260603
libtpu: 0.0.44.dev20260713+nightly
codegen_flags: <defaults>
</compile_context>

<pallas_src>
import functools

import jax
import jax.numpy as jnp
from jax import lax
from jax.experimental import pallas as pl
from jax.experimental.pallas import tpu as pltpu
from jax.experimental.pallas import tpu_sc as plsc

N = 16384
C = 1000
L = 16

_info = plsc.get_sparse_core_info()
_NC, _NS = _info.num_cores, _info.num_subcores
_NW = _NC * _NS
_PER_W = N // _NW
_GW = 128
_NG = _PER_W // _GW


def _focal_kernel(inpt_hbm, tgt_hbm, alpha_hbm, out_hbm,
                  tgt_v, acc_v, patch_v, alpha_v,
                  s0, s1, s2, s3):
    sems = (s0, s1, s2, s3)
    wid = lax.axis_index("s") * _NC + lax.axis_index("c")
    base = wid * _PER_W

    pltpu.sync_copy(tgt_hbm.at[pl.ds(base, _PER_W)], tgt_v)
    pltpu.sync_copy(alpha_hbm, alpha_v.at[pl.ds(0, C)])

    copies = []
    for g in range(_NG):
        i0 = base + g * _GW
        copies.append(pltpu.async_copy(
            inpt_hbm.at[tgt_v.at[pl.ds(g * _GW, _GW)], pl.ds(i0, _GW)],
            patch_v.at[pl.ds(g * _GW, _GW), :],
            sems[g]))
    for cp in copies:
        cp.wait()

    lane = lax.iota(jnp.int32, L)

    def row_body(j, acc):
        col = (j * L) % _GW
        xv = jnp.zeros((L,), jnp.float32)
        for k in range(L):
            v = patch_v[j * L + k, pl.ds(col, L)]
            xv = jnp.where(lane == k, v, xv)
        p = jnp.exp(xv)
        q = 1.0 - p
        w = q * q * xv
        tvec = tgt_v[pl.ds(j * L, L)]
        for k in range(L):
            t = tvec[k]
            aw = alpha_v[pl.ds(t, L)]
            acc = acc + jnp.where(lane == 0, aw * w[k], 0.0)
        return acc

    acc = lax.fori_loop(0, _PER_W // L, row_body,
                        jnp.zeros((L,), jnp.float32))
    acc_v[...] = acc
    pltpu.sync_copy(acc_v, out_hbm.at[pl.ds(wid * L, L)])


@jax.jit
def _focal_call(inp_t, tgt, alpha_flat):
    mesh = plsc.VectorSubcoreMesh(core_axis_name="c", subcore_axis_name="s")
    kern = functools.partial(
        pl.kernel,
        mesh=mesh,
        out_type=jax.ShapeDtypeStruct((_NW * L,), jnp.float32),
        scratch_types=(
            [pltpu.VMEM((_PER_W,), jnp.int32),
             pltpu.VMEM((L,), jnp.float32),
             pltpu.VMEM((_PER_W, _GW), jnp.float32)]
            + [pltpu.VMEM((1024,), jnp.float32)]
            + [pltpu.SemaphoreType.DMA for _ in range(_NG)]
        ),
    )(_focal_kernel)
    partials = kern(inp_t, tgt, alpha_flat)
    return -(jnp.sum(partials) / jnp.float32(N))


def kernel(inputs, targets, alpha):
    tgt = targets.astype(jnp.int32)
    alpha_flat = alpha.reshape(-1).astype(jnp.float32)
    return _focal_call(inputs.T, tgt, alpha_flat)

# --- scband reference (transcript-rebuilt; emitter-appended) ---
"""Pipeline reference for scband-focal-loss-1632087572897 (READ-ONLY COPY).

The authoritative reference and input builder live on the scoring server;
editing this copy changes nothing except your own understanding.
"""

import jax, jax.numpy as jnp
import numpy as np

N = 16384
C = 1000
GAMMA = 2

def setup_inputs(seed: int = 0) -> dict:
    key = jax.random.key(seed)
    k1, k2 = jax.random.split(key)
    inputs = jax.random.normal(k1, (N, C), dtype=jnp.float32)
    targets = jax.random.randint(k2, (N,), 0, C, dtype=jnp.int64 if jax.config.jax_enable_x64 else jnp.int32)
    # module-internal alpha: FocalLoss.__init__ with alpha=None -> ones(class_num, 1)
    alpha = jnp.ones((C, 1), dtype=jnp.float32)
    return {"inputs": inputs, "targets": targets, "alpha": alpha}

def reference(inputs, targets, alpha):
    n, c = inputs.shape
    P = jnp.exp(inputs)
    # class_mask: one-hot via scatter-overwrite, matching class_mask.scatter_(1, ids, 1.)
    class_mask = jnp.zeros((n, c), dtype=inputs.dtype).at[jnp.arange(n), targets].set(1.0)
    # alpha = self.alpha[ids.view(-1)] -> gather rows, shape [N, 1]
    alpha_sel = jnp.take(alpha, targets, axis=0)
    probs = (P * class_mask).sum(axis=1).reshape(-1, 1)
    log_p = jnp.log(probs)
    batch_loss = -alpha_sel * jnp.power(1.0 - probs, GAMMA) * log_p
    # size_average=True -> mean
    loss = batch_loss.mean()
    return loss

if __name__ == "__main__":
    import jax
    _d = setup_inputs()
    print(jax.jit(kernel)(*tuple(_d.values())))

</pallas_src>

<mosaic_0001>
#map = affine_map<(d0, d1) -> (0, 0)>
#map1 = affine_map<(d0, d1) -> (0)>
module attributes {stable_mosaic.version = 14 : i64} {
  func.func @_focal_kernel(%arg0: i32, %arg1: i32, %arg2: memref<1000x16384xf32, #tpu.memory_space<hbm>>, %arg3: memref<16384xi32, #tpu.memory_space<hbm>>, %arg4: memref<1000xf32, #tpu.memory_space<hbm>>, %arg5: memref<512xf32, #tpu.memory_space<hbm>>, %arg6: memref<512xi32, #tpu.memory_space<vmem>>, %arg7: memref<16xf32, #tpu.memory_space<vmem>>, %arg8: memref<512x128xf32, #tpu.memory_space<vmem>>, %arg9: memref<1024xf32, #tpu.memory_space<vmem>>, %arg10: memref<!tpu.dma_semaphore, #tpu.memory_space<semaphore_mem>>, %arg11: memref<!tpu.dma_semaphore, #tpu.memory_space<semaphore_mem>>, %arg12: memref<!tpu.dma_semaphore, #tpu.memory_space<semaphore_mem>>, %arg13: memref<!tpu.dma_semaphore, #tpu.memory_space<semaphore_mem>>) attributes {dimension_semantics = [#tpu.dimension_semantics<core_parallel>, #tpu.dimension_semantics<subcore_parallel>], iteration_bounds = array<i64: 2, 16>, scalar_prefetch = 0 : i64, scratch_operands = 8 : i64, tpu.core_type = #tpu.core_type<sc_vector_subcore>, window_params = [{transform_indices = #map}, {transform_indices = #map1}, {transform_indices = #map1}, {transform_indices = #map1}]} {
    %mul3A = arith.constant 2 : i32
    %mul3A_0 = arith.muli %arg1, %mul3A : i32
    %add3A = arith.addi %mul3A_0, %arg0 : i32
    %mul3A_1 = arith.constant 512 : i32
    %mul3A_2 = arith.muli %add3A, %mul3A_1 : i32
    "tpu.region"() ({
      %run_scoped3A = tpu.sem_alloc : memref<!tpu.dma_semaphore, #tpu.memory_space<semaphore_mem>>
      %dma_start3A_76 = tpu.memref_slice %arg3[%mul3A_2] : memref<16384xi32, #tpu.memory_space<hbm>> -> memref<512xi32, #tpu.memory_space<hbm>>
      %dma_start3A_77 = tpu.memref_slice %arg3[%mul3A_2] : memref<16384xi32, #tpu.memory_space<hbm>> -> memref<512xi32, #tpu.memory_space<hbm>>
      tpu.enqueue_dma source(%dma_start3A_77 : memref<512xi32, #tpu.memory_space<hbm>>) target(%arg6 : memref<512xi32, #tpu.memory_space<vmem>>) target_semaphore(%run_scoped3A : memref<!tpu.dma_semaphore, #tpu.memory_space<semaphore_mem>>)
      %dma_wait3A_78 = tpu.memref_slice %arg3[%mul3A_2] : memref<16384xi32, #tpu.memory_space<hbm>> -> memref<512xi32, #tpu.memory_space<hbm>>
      %dma_wait3A_79 = tpu.memref_slice %arg3[%mul3A_2] : memref<16384xi32, #tpu.memory_space<hbm>> -> memref<512xi32, #tpu.memory_space<hbm>>
      tpu.wait_dma2 semaphore(%run_scoped3A : memref<!tpu.dma_semaphore, #tpu.memory_space<semaphore_mem>>) src(%dma_wait3A_79 : memref<512xi32, #tpu.memory_space<hbm>>) dst(%arg6 : memref<512xi32, #tpu.memory_space<vmem>>)
      tpu.yield
    }) : () -> ()
    "tpu.region"() ({
      %run_scoped3A = tpu.sem_alloc : memref<!tpu.dma_semaphore, #tpu.memory_space<semaphore_mem>>
      %dma_start3A_76 = arith.constant 0 : i32
      %dma_start3A_77 = tpu.memref_slice %arg9[%dma_start3A_76] : memref<1024xf32, #tpu.memory_space<vmem>> -> memref<1000xf32, #tpu.memory_space<vmem>>
      %dma_start3A_78 = arith.constant 0 : i32
      %dma_start3A_79 = tpu.memref_slice %arg9[%dma_start3A_78] : memref<1024xf32, #tpu.memory_space<vmem>> -> memref<1000xf32, #tpu.memory_space<vmem>>
      tpu.enqueue_dma source(%arg4 : memref<1000xf32, #tpu.memory_space<hbm>>) target(%dma_start3A_79 : memref<1000xf32, #tpu.memory_space<vmem>>) target_semaphore(%run_scoped3A : memref<!tpu.dma_semaphore, #tpu.memory_space<semaphore_mem>>)
      %dma_wait3A_80 = arith.constant 0 : i32
      %dma_wait3A_81 = tpu.memref_slice %arg9[%dma_wait3A_80] : memref<1024xf32, #tpu.memory_space<vmem>> -> memref<1000xf32, #tpu.memory_space<vmem>>
      %dma_wait3A_82 = arith.constant 0 : i32
      %dma_wait3A_83 = tpu.memref_slice %arg9[%dma_wait3A_82] : memref<1024xf32, #tpu.memory_space<vmem>> -> memref<1000xf32, #tpu.memory_space<vmem>>
      tpu.wait_dma2 semaphore(%run_scoped3A : memref<!tpu.dma_semaphore, #tpu.memory_space<semaphore_mem>>) src(%arg4 : memref<1000xf32, #tpu.memory_space<hbm>>) dst(%dma_wait3A_83 : memref<1000xf32, #tpu.memory_space<vmem>>)
      tpu.yield
    }) : () -> ()
    %add3A_3 = arith.constant 0 : i32
    %add3A_4 = arith.addi %mul3A_2, %add3A_3 : i32
    %dma_start3A = arith.constant 0 : i32
    %dma_start3A_5 = arith.constant 0 : i32
    %dma_start3A_6 = tpu.memref_slice %arg8[%dma_start3A, %dma_start3A_5] : memref<512x128xf32, #tpu.memory_space<vmem>> -> memref<128x128xf32, #tpu.memory_space<vmem>>
    %dma_start3A_7 = arith.constant 0 : i32
    %dma_start3A_8 = tpu.memref_slice %arg6[%dma_start3A_7] : memref<512xi32, #tpu.memory_space<vmem>> -> memref<128xi32, #tpu.memory_space<vmem>>
    %dma_start3A_9 = arith.constant 0 : i32
    %dma_start3A_10 = tpu.memref_slice %arg2[%dma_start3A_9, %add3A_4] : memref<1000x16384xf32, #tpu.memory_space<hbm>> -> memref<1000x128xf32, #tpu.memory_space<hbm>>
    tpu.enqueue_indirect_dma source(%dma_start3A_10 : memref<1000x128xf32, #tpu.memory_space<hbm>>) target(%dma_start3A_6 : memref<128x128xf32, #tpu.memory_space<vmem>>) offsets(%dma_start3A_8 : memref<128xi32, #tpu.memory_space<vmem>>) semaphore(%arg10 : memref<!tpu.dma_semaphore, #tpu.memory_space<semaphore_mem>>)
    %add3A_11 = arith.constant 128 : i32
    %add3A_12 = arith.addi %mul3A_2, %add3A_11 : i32
    %dma_start3A_13 = arith.constant 128 : i32
    %dma_start3A_14 = arith.constant 0 : i32
    %dma_start3A_15 = tpu.memref_slice %arg8[%dma_start3A_13, %dma_start3A_14] : memref<512x128xf32, #tpu.memory_space<vmem>> -> memref<128x128xf32, #tpu.memory_space<vmem>>
    %dma_start3A_16 = arith.constant 128 : i32
    %dma_start3A_17 = tpu.memref_slice %arg6[%dma_start3A_16] : memref<512xi32, #tpu.memory_space<vmem>> -> memref<128xi32, #tpu.memory_space<vmem>>
    %dma_start3A_18 = arith.constant 0 : i32
    %dma_start3A_19 = tpu.memref_slice %arg2[%dma_start3A_18, %add3A_12] : memref<1000x16384xf32, #tpu.memory_space<hbm>> -> memref<1000x128xf32, #tpu.memory_space<hbm>>
    tpu.enqueue_indirect_dma source(%dma_start3A_19 : memref<1000x128xf32, #tpu.memory_space<hbm>>) target(%dma_start3A_15 : memref<128x128xf32, #tpu.memory_space<vmem>>) offsets(%dma_start3A_17 : memref<128xi32, #tpu.memory_space<vmem>>) semaphore(%arg11 : memref<!tpu.dma_semaphore, #tpu.memory_space<semaphore_mem>>)
    %add3A_20 = arith.constant 256 : i32
    %add3A_21 = arith.addi %mul3A_2, %add3A_20 : i32
    %dma_start3A_22 = arith.constant 256 : i32
    %dma_start3A_23 = arith.constant 0 : i32
    %dma_start3A_24 = tpu.memref_slice %arg8[%dma_start3A_22, %dma_start3A_23] : memref<512x128xf32, #tpu.memory_space<vmem>> -> memref<128x128xf32, #tpu.memory_space<vmem>>
    %dma_start3A_25 = arith.constant 256 : i32
    %dma_start3A_26 = tpu.memref_slice %arg6[%dma_start3A_25] : memref<512xi32, #tpu.memory_space<vmem>> -> memref<128xi32, #tpu.memory_space<vmem>>
    %dma_start3A_27 = arith.constant 0 : i32
    %dma_start3A_28 = tpu.memref_slice %arg2[%dma_start3A_27, %add3A_21] : memref<1000x16384xf32, #tpu.memory_space<hbm>> -> memref<1000x128xf32, #tpu.memory_space<hbm>>
    tpu.enqueue_indirect_dma source(%dma_start3A_28 : memref<1000x128xf32, #tpu.memory_space<hbm>>) target(%dma_start3A_24 : memref<128x128xf32, #tpu.memory_space<vmem>>) offsets(%dma_start3A_26 : memref<128xi32, #tpu.memory_space<vmem>>) semaphore(%arg12 : memref<!tpu.dma_semaphore, #tpu.memory_space<semaphore_mem>>)
    %add3A_29 = arith.constant 384 : i32
    %add3A_30 = arith.addi %mul3A_2, %add3A_29 : i32
    %dma_start3A_31 = arith.constant 384 : i32
    %dma_start3A_32 = arith.constant 0 : i32
    %dma_start3A_33 = tpu.memref_slice %arg8[%dma_start3A_31, %dma_start3A_32] : memref<512x128xf32, #tpu.memory_space<vmem>> -> memref<128x128xf32, #tpu.memory_space<vmem>>
    %dma_start3A_34 = arith.constant 384 : i32
    %dma_start3A_35 = tpu.memref_slice %arg6[%dma_start3A_34] : memref<512xi32, #tpu.memory_space<vmem>> -> memref<128xi32, #tpu.memory_space<vmem>>
    %dma_start3A_36 = arith.constant 0 : i32
    %dma_start3A_37 = tpu.memref_slice %arg2[%dma_start3A_36, %add3A_30] : memref<1000x16384xf32, #tpu.memory_space<hbm>> -> memref<1000x128xf32, #tpu.memory_space<hbm>>
    tpu.enqueue_indirect_dma source(%dma_start3A_37 : memref<1000x128xf32, #tpu.memory_space<hbm>>) target(%dma_start3A_33 : memref<128x128xf32, #tpu.memory_space<vmem>>) offsets(%dma_start3A_35 : memref<128xi32, #tpu.memory_space<vmem>>) semaphore(%arg13 : memref<!tpu.dma_semaphore, #tpu.memory_space<semaphore_mem>>)
    %dma_wait3A = arith.constant 0 : i32
    %dma_wait3A_38 = arith.constant 0 : i32
    %dma_wait3A_39 = tpu.memref_slice %arg8[%dma_wait3A, %dma_wait3A_38] : memref<512x128xf32, #tpu.memory_space<vmem>> -> memref<128x128xf32, #tpu.memory_space<vmem>>
    %dma_wait3A_40 = arith.constant 0 : i32
    %dma_wait3A_41 = tpu.memref_slice %arg6[%dma_wait3A_40] : memref<512xi32, #tpu.memory_space<vmem>> -> memref<128xi32, #tpu.memory_space<vmem>>
    %dma_wait3A_42 = arith.constant 0 : i32
    %dma_wait3A_43 = tpu.memref_slice %arg2[%dma_wait3A_42, %add3A_4] : memref<1000x16384xf32, #tpu.memory_space<hbm>> -> memref<1000x128xf32, #tpu.memory_space<hbm>>
    tpu.wait_indirect_dma semaphore(%arg10 : memref<!tpu.dma_semaphore, #tpu.memory_space<semaphore_mem>>) src(%dma_wait3A_43 : memref<1000x128xf32, #tpu.memory_space<hbm>>) dst(%dma_wait3A_39 : memref<128x128xf32, #tpu.memory_space<vmem>>)
    %dma_wait3A_44 = arith.constant 128 : i32
    %dma_wait3A_45 = arith.constant 0 : i32
    %dma_wait3A_46 = tpu.memref_slice %arg8[%dma_wait3A_44, %dma_wait3A_45] : memref<512x128xf32, #tpu.memory_space<vmem>> -> memref<128x128xf32, #tpu.memory_space<vmem>>
    %dma_wait3A_47 = arith.constant 128 : i32
    %dma_wait3A_48 = tpu.memref_slice %arg6[%dma_wait3A_47] : memref<512xi32, #tpu.memory_space<vmem>> -> memref<128xi32, #tpu.memory_space<vmem>>
    %dma_wait3A_49 = arith.constant 0 : i32
    %dma_wait3A_50 = tpu.memref_slice %arg2[%dma_wait3A_49, %add3A_12] : memref<1000x16384xf32, #tpu.memory_space<hbm>> -> memref<1000x128xf32, #tpu.memory_space<hbm>>
    tpu.wait_indirect_dma semaphore(%arg11 : memref<!tpu.dma_semaphore, #tpu.memory_space<semaphore_mem>>) src(%dma_wait3A_50 : memref<1000x128xf32, #tpu.memory_space<hbm>>) dst(%dma_wait3A_46 : memref<128x128xf32, #tpu.memory_space<vmem>>)
    %dma_wait3A_51 = arith.constant 256 : i32
    %dma_wait3A_52 = arith.constant 0 : i32
    %dma_wait3A_53 = tpu.memref_slice %arg8[%dma_wait3A_51, %dma_wait3A_52] : memref<512x128xf32, #tpu.memory_space<vmem>> -> memref<128x128xf32, #tpu.memory_space<vmem>>
    %dma_wait3A_54 = arith.constant 256 : i32
    %dma_wait3A_55 = tpu.memref_slice %arg6[%dma_wait3A_54] : memref<512xi32, #tpu.memory_space<vmem>> -> memref<128xi32, #tpu.memory_space<vmem>>
    %dma_wait3A_56 = arith.constant 0 : i32
    %dma_wait3A_57 = tpu.memref_slice %arg2[%dma_wait3A_56, %add3A_21] : memref<1000x16384xf32, #tpu.memory_space<hbm>> -> memref<1000x128xf32, #tpu.memory_space<hbm>>
    tpu.wait_indirect_dma semaphore(%arg12 : memref<!tpu.dma_semaphore, #tpu.memory_space<semaphore_mem>>) src(%dma_wait3A_57 : memref<1000x128xf32, #tpu.memory_space<hbm>>) dst(%dma_wait3A_53 : memref<128x128xf32, #tpu.memory_space<vmem>>)
    %dma_wait3A_58 = arith.constant 384 : i32
    %dma_wait3A_59 = arith.constant 0 : i32
    %dma_wait3A_60 = tpu.memref_slice %arg8[%dma_wait3A_58, %dma_wait3A_59] : memref<512x128xf32, #tpu.memory_space<vmem>> -> memref<128x128xf32, #tpu.memory_space<vmem>>
    %dma_wait3A_61 = arith.constant 384 : i32
    %dma_wait3A_62 = tpu.memref_slice %arg6[%dma_wait3A_61] : memref<512xi32, #tpu.memory_space<vmem>> -> memref<128xi32, #tpu.memory_space<vmem>>
    %dma_wait3A_63 = arith.constant 0 : i32
    %dma_wait3A_64 = tpu.memref_slice %arg2[%dma_wait3A_63, %add3A_30] : memref<1000x16384xf32, #tpu.memory_space<hbm>> -> memref<1000x128xf32, #tpu.memory_space<hbm>>
    tpu.wait_indirect_dma semaphore(%arg13 : memref<!tpu.dma_semaphore, #tpu.memory_space<semaphore_mem>>) src(%dma_wait3A_64 : memref<1000x128xf32, #tpu.memory_space<hbm>>) dst(%dma_wait3A_60 : memref<128x128xf32, #tpu.memory_space<vmem>>)
    %iota3A = tpu.iota {dimensions = array<i32: 0>} : vector<16xi32>
    %broadcast_in_dim3A = arith.constant 0.000000e+00 : f32
    %broadcast_in_dim3A_65 = vector.broadcast %broadcast_in_dim3A : f32 to vector<16xf32>
    %scan3A = arith.constant 0 : i32
    %scan3A_66 = arith.constant 32 : i32
    %scan3A_67 = arith.addi %scan3A, %scan3A_66 : i32
    %scan3A_68 = arith.constant 1 : i32
    %scan3A_69 = scf.for %scan3A_76 = %scan3A to %scan3A_67 step %scan3A_68 iter_args(%scan3A_77 = %broadcast_in_dim3A_65) -> (vector<16xf32>)  : i32 {
      %mul3A_78 = arith.constant 16 : i32
      %mul3A_79 = arith.muli %scan3A_76, %mul3A_78 : i32
      %jit3A = arith.constant 128 : i32
      %eq3A = arith.constant 0 : i32
      %eq3A_80 = arith.cmpi eq, %jit3A, %eq3A : i32
      %jit3A_81 = arith.constant 1 : i32
      %select_n3A = arith.select %eq3A_80, %jit3A_81, %jit3A : i32
      %rem3A = arith.remsi %mul3A_79, %select_n3A : i32
      %ne3A = arith.constant 0 : i32
      %ne3A_82 = arith.cmpi ne, %rem3A, %ne3A : i32
      %lt3A = arith.constant 0 : i32
      %lt3A_83 = arith.cmpi slt, %rem3A, %lt3A : i32
      %lt3A_84 = arith.constant 0 : i32
      %lt3A_85 = arith.cmpi slt, %select_n3A, %lt3A_84 : i32
      %ne3A_86 = arith.xori %lt3A_83, %lt3A_85 : i1
      %and3A = arith.andi %ne3A_86, %ne3A_82 : i1
      %add3A_87 = arith.addi %rem3A, %select_n3A : i32
      %select_n3A_88 = arith.select %and3A, %add3A_87, %rem3A : i32
      %broadcast_in_dim3A_89 = arith.constant 0.000000e+00 : f32
      %broadcast_in_dim3A_90 = vector.broadcast %broadcast_in_dim3A_89 : f32 to vector<16xf32>
      %mul3A_91 = arith.constant 16 : i32
      %mul3A_92 = arith.muli %scan3A_76, %mul3A_91 : i32
      %add3A_93 = arith.constant 0 : i32
      %add3A_94 = arith.addi %mul3A_92, %add3A_93 : i32
      %get3A = arith.index_cast %add3A_94 : i32 to index
      %get3A_95 = arith.index_cast %select_n3A_88 : i32 to index
      %get3A_96 = tpu.vector_load %arg8[%get3A, %get3A_95] {strides = array<i32>} : memref<512x128xf32, #tpu.memory_space<vmem>>, vector<1x16xf32>,
      %get3A_97 = vector.shape_cast %get3A_96 : vector<1x16xf32> to vector<16xf32>
      %eq3A_98 = arith.constant 0 : i32
      %eq3A_99 = vector.broadcast %eq3A_98 : i32 to vector<16xi32>
      %eq3A_100 = arith.cmpi eq, %iota3A, %eq3A_99 : vector<16xi32>
      %select_n3A_101 = arith.select %eq3A_100, %get3A_97, %broadcast_in_dim3A_90 : vector<16xi1>, vector<16xf32>
      %mul3A_102 = arith.constant 16 : i32
      %mul3A_103 = arith.muli %scan3A_76, %mul3A_102 : i32
      %add3A_104 = arith.constant 1 : i32
      %add3A_105 = arith.addi %mul3A_103, %add3A_104 : i32
      %get3A_106 = arith.index_cast %add3A_105 : i32 to index
      %get3A_107 = arith.index_cast %select_n3A_88 : i32 to index
      %get3A_108 = tpu.vector_load %arg8[%get3A_106, %get3A_107] {strides = array<i32>} : memref<512x128xf32, #tpu.memory_space<vmem>>, vector<1x16xf32>,
      %get3A_109 = vector.shape_cast %get3A_108 : vector<1x16xf32> to vector<16xf32>
      %eq3A_110 = arith.constant 1 : i32
      %eq3A_111 = vector.broadcast %eq3A_110 : i32 to vector<16xi32>
      %eq3A_112 = arith.cmpi eq, %iota3A, %eq3A_111 : vector<16xi32>
      %select_n3A_113 = arith.select %eq3A_112, %get3A_109, %select_n3A_101 : vector<16xi1>, vector<16xf32>
      %mul3A_114 = arith.constant 16 : i32
      %mul3A_115 = arith.muli %scan3A_76, %mul3A_114 : i32
      %add3A_116 = arith.constant 2 : i32
      %add3A_117 = arith.addi %mul3A_115, %add3A_116 : i32
      %get3A_118 = arith.index_cast %add3A_117 : i32 to index
      %get3A_119 = arith.index_cast %select_n3A_88 : i32 to index
      %get3A_120 = tpu.vector_load %arg8[%get3A_118, %get3A_119] {strides = array<i32>} : memref<512x128xf32, #tpu.memory_space<vmem>>, vector<1x16xf32>,
      %get3A_121 = vector.shape_cast %get3A_120 : vector<1x16xf32> to vector<16xf32>
      %eq3A_122 = arith.constant 2 : i32
      %eq3A_123 = vector.broadcast %eq3A_122 : i32 to vector<16xi32>
      %eq3A_124 = arith.cmpi eq, %iota3A, %eq3A_123 : vector<16xi32>
      %select_n3A_125 = arith.select %eq3A_124, %get3A_121, %select_n3A_113 : vector<16xi1>, vector<16xf32>
      %mul3A_126 = arith.constant 16 : i32
      %mul3A_127 = arith.muli %scan3A_76, %mul3A_126 : i32
      %add3A_128 = arith.constant 3 : i32
      %add3A_129 = arith.addi %mul3A_127, %add3A_128 : i32
      %get3A_130 = arith.index_cast %add3A_129 : i32 to index
      %get3A_131 = arith.index_cast %select_n3A_88 : i32 to index
      %get3A_132 = tpu.vector_load %arg8[%get3A_130, %get3A_131] {strides = array<i32>} : memref<512x128xf32, #tpu.memory_space<vmem>>, vector<1x16xf32>,
      %get3A_133 = vector.shape_cast %get3A_132 : vector<1x16xf32> to vector<16xf32>
      %eq3A_134 = arith.constant 3 : i32
      %eq3A_135 = vector.broadcast %eq3A_134 : i32 to vector<16xi32>
      %eq3A_136 = arith.cmpi eq, %iota3A, %eq3A_135 : vector<16xi32>
      %select_n3A_137 = arith.select %eq3A_136, %get3A_133, %select_n3A_125 : vector<16xi1>, vector<16xf32>
      %mul3A_138 = arith.constant 16 : i32
      %mul3A_139 = arith.muli %scan3A_76, %mul3A_138 : i32
      %add3A_140 = arith.constant 4 : i32
      %add3A_141 = arith.addi %mul3A_139, %add3A_140 : i32
      %get3A_142 = arith.index_cast %add3A_141 : i32 to index
      %get3A_143 = arith.index_cast %select_n3A_88 : i32 to index
      %get3A_144 = tpu.vector_load %arg8[%get3A_142, %get3A_143] {strides = array<i32>} : memref<512x128xf32, #tpu.memory_space<vmem>>, vector<1x16xf32>,
      %get3A_145 = vector.shape_cast %get3A_144 : vector<1x16xf32> to vector<16xf32>
      %eq3A_146 = arith.constant 4 : i32
      %eq3A_147 = vector.broadcast %eq3A_146 : i32 to vector<16xi32>
      %eq3A_148 = arith.cmpi eq, %iota3A, %eq3A_147 : vector<16xi32>
      %select_n3A_149 = arith.select %eq3A_148, %get3A_145, %select_n3A_137 : vector<16xi1>, vector<16xf32>
      %mul3A_150 = arith.constant 16 : i32
      %mul3A_151 = arith.muli %scan3A_76, %mul3A_150 : i32
      %add3A_152 = arith.constant 5 : i32
      %add3A_153 = arith.addi %mul3A_151, %add3A_152 : i32
      %get3A_154 = arith.index_cast %add3A_153 : i32 to index
      %get3A_155 = arith.index_cast %select_n3A_88 : i32 to index
      %get3A_156 = tpu.vector_load %arg8[%get3A_154, %get3A_155] {strides = array<i32>} : memref<512x128xf32, #tpu.memory_space<vmem>>, vector<1x16xf32>,
      %get3A_157 = vector.shape_cast %get3A_156 : vector<1x16xf32> to vector<16xf32>
      %eq3A_158 = arith.constant 5 : i32
      %eq3A_159 = vector.broadcast %eq3A_158 : i32 to vector<16xi32>
      %eq3A_160 = arith.cmpi eq, %iota3A, %eq3A_159 : vector<16xi32>
      %select_n3A_161 = arith.select %eq3A_160, %get3A_157, %select_n3A_149 : vector<16xi1>, vector<16xf32>
      %mul3A_162 = arith.constant 16 : i32
      %mul3A_163 = arith.muli %scan3A_76, %mul3A_162 : i32
      %add3A_164 = arith.constant 6 : i32
      %add3A_165 = arith.addi %mul3A_163, %add3A_164 : i32
      %get3A_166 = arith.index_cast %add3A_165 : i32 to index
      %get3A_167 = arith.index_cast %select_n3A_88 : i32 to index
      %get3A_168 = tpu.vector_load %arg8[%get3A_166, %get3A_167] {strides = array<i32>} : memref<512x128xf32, #tpu.memory_space<vmem>>, vector<1x16xf32>,
      %get3A_169 = vector.shape_cast %get3A_168 : vector<1x16xf32> to vector<16xf32>
      %eq3A_170 = arith.constant 6 : i32
      %eq3A_171 = vector.broadcast %eq3A_170 : i32 to vector<16xi32>
      %eq3A_172 = arith.cmpi eq, %iota3A, %eq3A_171 : vector<16xi32>
      %select_n3A_173 = arith.select %eq3A_172, %get3A_169, %select_n3A_161 : vector<16xi1>, vector<16xf32>
      %mul3A_174 = arith.constant 16 : i32
      %mul3A_175 = arith.muli %scan3A_76, %mul3A_174 : i32
      %add3A_176 = arith.constant 7 : i32
      %add3A_177 = arith.addi %mul3A_175, %add3A_176 : i32
      %get3A_178 = arith.index_cast %add3A_177 : i32 to index
      %get3A_179 = arith.index_cast %select_n3A_88 : i32 to index
      %get3A_180 = tpu.vector_load %arg8[%get3A_178, %get3A_179] {strides = array<i32>} : memref<512x128xf32, #tpu.memory_space<vmem>>, vector<1x16xf32>,
      %get3A_181 = vector.shape_cast %get3A_180 : vector<1x16xf32> to vector<16xf32>
      %eq3A_182 = arith.constant 7 : i32
      %eq3A_183 = vector.broadcast %eq3A_182 : i32 to vector<16xi32>
      %eq3A_184 = arith.cmpi eq, %iota3A, %eq3A_183 : vector<16xi32>
      %select_n3A_185 = arith.select %eq3A_184, %get3A_181, %select_n3A_173 : vector<16xi1>, vector<16xf32>
      %mul3A_186 = arith.constant 16 : i32
      %mul3A_187 = arith.muli %scan3A_76, %mul3A_186 : i32
      %add3A_188 = arith.constant 8 : i32
      %add3A_189 = arith.addi %mul3A_187, %add3A_188 : i32
      %get3A_190 = arith.index_cast %add3A_189 : i32 to index
      %get3A_191 = arith.index_cast %select_n3A_88 : i32 to index
      %get3A_192 = tpu.vector_load %arg8[%get3A_190, %get3A_191] {strides = array<i32>} : memref<512x128xf32, #tpu.memory_space<vmem>>, vector<1x16xf32>,
      %get3A_193 = vector.shape_cast %get3A_192 : vector<1x16xf32> to vector<16xf32>
      %eq3A_194 = arith.constant 8 : i32
      %eq3A_195 = vector.broadcast %eq3A_194 : i32 to vector<16xi32>
      %eq3A_196 = arith.cmpi eq, %iota3A, %eq3A_195 : vector<16xi32>
      %select_n3A_197 = arith.select %eq3A_196, %get3A_193, %select_n3A_185 : vector<16xi1>, vector<16xf32>
      %mul3A_198 = arith.constant 16 : i32
      %mul3A_199 = arith.muli %scan3A_76, %mul3A_198 : i32
      %add3A_200 = arith.constant 9 : i32
      %add3A_201 = arith.addi %mul3A_199, %add3A_200 : i32
      %get3A_202 = arith.index_cast %add3A_201 : i32 to index
      %get3A_203 = arith.index_cast %select_n3A_88 : i32 to index
      %get3A_204 = tpu.vector_load %arg8[%get3A_202, %get3A_203] {strides = array<i32>} : memref<512x128xf32, #tpu.memory_space<vmem>>, vector<1x16xf32>,
      %get3A_205 = vector.shape_cast %get3A_204 : vector<1x16xf32> to vector<16xf32>
      %eq3A_206 = arith.constant 9 : i32
      %eq3A_207 = vector.broadcast %eq3A_206 : i32 to vector<16xi32>
      %eq3A_208 = arith.cmpi eq, %iota3A, %eq3A_207 : vector<16xi32>
      %select_n3A_209 = arith.select %eq3A_208, %get3A_205, %select_n3A_197 : vector<16xi1>, vector<16xf32>
      %mul3A_210 = arith.constant 16 : i32
      %mul3A_211 = arith.muli %scan3A_76, %mul3A_210 : i32
      %add3A_212 = arith.constant 10 : i32
      %add3A_213 = arith.addi %mul3A_211, %add3A_212 : i32
      %get3A_214 = arith.index_cast %add3A_213 : i32 to index
      %get3A_215 = arith.index_cast %select_n3A_88 : i32 to index
      %get3A_216 = tpu.vector_load %arg8[%get3A_214, %get3A_215] {strides = array<i32>} : memref<512x128xf32, #tpu.memory_space<vmem>>, vector<1x16xf32>,
      %get3A_217 = vector.shape_cast %get3A_216 : vector<1x16xf32> to vector<16xf32>
      %eq3A_218 = arith.constant 10 : i32
      %eq3A_219 = vector.broadcast %eq3A_218 : i32 to vector<16xi32>
      %eq3A_220 = arith.cmpi eq, %iota3A, %eq3A_219 : vector<16xi32>
      %select_n3A_221 = arith.select %eq3A_220, %get3A_217, %select_n3A_209 : vector<16xi1>, vector<16xf32>
      %mul3A_222 = arith.constant 16 : i32
      %mul3A_223 = arith.muli %scan3A_76, %mul3A_222 : i32
      %add3A_224 = arith.constant 11 : i32
      %add3A_225 = arith.addi %mul3A_223, %add3A_224 : i32
      %get3A_226 = arith.index_cast %add3A_225 : i32 to index
      %get3A_227 = arith.index_cast %select_n3A_88 : i32 to index
      %get3A_228 = tpu.vector_load %arg8[%get3A_226, %get3A_227] {strides = array<i32>} : memref<512x128xf32, #tpu.memory_space<vmem>>, vector<1x16xf32>,
      %get3A_229 = vector.shape_cast %get3A_228 : vector<1x16xf32> to vector<16xf32>
      %eq3A_230 = arith.constant 11 : i32
      %eq3A_231 = vector.broadcast %eq3A_230 : i32 to vector<16xi32>
      %eq3A_232 = arith.cmpi eq, %iota3A, %eq3A_231 : vector<16xi32>
      %select_n3A_233 = arith.select %eq3A_232, %get3A_229, %select_n3A_221 : vector<16xi1>, vector<16xf32>
      %mul3A_234 = arith.constant 16 : i32
      %mul3A_235 = arith.muli %scan3A_76, %mul3A_234 : i32
      %add3A_236 = arith.constant 12 : i32
      %add3A_237 = arith.addi %mul3A_235, %add3A_236 : i32
      %get3A_238 = arith.index_cast %add3A_237 : i32 to index
      %get3A_239 = arith.index_cast %select_n3A_88 : i32 to index
      %get3A_240 = tpu.vector_load %arg8[%get3A_238, %get3A_239] {strides = array<i32>} : memref<512x128xf32, #tpu.memory_space<vmem>>, vector<1x16xf32>,
      %get3A_241 = vector.shape_cast %get3A_240 : vector<1x16xf32> to vector<16xf32>
      %eq3A_242 = arith.constant 12 : i32
      %eq3A_243 = vector.broadcast %eq3A_242 : i32 to vector<16xi32>
      %eq3A_244 = arith.cmpi eq, %iota3A, %eq3A_243 : vector<16xi32>
      %select_n3A_245 = arith.select %eq3A_244, %get3A_241, %select_n3A_233 : vector<16xi1>, vector<16xf32>
      %mul3A_246 = arith.constant 16 : i32
      %mul3A_247 = arith.muli %scan3A_76, %mul3A_246 : i32
      %add3A_248 = arith.constant 13 : i32
      %add3A_249 = arith.addi %mul3A_247, %add3A_248 : i32
      %get3A_250 = arith.index_cast %add3A_249 : i32 to index
      %get3A_251 = arith.index_cast %select_n3A_88 : i32 to index
      %get3A_252 = tpu.vector_load %arg8[%get3A_250, %get3A_251] {strides = array<i32>} : memref<512x128xf32, #tpu.memory_space<vmem>>, vector<1x16xf32>,
      %get3A_253 = vector.shape_cast %get3A_252 : vector<1x16xf32> to vector<16xf32>
      %eq3A_254 = arith.constant 13 : i32
      %eq3A_255 = vector.broadcast %eq3A_254 : i32 to vector<16xi32>
      %eq3A_256 = arith.cmpi eq, %iota3A, %eq3A_255 : vector<16xi32>
      %select_n3A_257 = arith.select %eq3A_256, %get3A_253, %select_n3A_245 : vector<16xi1>, vector<16xf32>
      %mul3A_258 = arith.constant 16 : i32
      %mul3A_259 = arith.muli %scan3A_76, %mul3A_258 : i32
      %add3A_260 = arith.constant 14 : i32
      %add3A_261 = arith.addi %mul3A_259, %add3A_260 : i32
      %get3A_262 = arith.index_cast %add3A_261 : i32 to index
      %get3A_263 = arith.index_cast %select_n3A_88 : i32 to index
      %get3A_264 = tpu.vector_load %arg8[%get3A_262, %get3A_263] {strides = array<i32>} : memref<512x128xf32, #tpu.memory_space<vmem>>, vector<1x16xf32>,
      %get3A_265 = vector.shape_cast %get3A_264 : vector<1x16xf32> to vector<16xf32>
      %eq3A_266 = arith.constant 14 : i32
      %eq3A_267 = vector.broadcast %eq3A_266 : i32 to vector<16xi32>
      %eq3A_268 = arith.cmpi eq, %iota3A, %eq3A_267 : vector<16xi32>
      %select_n3A_269 = arith.select %eq3A_268, %get3A_265, %select_n3A_257 : vector<16xi1>, vector<16xf32>
      %mul3A_270 = arith.constant 16 : i32
      %mul3A_271 = arith.muli %scan3A_76, %mul3A_270 : i32
      %add3A_272 = arith.constant 15 : i32
      %add3A_273 = arith.addi %mul3A_271, %add3A_272 : i32
      %get3A_274 = arith.index_cast %add3A_273 : i32 to index
      %get3A_275 = arith.index_cast %select_n3A_88 : i32 to index
      %get3A_276 = tpu.vector_load %arg8[%get3A_274, %get3A_275] {strides = array<i32>} : memref<512x128xf32, #tpu.memory_space<vmem>>, vector<1x16xf32>,
      %get3A_277 = vector.shape_cast %get3A_276 : vector<1x16xf32> to vector<16xf32>
      %eq3A_278 = arith.constant 15 : i32
      %eq3A_279 = vector.broadcast %eq3A_278 : i32 to vector<16xi32>
      %eq3A_280 = arith.cmpi eq, %iota3A, %eq3A_279 : vector<16xi32>
      %select_n3A_281 = arith.select %eq3A_280, %get3A_277, %select_n3A_269 : vector<16xi1>, vector<16xf32>
      %exp3A = math.exp %select_n3A_281 : vector<16xf32>
      %sub3A = arith.constant 1.000000e+00 : f32
      %sub3A_282 = vector.broadcast %sub3A : f32 to vector<16xf32>
      %sub3A_283 = arith.subf %sub3A_282, %exp3A : vector<16xf32>
      %mul3A_284 = arith.mulf %sub3A_283, %sub3A_283 : vector<16xf32>
      %mul3A_285 = arith.mulf %mul3A_284, %select_n3A_281 : vector<16xf32>
      %mul3A_286 = arith.constant 16 : i32
      %mul3A_287 = arith.muli %scan3A_76, %mul3A_286 : i32
      %get3A_288 = arith.index_cast %mul3A_287 : i32 to index
      %get3A_289 = tpu.vector_load %arg6[%get3A_288] {strides = array<i32>} : memref<512xi32, #tpu.memory_space<vmem>>, vector<16xi32>,
      %get3A_290 = vector.shape_cast %get3A_289 : vector<16xi32> to vector<16xi32>
      %slice3A = vector.extract_strided_slice %get3A_290 {offsets = [0], sizes = [1], strides = [1]} : vector<16xi32> to vector<1xi32>
      %squeeze3A = vector.extract %slice3A[0] : i32 from vector<1xi32>
      %get3A_291 = arith.index_cast %squeeze3A : i32 to index
      %get3A_292 = tpu.vector_load %arg9[%get3A_291] {strides = array<i32>} : memref<1024xf32, #tpu.memory_space<vmem>>, vector<16xf32>,
      %get3A_293 = vector.shape_cast %get3A_292 : vector<16xf32> to vector<16xf32>
      %eq3A_294 = arith.constant 0 : i32
      %eq3A_295 = vector.broadcast %eq3A_294 : i32 to vector<16xi32>
      %eq3A_296 = arith.cmpi eq, %iota3A, %eq3A_295 : vector<16xi32>
      %slice3A_297 = vector.extract_strided_slice %mul3A_285 {offsets = [0], sizes = [1], strides = [1]} : vector<16xf32> to vector<1xf32>
      %squeeze3A_298 = vector.extract %slice3A_297[0] : f32 from vector<1xf32>
      %mul3A_299 = vector.broadcast %squeeze3A_298 : f32 to vector<16xf32>
      %mul3A_300 = arith.mulf %get3A_293, %mul3A_299 : vector<16xf32>
      %jit3A_301 = arith.constant 0.000000e+00 : f32
      %broadcast_in_dim3A_302 = vector.broadcast %jit3A_301 : f32 to vector<16xf32>
      %select_n3A_303 = arith.select %eq3A_296, %mul3A_300, %broadcast_in_dim3A_302 : vector<16xi1>, vector<16xf32>
      %add3A_304 = arith.addf %scan3A_77, %select_n3A_303 : vector<16xf32>
      %slice3A_305 = vector.extract_strided_slice %get3A_290 {offsets = [1], sizes = [1], strides = [1]} : vector<16xi32> to vector<1xi32>
      %squeeze3A_306 = vector.extract %slice3A_305[0] : i32 from vector<1xi32>
      %get3A_307 = arith.index_cast %squeeze3A_306 : i32 to index
      %get3A_308 = tpu.vector_load %arg9[%get3A_307] {strides = array<i32>} : memref<1024xf32, #tpu.memory_space<vmem>>, vector<16xf32>,
      %get3A_309 = vector.shape_cast %get3A_308 : vector<16xf32> to vector<16xf32>
      %eq3A_310 = arith.constant 0 : i32
      %eq3A_311 = vector.broadcast %eq3A_310 : i32 to vector<16xi32>
      %eq3A_312 = arith.cmpi eq, %iota3A, %eq3A_311 : vector<16xi32>
      %slice3A_313 = vector.extract_strided_slice %mul3A_285 {offsets = [1], sizes = [1], strides = [1]} : vector<16xf32> to vector<1xf32>
      %squeeze3A_314 = vector.extract %slice3A_313[0] : f32 from vector<1xf32>
      %mul3A_315 = vector.broadcast %squeeze3A_314 : f32 to vector<16xf32>
      %mul3A_316 = arith.mulf %get3A_309, %mul3A_315 : vector<16xf32>
      %jit3A_317 = arith.constant 0.000000e+00 : f32
      %broadcast_in_dim3A_318 = vector.broadcast %jit3A_317 : f32 to vector<16xf32>
      %select_n3A_319 = arith.select %eq3A_312, %mul3A_316, %broadcast_in_dim3A_318 : vector<16xi1>, vector<16xf32>
      %add3A_320 = arith.addf %add3A_304, %select_n3A_319 : vector<16xf32>
      %slice3A_321 = vector.extract_strided_slice %get3A_290 {offsets = [2], sizes = [1], strides = [1]} : vector<16xi32> to vector<1xi32>
      %squeeze3A_322 = vector.extract %slice3A_321[0] : i32 from vector<1xi32>
      %get3A_323 = arith.index_cast %squeeze3A_322 : i32 to index
      %get3A_324 = tpu.vector_load %arg9[%get3A_323] {strides = array<i32>} : memref<1024xf32, #tpu.memory_space<vmem>>, vector<16xf32>,
      %get3A_325 = vector.shape_cast %get3A_324 : vector<16xf32> to vector<16xf32>
      %eq3A_326 = arith.constant 0 : i32
      %eq3A_327 = vector.broadcast %eq3A_326 : i32 to vector<16xi32>
      %eq3A_328 = arith.cmpi eq, %iota3A, %eq3A_327 : vector<16xi32>
      %slice3A_329 = vector.extract_strided_slice %mul3A_285 {offsets = [2], sizes = [1], strides = [1]} : vector<16xf32> to vector<1xf32>
      %squeeze3A_330 = vector.extract %slice3A_329[0] : f32 from vector<1xf32>
      %mul3A_331 = vector.broadcast %squeeze3A_330 : f32 to vector<16xf32>
      %mul3A_332 = arith.mulf %get3A_325, %mul3A_331 : vector<16xf32>
      %jit3A_333 = arith.constant 0.000000e+00 : f32
      %broadcast_in_dim3A_334 = vector.broadcast %jit3A_333 : f32 to vector<16xf32>
      %select_n3A_335 = arith.select %eq3A_328, %mul3A_332, %broadcast_in_dim3A_334 : vector<16xi1>, vector<16xf32>
      %add3A_336 = arith.addf %add3A_320, %select_n3A_335 : vector<16xf32>
      %slice3A_337 = vector.extract_strided_slice %get3A_290 {offsets = [3], sizes = [1], strides = [1]} : vector<16xi32> to vector<1xi32>
      %squeeze3A_338 = vector.extract %slice3A_337[0] : i32 from vector<1xi32>
      %get3A_339 = arith.index_cast %squeeze3A_338 : i32 to index
      %get3A_340 = tpu.vector_load %arg9[%get3A_339] {strides = array<i32>} : memref<1024xf32, #tpu.memory_space<vmem>>, vector<16xf32>,
      %get3A_341 = vector.shape_cast %get3A_340 : vector<16xf32> to vector<16xf32>
      %eq3A_342 = arith.constant 0 : i32
      %eq3A_343 = vector.broadcast %eq3A_342 : i32 to vector<16xi32>
      %eq3A_344 = arith.cmpi eq, %iota3A, %eq3A_343 : vector<16xi32>
      %slice3A_345 = vector.extract_strided_slice %mul3A_285 {offsets = [3], sizes = [1], strides = [1]} : vector<16xf32> to vector<1xf32>
      %squeeze3A_346 = vector.extract %slice3A_345[0] : f32 from vector<1xf32>
      %mul3A_347 = vector.broadcast %squeeze3A_346 : f32 to vector<16xf32>
      %mul3A_348 = arith.mulf %get3A_341, %mul3A_347 : vector<16xf32>
      %jit3A_349 = arith.constant 0.000000e+00 : f32
      %broadcast_in_dim3A_350 = vector.broadcast %jit3A_349 : f32 to vector<16xf32>
      %select_n3A_351 = arith.select %eq3A_344, %mul3A_348, %broadcast_in_dim3A_350 : vector<16xi1>, vector<16xf32>
      %add3A_352 = arith.addf %add3A_336, %select_n3A_351 : vector<16xf32>
      %slice3A_353 = vector.extract_strided_slice %get3A_290 {offsets = [4], sizes = [1], strides = [1]} : vector<16xi32> to vector<1xi32>
      %squeeze3A_354 = vector.extract %slice3A_353[0] : i32 from vector<1xi32>
      %get3A_355 = arith.index_cast %squeeze3A_354 : i32 to index
      %get3A_356 = tpu.vector_load %arg9[%get3A_355] {strides = array<i32>} : memref<1024xf32, #tpu.memory_space<vmem>>, vector<16xf32>,
      %get3A_357 = vector.shape_cast %get3A_356 : vector<16xf32> to vector<16xf32>
      %eq3A_358 = arith.constant 0 : i32
      %eq3A_359 = vector.broadcast %eq3A_358 : i32 to vector<16xi32>
      %eq3A_360 = arith.cmpi eq, %iota3A, %eq3A_359 : vector<16xi32>
      %slice3A_361 = vector.extract_strided_slice %mul3A_285 {offsets = [4], sizes = [1], strides = [1]} : vector<16xf32> to vector<1xf32>
      %squeeze3A_362 = vector.extract %slice3A_361[0] : f32 from vector<1xf32>
      %mul3A_363 = vector.broadcast %squeeze3A_362 : f32 to vector<16xf32>
      %mul3A_364 = arith.mulf %get3A_357, %mul3A_363 : vector<16xf32>
      %jit3A_365 = arith.constant 0.000000e+00 : f32
      %broadcast_in_dim3A_366 = vector.broadcast %jit3A_365 : f32 to vector<16xf32>
      %select_n3A_367 = arith.select %eq3A_360, %mul3A_364, %broadcast_in_dim3A_366 : vector<16xi1>, vector<16xf32>
      %add3A_368 = arith.addf %add3A_352, %select_n3A_367 : vector<16xf32>
      %slice3A_369 = vector.extract_strided_slice %get3A_290 {offsets = [5], sizes = [1], strides = [1]} : vector<16xi32> to vector<1xi32>
      %squeeze3A_370 = vector.extract %slice3A_369[0] : i32 from vector<1xi32>
      %get3A_371 = arith.index_cast %squeeze3A_370 : i32 to index
      %get3A_372 = tpu.vector_load %arg9[%get3A_371] {strides = array<i32>} : memref<1024xf32, #tpu.memory_space<vmem>>, vector<16xf32>,
      %get3A_373 = vector.shape_cast %get3A_372 : vector<16xf32> to vector<16xf32>
      %eq3A_374 = arith.constant 0 : i32
      %eq3A_375 = vector.broadcast %eq3A_374 : i32 to vector<16xi32>
      %eq3A_376 = arith.cmpi eq, %iota3A, %eq3A_375 : vector<16xi32>
      %slice3A_377 = vector.extract_strided_slice %mul3A_285 {offsets = [5], sizes = [1], strides = [1]} : vector<16xf32> to vector<1xf32>
      %squeeze3A_378 = vector.extract %slice3A_377[0] : f32 from vector<1xf32>
      %mul3A_379 = vector.broadcast %squeeze3A_378 : f32 to vector<16xf32>
      %mul3A_380 = arith.mulf %get3A_373, %mul3A_379 : vector<16xf32>
      %jit3A_381 = arith.constant 0.000000e+00 : f32
      %broadcast_in_dim3A_382 = vector.broadcast %jit3A_381 : f32 to vector<16xf32>
      %select_n3A_383 = arith.select %eq3A_376, %mul3A_380, %broadcast_in_dim3A_382 : vector<16xi1>, vector<16xf32>
      %add3A_384 = arith.addf %add3A_368, %select_n3A_383 : vector<16xf32>
      %slice3A_385 = vector.extract_strided_slice %get3A_290 {offsets = [6], sizes = [1], strides = [1]} : vector<16xi32> to vector<1xi32>
      %squeeze3A_386 = vector.extract %slice3A_385[0] : i32 from vector<1xi32>
      %get3A_387 = arith.index_cast %squeeze3A_386 : i32 to index
      %get3A_388 = tpu.vector_load %arg9[%get3A_387] {strides = array<i32>} : memref<1024xf32, #tpu.memory_space<vmem>>, vector<16xf32>,
      %get3A_389 = vector.shape_cast %get3A_388 : vector<16xf32> to vector<16xf32>
      %eq3A_390 = arith.constant 0 : i32
      %eq3A_391 = vector.broadcast %eq3A_390 : i32 to vector<16xi32>
      %eq3A_392 = arith.cmpi eq, %iota3A, %eq3A_391 : vector<16xi32>
      %slice3A_393 = vector.extract_strided_slice %mul3A_285 {offsets = [6], sizes = [1], strides = [1]} : vector<16xf32> to vector<1xf32>
      %squeeze3A_394 = vector.extract %slice3A_393[0] : f32 from vector<1xf32>
      %mul3A_395 = vector.broadcast %squeeze3A_394 : f32 to vector<16xf32>
      %mul3A_396 = arith.mulf %get3A_389, %mul3A_395 : vector<16xf32>
      %jit3A_397 = arith.constant 0.000000e+00 : f32
      %broadcast_in_dim3A_398 = vector.broadcast %jit3A_397 : f32 to vector<16xf32>
      %select_n3A_399 = arith.select %eq3A_392, %mul3A_396, %broadcast_in_dim3A_398 : vector<16xi1>, vector<16xf32>
      %add3A_400 = arith.addf %add3A_384, %select_n3A_399 : vector<16xf32>
      %slice3A_401 = vector.extract_strided_slice %get3A_290 {offsets = [7], sizes = [1], strides = [1]} : vector<16xi32> to vector<1xi32>
      %squeeze3A_402 = vector.extract %slice3A_401[0] : i32 from vector<1xi32>
      %get3A_403 = arith.index_cast %squeeze3A_402 : i32 to index
      %get3A_404 = tpu.vector_load %arg9[%get3A_403] {strides = array<i32>} : memref<1024xf32, #tpu.memory_space<vmem>>, vector<16xf32>,
      %get3A_405 = vector.shape_cast %get3A_404 : vector<16xf32> to vector<16xf32>
      %eq3A_406 = arith.constant 0 : i32
      %eq3A_407 = vector.broadcast %eq3A_406 : i32 to vector<16xi32>
      %eq3A_408 = arith.cmpi eq, %iota3A, %eq3A_407 : vector<16xi32>
      %slice3A_409 = vector.extract_strided_slice %mul3A_285 {offsets = [7], sizes = [1], strides = [1]} : vector<16xf32> to vector<1xf32>
      %squeeze3A_410 = vector.extract %slice3A_409[0] : f32 from vector<1xf32>
      %mul3A_411 = vector.broadcast %squeeze3A_410 : f32 to vector<16xf32>
      %mul3A_412 = arith.mulf %get3A_405, %mul3A_411 : vector<16xf32>
      %jit3A_413 = arith.constant 0.000000e+00 : f32
      %broadcast_in_dim3A_414 = vector.broadcast %jit3A_413 : f32 to vector<16xf32>
      %select_n3A_415 = arith.select %eq3A_408, %mul3A_412, %broadcast_in_dim3A_414 : vector<16xi1>, vector<16xf32>
      %add3A_416 = arith.addf %add3A_400, %select_n3A_415 : vector<16xf32>
      %slice3A_417 = vector.extract_strided_slice %get3A_290 {offsets = [8], sizes = [1], strides = [1]} : vector<16xi32> to vector<1xi32>
      %squeeze3A_418 = vector.extract %slice3A_417[0] : i32 from vector<1xi32>
      %get3A_419 = arith.index_cast %squeeze3A_418 : i32 to index
      %get3A_420 = tpu.vector_load %arg9[%get3A_419] {strides = array<i32>} : memref<1024xf32, #tpu.memory_space<vmem>>, vector<16xf32>,
      %get3A_421 = vector.shape_cast %get3A_420 : vector<16xf32> to vector<16xf32>
      %eq3A_422 = arith.constant 0 : i32
      %eq3A_423 = vector.broadcast %eq3A_422 : i32 to vector<16xi32>
      %eq3A_424 = arith.cmpi eq, %iota3A, %eq3A_423 : vector<16xi32>
      %slice3A_425 = vector.extract_strided_slice %mul3A_285 {offsets = [8], sizes = [1], strides = [1]} : vector<16xf32> to vector<1xf32>
      %squeeze3A_426 = vector.extract %slice3A_425[0] : f32 from vector<1xf32>
      %mul3A_427 = vector.broadcast %squeeze3A_426 : f32 to vector<16xf32>
      %mul3A_428 = arith.mulf %get3A_421, %mul3A_427 : vector<16xf32>
      %jit3A_429 = arith.constant 0.000000e+00 : f32
      %broadcast_in_dim3A_430 = vector.broadcast %jit3A_429 : f32 to vector<16xf32>
      %select_n3A_431 = arith.select %eq3A_424, %mul3A_428, %broadcast_in_dim3A_430 : vector<16xi1>, vector<16xf32>
      %add3A_432 = arith.addf %add3A_416, %select_n3A_431 : vector<16xf32>
      %slice3A_433 = vector.extract_strided_slice %get3A_290 {offsets = [9], sizes = [1], strides = [1]} : vector<16xi32> to vector<1xi32>
      %squeeze3A_434 = vector.extract %slice3A_433[0] : i32 from vector<1xi32>
      %get3A_435 = arith.index_cast %squeeze3A_434 : i32 to index
      %get3A_436 = tpu.vector_load %arg9[%get3A_435] {strides = array<i32>} : memref<1024xf32, #tpu.memory_space<vmem>>, vector<16xf32>,
      %get3A_437 = vector.shape_cast %get3A_436 : vector<16xf32> to vector<16xf32>
      %eq3A_438 = arith.constant 0 : i32
      %eq3A_439 = vector.broadcast %eq3A_438 : i32 to vector<16xi32>
      %eq3A_440 = arith.cmpi eq, %iota3A, %eq3A_439 : vector<16xi32>
      %slice3A_441 = vector.extract_strided_slice %mul3A_285 {offsets = [9], sizes = [1], strides = [1]} : vector<16xf32> to vector<1xf32>
      %squeeze3A_442 = vector.extract %slice3A_441[0] : f32 from vector<1xf32>
      %mul3A_443 = vector.broadcast %squeeze3A_442 : f32 to vector<16xf32>
      %mul3A_444 = arith.mulf %get3A_437, %mul3A_443 : vector<16xf32>
      %jit3A_445 = arith.constant 0.000000e+00 : f32
      %broadcast_in_dim3A_446 = vector.broadcast %jit3A_445 : f32 to vector<16xf32>
      %select_n3A_447 = arith.select %eq3A_440, %mul3A_444, %broadcast_in_dim3A_446 : vector<16xi1>, vector<16xf32>
      %add3A_448 = arith.addf %add3A_432, %select_n3A_447 : vector<16xf32>
      %slice3A_449 = vector.extract_strided_slice %get3A_290 {offsets = [10], sizes = [1], strides = [1]} : vector<16xi32> to vector<1xi32>
      %squeeze3A_450 = vector.extract %slice3A_449[0] : i32 from vector<1xi32>
      %get3A_451 = arith.index_cast %squeeze3A_450 : i32 to index
      %get3A_452 = tpu.vector_load %arg9[%get3A_451] {strides = array<i32>} : memref<1024xf32, #tpu.memory_space<vmem>>, vector<16xf32>,
      %get3A_453 = vector.shape_cast %get3A_452 : vector<16xf32> to vector<16xf32>
      %eq3A_454 = arith.constant 0 : i32
      %eq3A_455 = vector.broadcast %eq3A_454 : i32 to vector<16xi32>
      %eq3A_456 = arith.cmpi eq, %iota3A, %eq3A_455 : vector<16xi32>
      %slice3A_457 = vector.extract_strided_slice %mul3A_285 {offsets = [10], sizes = [1], strides = [1]} : vector<16xf32> to vector<1xf32>
      %squeeze3A_458 = vector.extract %slice3A_457[0] : f32 from vector<1xf32>
      %mul3A_459 = vector.broadcast %squeeze3A_458 : f32 to vector<16xf32>
      %mul3A_460 = arith.mulf %get3A_453, %mul3A_459 : vector<16xf32>
      %jit3A_461 = arith.constant 0.000000e+00 : f32
      %broadcast_in_dim3A_462 = vector.broadcast %jit3A_461 : f32 to vector<16xf32>
      %select_n3A_463 = arith.select %eq3A_456, %mul3A_460, %broadcast_in_dim3A_462 : vector<16xi1>, vector<16xf32>
      %add3A_464 = arith.addf %add3A_448, %select_n3A_463 : vector<16xf32>
      %slice3A_465 = vector.extract_strided_slice %get3A_290 {offsets = [11], sizes = [1], strides = [1]} : vector<16xi32> to vector<1xi32>
      %squeeze3A_466 = vector.extract %slice3A_465[0] : i32 from vector<1xi32>
      %get3A_467 = arith.index_cast %squeeze3A_466 : i32 to index
      %get3A_468 = tpu.vector_load %arg9[%get3A_467] {strides = array<i32>} : memref<1024xf32, #tpu.memory_space<vmem>>, vector<16xf32>,
      %get3A_469 = vector.shape_cast %get3A_468 : vector<16xf32> to vector<16xf32>
      %eq3A_470 = arith.constant 0 : i32
      %eq3A_471 = vector.broadcast %eq3A_470 : i32 to vector<16xi32>
      %eq3A_472 = arith.cmpi eq, %iota3A, %eq3A_471 : vector<16xi32>
      %slice3A_473 = vector.extract_strided_slice %mul3A_285 {offsets = [11], sizes = [1], strides = [1]} : vector<16xf32> to vector<1xf32>
      %squeeze3A_474 = vector.extract %slice3A_473[0] : f32 from vector<1xf32>
      %mul3A_475 = vector.broadcast %squeeze3A_474 : f32 to vector<16xf32>
      %mul3A_476 = arith.mulf %get3A_469, %mul3A_475 : vector<16xf32>
      %jit3A_477 = arith.constant 0.000000e+00 : f32
      %broadcast_in_dim3A_478 = vector.broadcast %jit3A_477 : f32 to vector<16xf32>
      %select_n3A_479 = arith.select %eq3A_472, %mul3A_476, %broadcast_in_dim3A_478 : vector<16xi1>, vector<16xf32>
      %add3A_480 = arith.addf %add3A_464, %select_n3A_479 : vector<16xf32>
      %slice3A_481 = vector.extract_strided_slice %get3A_290 {offsets = [12], sizes = [1], strides = [1]} : vector<16xi32> to vector<1xi32>
      %squeeze3A_482 = vector.extract %slice3A_481[0] : i32 from vector<1xi32>
      %get3A_483 = arith.index_cast %squeeze3A_482 : i32 to index
      %get3A_484 = tpu.vector_load %arg9[%get3A_483] {strides = array<i32>} : memref<1024xf32, #tpu.memory_space<vmem>>, vector<16xf32>,
      %get3A_485 = vector.shape_cast %get3A_484 : vector<16xf32> to vector<16xf32>
      %eq3A_486 = arith.constant 0 : i32
      %eq3A_487 = vector.broadcast %eq3A_486 : i32 to vector<16xi32>
      %eq3A_488 = arith.cmpi eq, %iota3A, %eq3A_487 : vector<16xi32>
      %slice3A_489 = vector.extract_strided_slice %mul3A_285 {offsets = [12], sizes = [1], strides = [1]} : vector<16xf32> to vector<1xf32>
      %squeeze3A_490 = vector.extract %slice3A_489[0] : f32 from vector<1xf32>
      %mul3A_491 = vector.broadcast %squeeze3A_490 : f32 to vector<16xf32>
      %mul3A_492 = arith.mulf %get3A_485, %mul3A_491 : vector<16xf32>
      %jit3A_493 = arith.constant 0.000000e+00 : f32
      %broadcast_in_dim3A_494 = vector.broadcast %jit3A_493 : f32 to vector<16xf32>
      %select_n3A_495 = arith.select %eq3A_488, %mul3A_492, %broadcast_in_dim3A_494 : vector<16xi1>, vector<16xf32>
      %add3A_496 = arith.addf %add3A_480, %select_n3A_495 : vector<16xf32>
      %slice3A_497 = vector.extract_strided_slice %get3A_290 {offsets = [13], sizes = [1], strides = [1]} : vector<16xi32> to vector<1xi32>
      %squeeze3A_498 = vector.extract %slice3A_497[0] : i32 from vector<1xi32>
      %get3A_499 = arith.index_cast %squeeze3A_498 : i32 to index
      %get3A_500 = tpu.vector_load %arg9[%get3A_499] {strides = array<i32>} : memref<1024xf32, #tpu.memory_space<vmem>>, vector<16xf32>,
      %get3A_501 = vector.shape_cast %get3A_500 : vector<16xf32> to vector<16xf32>
      %eq3A_502 = arith.constant 0 : i32
      %eq3A_503 = vector.broadcast %eq3A_502 : i32 to vector<16xi32>
      %eq3A_504 = arith.cmpi eq, %iota3A, %eq3A_503 : vector<16xi32>
      %slice3A_505 = vector.extract_strided_slice %mul3A_285 {offsets = [13], sizes = [1], strides = [1]} : vector<16xf32> to vector<1xf32>
      %squeeze3A_506 = vector.extract %slice3A_505[0] : f32 from vector<1xf32>
      %mul3A_507 = vector.broadcast %squeeze3A_506 : f32 to vector<16xf32>
      %mul3A_508 = arith.mulf %get3A_501, %mul3A_507 : vector<16xf32>
      %jit3A_509 = arith.constant 0.000000e+00 : f32
      %broadcast_in_dim3A_510 = vector.broadcast %jit3A_509 : f32 to vector<16xf32>
      %select_n3A_511 = arith.select %eq3A_504, %mul3A_508, %broadcast_in_dim3A_510 : vector<16xi1>, vector<16xf32>
      %add3A_512 = arith.addf %add3A_496, %select_n3A_511 : vector<16xf32>
      %slice3A_513 = vector.extract_strided_slice %get3A_290 {offsets = [14], sizes = [1], strides = [1]} : vector<16xi32> to vector<1xi32>
      %squeeze3A_514 = vector.extract %slice3A_513[0] : i32 from vector<1xi32>
      %get3A_515 = arith.index_cast %squeeze3A_514 : i32 to index
      %get3A_516 = tpu.vector_load %arg9[%get3A_515] {strides = array<i32>} : memref<1024xf32, #tpu.memory_space<vmem>>, vector<16xf32>,
      %get3A_517 = vector.shape_cast %get3A_516 : vector<16xf32> to vector<16xf32>
      %eq3A_518 = arith.constant 0 : i32
      %eq3A_519 = vector.broadcast %eq3A_518 : i32 to vector<16xi32>
      %eq3A_520 = arith.cmpi eq, %iota3A, %eq3A_519 : vector<16xi32>
      %slice3A_521 = vector.extract_strided_slice %mul3A_285 {offsets = [14], sizes = [1], strides = [1]} : vector<16xf32> to vector<1xf32>
      %squeeze3A_522 = vector.extract %slice3A_521[0] : f32 from vector<1xf32>
      %mul3A_523 = vector.broadcast %squeeze3A_522 : f32 to vector<16xf32>
      %mul3A_524 = arith.mulf %get3A_517, %mul3A_523 : vector<16xf32>
      %jit3A_525 = arith.constant 0.000000e+00 : f32
      %broadcast_in_dim3A_526 = vector.broadcast %jit3A_525 : f32 to vector<16xf32>
      %select_n3A_527 = arith.select %eq3A_520, %mul3A_524, %broadcast_in_dim3A_526 : vector<16xi1>, vector<16xf32>
      %add3A_528 = arith.addf %add3A_512, %select_n3A_527 : vector<16xf32>
      %slice3A_529 = vector.extract_strided_slice %get3A_290 {offsets = [15], sizes = [1], strides = [1]} : vector<16xi32> to vector<1xi32>
      %squeeze3A_530 = vector.extract %slice3A_529[0] : i32 from vector<1xi32>
      %get3A_531 = arith.index_cast %squeeze3A_530 : i32 to index
      %get3A_532 = tpu.vector_load %arg9[%get3A_531] {strides = array<i32>} : memref<1024xf32, #tpu.memory_space<vmem>>, vector<16xf32>,
      %get3A_533 = vector.shape_cast %get3A_532 : vector<16xf32> to vector<16xf32>
      %eq3A_534 = arith.constant 0 : i32
      %eq3A_535 = vector.broadcast %eq3A_534 : i32 to vector<16xi32>
      %eq3A_536 = arith.cmpi eq, %iota3A, %eq3A_535 : vector<16xi32>
      %slice3A_537 = vector.extract_strided_slice %mul3A_285 {offsets = [15], sizes = [1], strides = [1]} : vector<16xf32> to vector<1xf32>
      %squeeze3A_538 = vector.extract %slice3A_537[0] : f32 from vector<1xf32>
      %mul3A_539 = vector.broadcast %squeeze3A_538 : f32 to vector<16xf32>
      %mul3A_540 = arith.mulf %get3A_533, %mul3A_539 : vector<16xf32>
      %jit3A_541 = arith.constant 0.000000e+00 : f32
      %broadcast_in_dim3A_542 = vector.broadcast %jit3A_541 : f32 to vector<16xf32>
      %select_n3A_543 = arith.select %eq3A_536, %mul3A_540, %broadcast_in_dim3A_542 : vector<16xi1>, vector<16xf32>
      %add3A_544 = arith.addf %add3A_528, %select_n3A_543 : vector<16xf32>
      scf.yield %add3A_544 : vector<16xf32>
    }
    %scan3A_70 = arith.constant 32 : i32
    %swap3A = arith.constant 0 : index
    %swap3A_71 = tpu.vector_load %arg7[%swap3A] {strides = array<i32>} : memref<16xf32, #tpu.memory_space<vmem>>, vector<16xf32>,
    %swap3A_72 = vector.shape_cast %swap3A_71 : vector<16xf32> to vector<16xf32>
    %swap3A_73 = vector.shape_cast %scan3A_69 : vector<16xf32> to vector<16xf32>
    tpu.vector_store %arg7[%swap3A], %swap3A_73 {strides = array<i32>} : memref<16xf32, #tpu.memory_space<vmem>>, vector<16xf32>,
    %mul3A_74 = arith.constant 16 : i32
    %mul3A_75 = arith.muli %add3A, %mul3A_74 : i32
    "tpu.region"() ({
      %run_scoped3A = tpu.sem_alloc : memref<!tpu.dma_semaphore, #tpu.memory_space<semaphore_mem>>
      %dma_start3A_76 = tpu.memref_slice %arg5[%mul3A_75] : memref<512xf32, #tpu.memory_space<hbm>> -> memref<16xf32, #tpu.memory_space<hbm>>
      %dma_start3A_77 = tpu.memref_slice %arg5[%mul3A_75] : memref<512xf32, #tpu.memory_space<hbm>> -> memref<16xf32, #tpu.memory_space<hbm>>
      tpu.enqueue_dma source(%arg7 : memref<16xf32, #tpu.memory_space<vmem>>) target(%dma_start3A_77 : memref<16xf32, #tpu.memory_space<hbm>>) target_semaphore(%run_scoped3A : memref<!tpu.dma_semaphore, #tpu.memory_space<semaphore_mem>>)
      %dma_wait3A_78 = tpu.memref_slice %arg5[%mul3A_75] : memref<512xf32, #tpu.memory_space<hbm>> -> memref<16xf32, #tpu.memory_space<hbm>>
      %dma_wait3A_79 = tpu.memref_slice %arg5[%mul3A_75] : memref<512xf32, #tpu.memory_space<hbm>> -> memref<16xf32, #tpu.memory_space<hbm>>
      tpu.wait_dma2 semaphore(%run_scoped3A : memref<!tpu.dma_semaphore, #tpu.memory_space<semaphore_mem>>) src(%arg7 : memref<16xf32, #tpu.memory_space<vmem>>) dst(%dma_wait3A_79 : memref<16xf32, #tpu.memory_space<hbm>>)
      tpu.yield
    }) : () -> ()
    return
  }
}

</mosaic_0001>

<sc_bundles>
// kernel: _focal_call.3.cloned.1.call-start
scs
__scs_entry_jumppad:
0x0: {  	(pc) =	sbr.rel $0x88, $3  }
0x1: {  	(tag) =	ssettag $0x0;
	lr =	simm.s32 $0x1  }
0x2: {  	[smem:$0x3F9E] =	sst lr;
	_ =	strace $0xD0000000  }
0x3: {  	_ = 	snop  }
0x4: {  	_ = 	snop  }
0x5: {  	_ = 	snop  }
0x6: {  	_ = 	snop  }
0x7: {  	_ = 	snop  }
__scs_overlays_trampoline_lowered:
0x8: {  	[smem:$0x3FAD] =	sst s0  }
0x9: {  	[smem:$0x3FAE] =	sst s1  }
0xa: {  	[smem:$0x3FAF] =	sst s2  }
0xb: {  	[smem:$0x3FB0] =	sst s3  }
0xc: {  	[smem:$0x3FB1] =	sst s4  }
0xd: {  	[smem:$0x3FB2] =	sst s5  }
0xe: {  	[smem:$0x3FB3] =	sst s6  }
0xf: {  	[smem:$0x3FB4] =	sst s7  }
0x10: {  	[smem:$0x3FB5] =	sst s8  }
0x11: {  	[smem:$0x3FB6] =	sst s9;
	s0 =	simm.s32 @!p0 $0x0  }
0x12: {  	s1 =	sld [smem:$0x3F9C];
	s0 =	simm.s32 @p0 $0x1  }
0x13: {  	[smem:$0x3FB7] =	sst s0;
	s0 =	simm.s32 @!p1 $0x0  }
0x14: {  	s2 =	sld [smem:$0x3F9B];
	s0 =	simm.s32 @p1 $0x1  }
0x15: {  	[smem:$0x3FB8] =	sst s0;
	s0 =	simm.s32 @!p2 $0x0  }
0x16: {  	s3 =	sld [smem:$0x3FDB];
	s0 =	simm.s32 @p2 $0x1  }
0x17: {  	s4 =	simm.s32 $0x1BF5;
	[smem:$0x3FBA] =	sst s0  }
0x18: {  	s0 =	sld [smem:$0x3F9D];
	_ =	swait.ge [sflag:s4], $0x0  }
0x19: {  	s7 =	sld [smem:$0x3F9E]  }
0x1a: {  	s8 =	sadd.s32 $0xFFFFE003, lr  }
0x1b: {  	s9 =	sadd.s32 $0xFFFFFEF7, lr;
	s5 =	simm.s32 $0xFFFFFFFF;
	p2 =	slt.u32 s8, $0xFFFFF086  }
0x1c: {  	p1 =	slt.u32 s9, $0xF7A;
	s5 =	simm.s32 @!p2 $0x0  }
0x1d: {  	s5 =	simm.s32 @p1 $0x1;
	p0 =	seq.s32 s7, s2  }
0x1e: {  	s7 =	smul.u32 @!p0 $0xF7A, s2;
	p2 =	seq.s32 @!p0 s5, $0x0  }
0x1f: {  	s9 =	smul.u32 $0xF7A, s1;
	s8 =	simm.s32 @!p0 $0x1BF5;
	p2 =	por !p2, p0  }
0x20: {  	[sflag:s8] =	ssyncset.s32 @!p0 $0xFFFFF086;
	s6 =	sadd.s32 @!p0 s3, s7;
	s7 =	simm.s32 @!p0 $0x108  }
0x21: {  	s3 =	sadd.s32 s3, s9;
	s6 =	sadd.s32 @!p0 $0x88, s6;
	s7 =	simm.s32 @p2 $0x1082  }
0x22: {  	[simem:s7], [sflag:s8] =	dma.local @!p0 [hbm:s6], $0xF7A  }
0x23: {  	s9 =	sor.u32 $0xD0000000, s2;
	s6 =	simm.s32 $0x108;
	_ =	swait.ge @!p0 [sflag:s8], $0x0  }
0x24: {  	s3 =	sadd.s32 $0x88, s3;
	s6 =	simm.s32 @!p1 $0x1082;
	[sflag:s4] =	ssyncset.s32 $0xFFFFF086  }
0x25: {  	[simem:s6], [sflag:s4] =	dma.local [hbm:s3], $0xF7A  }
0x26: {  	[smem:$0x3F9E] =	sst s1;
	(tag) =	ssettag s2;
	_ =	strace s9  }
0x27: {  	s1 =	sld [smem:$0x3FAE]  }
0x28: {  	s2 =	sld [smem:$0x3FAF]  }
0x29: {  	s4 =	sld [smem:$0x3FB1]  }
0x2a: {  	p0 =	seq.s32 s5, $0x0;
	s5 =	sld [smem:$0x3FB2]  }
0x2b: {  	s6 =	sld [smem:$0x3FB3]  }
0x2c: {  	s7 =	sld [smem:$0x3FB4]  }
0x2d: {  	s3 =	simm.s32 $0x108;
	s8 =	sld [smem:$0x3FB5]  }
0x2e: {  	s3 =	simm.s32 @!p0 $0x1082;
	s9 =	sld [smem:$0x3FB6]  }
0x2f: {  	lr =	sadd.s32 s0, s3;
	s0 =	sld [smem:$0x3FAD]  }
0x30: {  	s3 =	sld [smem:$0x3FB0]  }
0x31: {  	[smem:$0x3FB9] =	sst s10  }
0x32: {  	s10 =	sld [smem:$0x3FB7];
	_ =	sdelay $0x3  }
0x33: {  	p0 =	seq.s32 s10, $0x1;
	s10 =	sld [smem:$0x3FB9];
	_ =	sdelay $0x3  }
0x34: {  	[smem:$0x3FB9] =	sst s10  }
0x35: {  	s10 =	sld [smem:$0x3FB8];
	_ =	sdelay $0x3  }
0x36: {  	p1 =	seq.s32 s10, $0x1;
	s10 =	sld [smem:$0x3FB9];
	_ =	sdelay $0x3  }
0x37: {  	[smem:$0x3FB9] =	sst s10  }
0x38: {  	s10 =	sld [smem:$0x3FBA]  }
0x39: {  	_ = 	snop;
	(pc) =	sbr.ind lr, $3  }
0x3a: {  	_ = 	snop  }
0x3b: {  	_ = 	snop  }
0x3c: {  	p2 =	seq.s32 s10, $0x1;
	s10 =	sld [smem:$0x3FB9]  }
0x3d: {  	_ =	shalt  }
0x3e: {  	_ =	shalt  }
0x3f: {  	_ =	shalt  }
0x40: {  	_ =	shalt  }
0x41: {  	_ =	shalt  }
0x42: {  	_ =	shalt  }
0x43: {  	_ =	shalt  }
0x44: {  	_ =	shalt  }
0x45: {  	_ =	shalt  }
0x46: {  	_ =	shalt  }
0x47: {  	_ =	shalt  }
0x48: {  	_ =	shalt  }
0x49: {  	_ =	shalt  }
0x4a: {  	_ =	shalt  }
0x4b: {  	_ =	shalt  }
0x4c: {  	_ =	shalt  }
0x4d: {  	_ =	shalt  }
0x4e: {  	_ =	shalt  }
0x4f: {  	_ =	shalt  }
0x50: {  	_ =	shalt  }
0x51: {  	_ =	shalt  }
0x52: {  	_ =	shalt  }
0x53: {  	_ =	shalt  }
0x54: {  	_ =	shalt  }
0x55: {  	_ =	shalt  }
0x56: {  	_ =	shalt  }
0x57: {  	_ =	shalt  }
0x58: {  	_ =	shalt  }
0x59: {  	_ =	shalt  }
0x5a: {  	_ =	shalt  }
0x5b: {  	_ =	shalt  }
0x5c: {  	_ =	shalt  }
0x5d: {  	_ =	shalt  }
0x5e: {  	_ =	shalt  }
0x5f: {  	_ =	shalt  }
0x60: {  	_ =	shalt  }
0x61: {  	_ =	shalt  }
0x62: {  	_ =	shalt  }
0x63: {  	_ =	shalt  }
0x64: {  	_ =	shalt  }
0x65: {  	_ =	shalt  }
0x66: {  	_ =	shalt  }
0x67: {  	_ =	shalt  }
0x68: {  	_ =	shalt  }
0x69: {  	_ =	shalt  }
0x6a: {  	_ =	shalt  }
0x6b: {  	_ =	shalt  }
0x6c: {  	_ =	shalt  }
0x6d: {  	_ =	shalt  }
0x6e: {  	_ =	shalt  }
0x6f: {  	_ =	shalt  }
0x70: {  	_ =	shalt  }
0x71: {  	_ =	shalt  }
0x72: {  	_ =	shalt  }
0x73: {  	_ =	shalt  }
0x74: {  	_ =	shalt  }
0x75: {  	_ =	shalt  }
0x76: {  	_ =	shalt  }
0x77: {  	_ =	shalt  }
0x78: {  	_ =	shalt  }
0x79: {  	_ =	shalt  }
0x7a: {  	_ =	shalt  }
0x7b: {  	_ =	shalt  }
0x7c: {  	_ =	shalt  }
0x7d: {  	_ =	shalt  }
0x7e: {  	_ =	shalt  }
0x7f: {  	_ =	shalt  }
0x80: {  	_ =	shalt  }
0x81: {  	_ =	shalt  }
0x82: {  	_ =	shalt  }
0x83: {  	_ =	shalt  }
0x84: {  	_ =	shalt  }
0x85: {  	_ =	shalt  }
0x86: {  	_ =	shalt  }
0x87: {  	_ =	shalt  }
.Lfunc_end0:
.L_simem_size_0:
called_computation_lowered:
.L_overlay_start_0:
0x88: {  	s2 =	sld [smem:$0x3FD9]  }
0x89: {  	s3 =	sld [smem:$0x3FFE];
	_ =	sdelay $0x1  }
0x8a: {  	s1 =	srdreg.scid  }
0x8b: {  	s0 =	sand.u32 $0x1, s1  }
0x8c: {  	s17 =	sshll.u32 s0, $0xA;
	s2 =	sadd.s32 s3, s2  }
0x8d: {  	s2 =	sadd.s32 s2, s17  }
0x8e: {  	[smem:$0x3FC5] =	sst s2  }
0x8f: {  	_ = 	snop  }
0x90: {  	s2 =	sld [smem:$0x3FC9]  }
0x91: {  	s18 =	sld [smem:$0x3FC8]  }
0x92: {  	s4 =	sld [smem:$0x3FC7];
	(tm) =	ssettm $0x1  }
0x93: {  	s5 =	sld [smem:$0x3FFB];
	_ =	sdelay $0x3  }
0x94: {  	_ =	strace s5  }
0x95: {  	s5 =	sld [smem:$0x3FFC];
	_ =	sdelay $0x3  }
0x96: {  	_ =	strace s5  }
0x97: {  	s5 =	sld [smem:$0x3FFD];
	_ =	sdelay $0x3  }
0x98: {  	_ =	strace s5  }
0x99: {  	_ =	strace $0x8FFFFFFF  }
0x9a: {  	s19 =	sld [smem:$0x3FDB];
	_ =	sdelay $0x1  }
0x9b: {  	s6 =	simm.s32 $_scs_section_size  }
0x9c: {  	s7 =	simm.s32 $_size__tile_overlayer_lowered;
	s8 =	simm.s32 $_tile_overlayer_lowered  }
0x9d: {  	s22 =	simm.s32 $0x1BFF;
	s21 =	sshll.u32 s8, $0x1;
	s5 =	sadd.s32 s6, s19  }
0x9e: {  	s9 =	simm.s32 $0x0;
	s20 =	sshll.u32 s7, $0x1;
	s7 =	sadd.s32 s21, s5  }
0x9f: {  	[timem:s9], [sflag:s22] =	dma.local [hbm:s7], s20  }
0xa0: {  	_ =	swait.ge [sflag:s22], s20  }
0xa1: {  	s6 =	ssub.s32 $0x0, s20;
	[sflag:s22] =	ssyncset.done $0x0  }
0xa2: {  	[sflag:s22] =	ssyncadd.s32 s6;
	_ =	sdelay $0x1  }
0xa3: {  	s23 =	simm.s32 $0x1B8B  }
0xa4: {  	_ =	swait.ge [sflag:s23], $0x1  }
0xa5: {  	[sflag:s23] =	ssyncset.done $0x0  }
0xa6: {  	s25 =	simm.s32 $0x1B8E;
	s24 =	sld [smem:$0x3FFE];
	[sflag:s23] =	ssyncadd.s32 $0xFFFFFFFF  }
0xa7: {  	s26 =	simm.s32 $execute0_lowered;
	[smem:$0x3FD2] =	sst s25  }
0xa8: {  	s7 =	sshll.u32 s26, $0x1;
	_ =	strace $0x80000046;
	[dreg:$0x1] =	wrdreg $0xFFFFFFFF  }
0xa9: {  	s28 =	simm.s32 $_size_execute0_lowered;
	s5 =	sadd.s32 s5, s7;
	[dreg:$0x0] =	wrdreg $0x0  }
0xaa: {  	s7 =	sshll.u32 s28, $0x1;
	[dreg:$0x2] =	wrdreg s5  }
0xab: {  	[dreg:$0x3] =	wrdreg s7  }
0xac: {  	[dreg:$0x4] =	wrdreg $0xC0  }
0xad: {  	_ =	task [dreg:s9], $0x5FFFF  }
0xae: {  	[dreg:$0x1] =	wrdreg $0xFFFFFFFF  }
0xaf: {  	[dreg:$0x0] =	wrdreg $0x60  }
0xb0: {  	[dreg:$0x2] =	wrdreg s2  }
0xb1: {  	[dreg:$0x3] =	wrdreg s18  }
0xb2: {  	[dreg:$0x4] =	wrdreg s4  }
0xb3: {  	[dreg:$0x5] =	wrdreg s24  }
0xb4: {  	[dreg:$0x6] =	wrdreg $0x9  }
0xb5: {  	_ =	task.clear_ibuf [dreg:s9], $0x7FFFF;
	_ =	strace $0x90000046  }
0xb6: {  	s29 =	simm.s32 $0x9;
	_ =	strace $0x80000048  }
0xb7: {  	_ =	swait.ge [sflag:s29], $0x1  }
0xb8: {  	[sflag:s29] =	ssyncadd.s32 $0xFFFFFFFF  }
0xb9: {  	_ =	strace $0x90000048  }
0xba: {  	_ =	sfence  }
0xbb: {  	s30 =	sld [smem:$0x0];
	_ =	sdelay $0x2  }
0xbc: {  	s31 =	sshll.u32 s1, $0xD;
	s1 =	sshrl.u32 s1, $0x2  }
0xbd: {  	s3 =	sand.u32 $0x4000, s31;
	s1 =	sadd.s32 s1, s30  }
0xbe: {  	s0 =	sor.u32 s3, s0;
	s1 =	sshll.u32 s1, $0x11  }
0xbf: {  	s0 =	sor.u32 s1, s0  }
0xc0: {  	s0 =	sadd.s32 $0x8F2B, s0  }
0xc1: {  	[sflag:s0] =	ssyncadd.remote.s32 $0x1  }
0xc2: {  	_ =	sfence.sel $0xFFFF  }
0xc3: {  	[dreg:$0x0] =	wrdreg $0xFFFFFFFF;
	(pc) =	sbr.abs _section_cstart, $3  }
0xc4: {  	[dreg:$0x1] =	wrdreg $0xFFFFFFFF  }
0xc5: {  	_ =	task.clear_ibuf [dreg:s9], $0x2FFFF;
	_ =	strace $0x9FFFFFFF  }
0xc6: {  	(tm) =	ssettm $0x7FFFFFFF  }
0xc7: {  	_ =	shalt  }
tec
execute0_lowered:
.L_overlay_start_1:
0x0: {  	(tag) =	ssettag $0x1  }
0x1: {  	s0 =	rddreg [dreg:$0x0]  }
0x2: {  	s1 =	rddreg [dreg:$0x1]  }
0x3: {  	s2 =	rddreg [dreg:$0x3];
	s4 =	srdreg.scid  }
0x4: {  	s5 =	stileid.u32;
	s3 =	simm.s32 $0x0;
	s11 =	simm.s32 $0x5  }
0x5: {  	v0 =	vimm.s32 $0x7;
	v2 =	vlaneseq.u32;
	v1 =	vimm.s32 $0x0;
	s28 =	simm.s32 $0x2;
	s29 =	simm.s32 $0x1;
	s13 =	simm.s32 $0xFF00  }
0x6: {  	vm0 =	vmmov $0x1;
	v3 =	vimm.s32 $0x1;
	v4 =	vimm.s32 $0x2;
	s14 =	simm.s32 $0xFE00;
	s15 =	simm.s32 $0xFE80;
	s16 =	simm.s32 $0xFD80  }
0x7: {  	v5 =	vimm.s32 $0x3;
	v6 =	vimm.s32 $0x4;
	v7 =	vimm.s32 $0x5;
	s17 =	simm.s32 $0xFD00;
	s18 =	simm.s32 $0xFC80;
	s19 =	simm.s32 $0xFA80  }
0x8: {  	v8 =	vimm.s32 $0x6;
	v9 =	vimm.s32 $0x8;
	v10 =	vimm.s32 $0x9;
	s20 =	simm.s32 $0xFB00;
	s21 =	simm.s32 $0xFB80;
	s22 =	simm.s32 $0x4  }
0x9: {  	v11 =	vimm.s32 $0xA;
	v12 =	vimm.s32 $0xB;
	v13 =	vimm.s32 $0xC;
	s23 =	simm.s32 $0x200;
	s4 =	sand.u32 $0x1, s4;
	s5 =	sshll.u32 s5, $0x1  }
0xa: {  	v14 =	vimm.s32 $0xD;
	v15 =	vimm.s32 $0xE;
	v16 =	vimm.s32 $0xF;
	s24 =	simm.s32 $0x0;
	[smem:$0x7FF] =	sst s3;
	s9 =	sor.u32 s4, s5  }
0xb: {  	vm1 =	vmmov $0x3;
	vm2 =	vmmov $0x7;
	vm3 =	vmmov $0xf;
	_ =	strace $0x80000047;
	s25 =	ssub.s32 $0x2, s4;
	s26 =	sshll.u32 s9, $0x9  }
0xc: {  	vm4 =	vmmov $0x1f;
	vm5 =	vmmov $0x3f;
	vm6 =	vmmov $0x7f;
	s6 =	sshrl.u32 s25, $0x1;
	s7 =	sshll.u32 s9, $0x6;
	s31 =	sshll.u32 s9, $0x1  }
0xd: {  	vm7 =	vmmov $0xff;
	vm8 =	vmmov $0x1ff;
	vm9 =	vmmov $0x3ff;
	s4 =	sadd.s32 s0, s26;
	s30 =	ssub.s32 s25, s6;
	s5 =	sadd.s32 s1, s7  }
0xe: {  	vm10 =	vmmov $0x7ff;
	vm11 =	vmmov $0xfff;
	vm12 =	vmmov $0x1fff;
	s9 =	sadd.s32 s2, s31;
	s25 =	simm.s32 $0x3;
	s6 =	sadd.s32 $0x80, s4  }
0xf: {  	vm13 =	vmmov $0x3fff;
	vm14 =	vmmov $0x7fff;
	v2 =	vmul.u32 $0x8, v2;
	s7 =	sadd.s32 $0x100, s4;
	s8 =	sadd.s32 $0x180, s4;
	s10 =	smax.u32 s30, $0x1  }
.LBB2_1:
0x10: {  	[tilespmem:s3], [sflag:$0x5] =	stream.linear.gather [hbm4b:s5+s3], $0x200, $0x38;
	[tilespmem:$0x10680] =	vst v63  }
0x11: {  	_ =	swait.ge [sflag:s11], $0x200  }
0x12: {  	[sflag:s11] =	ssyncset.done $0x0  }
0x13: {  	[sflag:s11] =	ssyncadd.s32 $0xFFFFFE00  }
0x14: {  	s1 =	simm.s32 $0x10280;
	s0 =	rddreg [dreg:$0x2]  }
0x15: {  	[tilespmem:s1], [sflag:$0x5] =	stream.linear.gather [hbm4b:s0+s3], $0x3E8, $0x38;
	[tilespmem:$0x10680] =	vst v63  }
0x16: {  	_ =	swait.ge [sflag:s11], $0x3E8  }
0x17: {  	[sflag:s11] =	ssyncset.done $0x0  }
0x18: {  	[sflag:s11] =	ssyncadd.s32 $0xFFFFFC18  }
0x19: {  	v17 =	vld [tilespmem:$0x0];
	_ =	sdelay $0x4  }
0x1a: {  	v18 =	vshll.u32 v17, $0x7  }
0x1b: {  	v17 =	vand.u32 $0x7, v17;
	v18 =	vand.u32 $0xFFFFFC00, v18  }
0x1c: {  	v17 =	vor.u32 v17, v18  }
0x1d: {  	v18 =	vperm.xlane v17, v1;
	_ =	sdelay $0x1  }
0x1e: {  	v19 =	vperm.xlane v17, v3;
	v18 =	vadd.s32 v2, v18;
	_ =	sdelay $0x1  }
0x1f: {  	v20 =	vperm.xlane v17, v4;
	v19 =	vadd.s32 v2, v19;
	_ =	sdelay $0x1  }
0x20: {  	s1 =	simm.s32 $0x280;
	v21 =	vperm.xlane v17, v5;
	v20 =	vadd.s32 v2, v20  }
0x21: {  	[tilespmem:s1], [sflag:$0x1] =	stream.indirect_vreg.gather [hbm4b:s4+s3], $0x80, v18, vm0, $0xb8;
	[tilespmem:$0x10680] =	vst v63  }
0x22: {  	s2 =	simm.s32 $0x300;
	v18 =	vadd.s32 v2, v21;
	v21 =	vperm.xlane v17, v6  }
0x23: {  	[tilespmem:s2], [sflag:$0x1] =	stream.indirect_vreg.gather [hbm4b:s4+s3], $0x80, v19, vm0, $0xb8;
	[tilespmem:$0x10680] =	vst v63  }
0x24: {  	s12 =	simm.s32 $0x380;
	v19 =	vadd.s32 v2, v21;
	v21 =	vperm.xlane v17, v7  }
0x25: {  	[tilespmem:s12], [sflag:$0x1] =	stream.indirect_vreg.gather [hbm4b:s4+s3], $0x80, v20, vm0, $0xb8;
	[tilespmem:$0x10680] =	vst v63  }
0x26: {  	s26 =	simm.s32 $0x400;
	v20 =	vadd.s32 v2, v21;
	v21 =	vperm.xlane v17, v8  }
0x27: {  	[tilespmem:s26], [sflag:$0x1] =	stream.indirect_vreg.gather [hbm4b:s4+s3], $0x80, v18, vm0, $0xb8;
	[tilespmem:$0x10680] =	vst v63  }
0x28: {  	s1 =	simm.s32 $0x480;
	v18 =	vadd.s32 v2, v21;
	v21 =	vperm.xlane v17, v0  }
0x29: {  	[tilespmem:s1], [sflag:$0x1] =	stream.indirect_vreg.gather [hbm4b:s4+s3], $0x80, v19, vm0, $0xb8;
	[tilespmem:$0x10680] =	vst v63  }
0x2a: {  	s2 =	simm.s32 $0x500;
	v19 =	vadd.s32 v2, v21;
	v21 =	vperm.xlane v17, v9  }
0x2b: {  	[tilespmem:s2], [sflag:$0x1] =	stream.indirect_vreg.gather [hbm4b:s4+s3], $0x80, v20, vm0, $0xb8;
	[tilespmem:$0x10680] =	vst v63  }
0x2c: {  	s12 =	simm.s32 $0x580;
	v20 =	vadd.s32 v2, v21;
	v21 =	vperm.xlane v17, v10  }
0x2d: {  	[tilespmem:s12], [sflag:$0x1] =	stream.indirect_vreg.gather [hbm4b:s4+s3], $0x80, v18, vm0, $0xb8;
	[tilespmem:$0x10680] =	vst v63  }
0x2e: {  	s26 =	simm.s32 $0x600;
	v18 =	vadd.s32 v2, v21;
	v21 =	vperm.xlane v17, v11  }
0x2f: {  	[tilespmem:s26], [sflag:$0x1] =	stream.indirect_vreg.gather [hbm4b:s4+s3], $0x80, v19, vm0, $0xb8;
	[tilespmem:$0x10680] =	vst v63  }
0x30: {  	s1 =	simm.s32 $0x680;
	v19 =	vadd.s32 v2, v21;
	v21 =	vperm.xlane v17, v12  }
0x31: {  	[tilespmem:s1], [sflag:$0x1] =	stream.indirect_vreg.gather [hbm4b:s4+s3], $0x80, v20, vm0, $0xb8;
	[tilespmem:$0x10680] =	vst v63  }
0x32: {  	s2 =	simm.s32 $0x700;
	v20 =	vadd.s32 v2, v21;
	v21 =	vperm.xlane v17, v13  }
0x33: {  	[tilespmem:s2], [sflag:$0x1] =	stream.indirect_vreg.gather [hbm4b:s4+s3], $0x80, v18, vm0, $0xb8;
	[tilespmem:$0x10680] =	vst v63  }
0x34: {  	s12 =	simm.s32 $0x780;
	v18 =	vadd.s32 v2, v21;
	v21 =	vperm.xlane v17, v14  }
0x35: {  	[tilespmem:s12], [sflag:$0x1] =	stream.indirect_vreg.gather [hbm4b:s4+s3], $0x80, v19, vm0, $0xb8;
	[tilespmem:$0x10680] =	vst v63  }
0x36: {  	s26 =	simm.s32 $0x800;
	v19 =	vadd.s32 v2, v21;
	v21 =	vperm.xlane v17, v15  }
0x37: {  	[tilespmem:s26], [sflag:$0x1] =	stream.indirect_vreg.gather [hbm4b:s4+s3], $0x80, v20, vm0, $0xb8;
	[tilespmem:$0x10680] =	vst v63  }
0x38: {  	s1 =	simm.s32 $0x880;
	v17 =	vperm.xlane v17, v16;
	v20 =	vadd.s32 v2, v21  }
0x39: {  	[tilespmem:s1], [sflag:$0x1] =	stream.indirect_vreg.gather [hbm4b:s4+s3], $0x80, v18, vm0, $0xb8;
	[tilespmem:$0x10680] =	vst v63  }
0x3a: {  	s2 =	simm.s32 $0x900;
	v17 =	vadd.s32 v2, v17  }
0x3b: {  	[tilespmem:s2], [sflag:$0x1] =	stream.indirect_vreg.gather [hbm4b:s4+s3], $0x80, v19, vm0, $0xb8;
	[tilespmem:$0x10680] =	vst v63  }
0x3c: {  	s12 =	simm.s32 $0x980  }
0x3d: {  	[tilespmem:s12], [sflag:$0x1] =	stream.indirect_vreg.gather [hbm4b:s4+s3], $0x80, v20, vm0, $0xb8;
	[tilespmem:$0x10680] =	vst v63  }
0x3e: {  	s26 =	simm.s32 $0xA00  }
0x3f: {  	[tilespmem:s26], [sflag:$0x1] =	stream.indirect_vreg.gather [hbm4b:s4+s3], $0x80, v17, vm0, $0xb8;
	[tilespmem:$0x10680] =	vst v63  }
0x40: {  	v17 =	vld [tilespmem:$0x10];
	_ =	sdelay $0x4  }
0x41: {  	v18 =	vshll.u32 v17, $0x7  }
0x42: {  	v17 =	vand.u32 $0x7, v17;
	v18 =	vand.u32 $0xFFFFFC00, v18  }
0x43: {  	v17 =	vor.u32 v17, v18  }
0x44: {  	v18 =	vperm.xlane v17, v1;
	_ =	sdelay $0x1  }
0x45: {  	v19 =	vperm.xlane v17, v3;
	v18 =	vadd.s32 v2, v18;
	_ =	sdelay $0x1  }
0x46: {  	v20 =	vperm.xlane v17, v4;
	v19 =	vadd.s32 v2, v19;
	_ =	sdelay $0x1  }
0x47: {  	s1 =	simm.s32 $0xA80;
	v21 =	vperm.xlane v17, v5;
	v20 =	vadd.s32 v2, v20  }
0x48: {  	[tilespmem:s1], [sflag:$0x1] =	stream.indirect_vreg.gather [hbm4b:s4+s3], $0x80, v18, vm0, $0xb8;
	[tilespmem:$0x10680] =	vst v63  }
0x49: {  	s2 =	simm.s32 $0xB00;
	v18 =	vadd.s32 v2, v21;
	v21 =	vperm.xlane v17, v6  }
0x4a: {  	[tilespmem:s2], [sflag:$0x1] =	stream.indirect_vreg.gather [hbm4b:s4+s3], $0x80, v19, vm0, $0xb8;
	[tilespmem:$0x10680] =	vst v63  }
0x4b: {  	s12 =	simm.s32 $0xB80;
	v19 =	vadd.s32 v2, v21;
	v21 =	vperm.xlane v17, v7  }
0x4c: {  	[tilespmem:s12], [sflag:$0x1] =	stream.indirect_vreg.gather [hbm4b:s4+s3], $0x80, v20, vm0, $0xb8;
	[tilespmem:$0x10680] =	vst v63  }
0x4d: {  	s26 =	simm.s32 $0xC00;
	v20 =	vadd.s32 v2, v21;
	v21 =	vperm.xlane v17, v8  }
0x4e: {  	[tilespmem:s26], [sflag:$0x1] =	stream.indirect_vreg.gather [hbm4b:s4+s3], $0x80, v18, vm0, $0xb8;
	[tilespmem:$0x10680] =	vst v63  }
0x4f: {  	s1 =	simm.s32 $0xC80;
	v18 =	vadd.s32 v2, v21;
	v21 =	vperm.xlane v17, v0  }
0x50: {  	[tilespmem:s1], [sflag:$0x1] =	stream.indirect_vreg.gather [hbm4b:s4+s3], $0x80, v19, vm0, $0xb8;
	[tilespmem:$0x10680] =	vst v63  }
0x51: {  	s2 =	simm.s32 $0xD00;
	v19 =	vadd.s32 v2, v21;
	v21 =	vperm.xlane v17, v9  }
0x52: {  	[tilespmem:s2], [sflag:$0x1] =	stream.indirect_vreg.gather [hbm4b:s4+s3], $0x80, v20, vm0, $0xb8;
	[tilespmem:$0x10680] =	vst v63  }
0x53: {  	s12 =	simm.s32 $0xD80;
	v20 =	vadd.s32 v2, v21;
	v21 =	vperm.xlane v17, v10  }
0x54: {  	[tilespmem:s12], [sflag:$0x1] =	stream.indirect_vreg.gather [hbm4b:s4+s3], $0x80, v18, vm0, $0xb8;
	[tilespmem:$0x10680] =	vst v63  }
0x55: {  	s26 =	simm.s32 $0xE00;
	v18 =	vadd.s32 v2, v21;
	v21 =	vperm.xlane v17, v11  }
0x56: {  	[tilespmem:s26], [sflag:$0x1] =	stream.indirect_vreg.gather [hbm4b:s4+s3], $0x80, v19, vm0, $0xb8;
	[tilespmem:$0x10680] =	vst v63  }
0x57: {  	s1 =	simm.s32 $0xE80;
	v19 =	vadd.s32 v2, v21;
	v21 =	vperm.xlane v17, v12  }
0x58: {  	[tilespmem:s1], [sflag:$0x1] =	stream.indirect_vreg.gather [hbm4b:s4+s3], $0x80, v20, vm0, $0xb8;
	[tilespmem:$0x10680] =	vst v63  }
0x59: {  	s2 =	simm.s32 $0xF00;
	v20 =	vadd.s32 v2, v21;
	v21 =	vperm.xlane v17, v13  }
0x5a: {  	[tilespmem:s2], [sflag:$0x1] =	stream.indirect_vreg.gather [hbm4b:s4+s3], $0x80, v18, vm0, $0xb8;
	[tilespmem:$0x10680] =	vst v63  }
0x5b: {  	s12 =	simm.s32 $0xF80;
	v18 =	vadd.s32 v2, v21;
	v21 =	vperm.xlane v17, v14  }
0x5c: {  	[tilespmem:s12], [sflag:$0x1] =	stream.indirect_vreg.gather [hbm4b:s4+s3], $0x80, v19, vm0, $0xb8;
	[tilespmem:$0x10680] =	vst v63  }
0x5d: {  	s26 =	simm.s32 $0x1000;
	v19 =	vadd.s32 v2, v21;
	v21 =	vperm.xlane v17, v15  }
0x5e: {  	[tilespmem:s26], [sflag:$0x1] =	stream.indirect_vreg.gather [hbm4b:s4+s3], $0x80, v20, vm0, $0xb8;
	[tilespmem:$0x10680] =	vst v63  }
0x5f: {  	s1 =	simm.s32 $0x1080;
	v17 =	vperm.xlane v17, v16;
	v20 =	vadd.s32 v2, v21  }
0x60: {  	[tilespmem:s1], [sflag:$0x1] =	stream.indirect_vreg.gather [hbm4b:s4+s3], $0x80, v18, vm0, $0xb8;
	[tilespmem:$0x10680] =	vst v63  }
0x61: {  	s2 =	simm.s32 $0x1100;
	v17 =	vadd.s32 v2, v17  }
0x62: {  	[tilespmem:s2], [sflag:$0x1] =	stream.indirect_vreg.gather [hbm4b:s4+s3], $0x80, v19, vm0, $0xb8;
	[tilespmem:$0x10680] =	vst v63  }
0x63: {  	s12 =	simm.s32 $0x1180  }
0x64: {  	[tilespmem:s12], [sflag:$0x1] =	stream.indirect_vreg.gather [hbm4b:s4+s3], $0x80, v20, vm0, $0xb8;
	[tilespmem:$0x10680] =	vst v63  }
0x65: {  	s26 =	simm.s32 $0x1200  }
0x66: {  	[tilespmem:s26], [sflag:$0x1] =	stream.indirect_vreg.gather [hbm4b:s4+s3], $0x80, v17, vm0, $0xb8;
	[tilespmem:$0x10680] =	vst v63  }
0x67: {  	v17 =	vld [tilespmem:$0x20];
	_ =	sdelay $0x4  }
0x68: {  	v18 =	vshll.u32 v17, $0x7  }
0x69: {  	v17 =	vand.u32 $0x7, v17;
	v18 =	vand.u32 $0xFFFFFC00, v18  }
0x6a: {  	v17 =	vor.u32 v17, v18  }
0x6b: {  	v18 =	vperm.xlane v17, v1;
	_ =	sdelay $0x1  }
0x6c: {  	v19 =	vperm.xlane v17, v3;
	v18 =	vadd.s32 v2, v18;
	_ =	sdelay $0x1  }
0x6d: {  	v20 =	vperm.xlane v17, v4;
	v19 =	vadd.s32 v2, v19;
	_ =	sdelay $0x1  }
0x6e: {  	s1 =	simm.s32 $0x1280;
	v21 =	vperm.xlane v17, v5;
	v20 =	vadd.s32 v2, v20  }
0x6f: {  	[tilespmem:s1], [sflag:$0x1] =	stream.indirect_vreg.gather [hbm4b:s4+s3], $0x80, v18, vm0, $0xb8;
	[tilespmem:$0x10680] =	vst v63  }
0x70: {  	s2 =	simm.s32 $0x1300;
	v18 =	vadd.s32 v2, v21;
	v21 =	vperm.xlane v17, v6  }
0x71: {  	[tilespmem:s2], [sflag:$0x1] =	stream.indirect_vreg.gather [hbm4b:s4+s3], $0x80, v19, vm0, $0xb8;
	[tilespmem:$0x10680] =	vst v63  }
0x72: {  	s12 =	simm.s32 $0x1380;
	v19 =	vadd.s32 v2, v21;
	v21 =	vperm.xlane v17, v7  }
0x73: {  	[tilespmem:s12], [sflag:$0x1] =	stream.indirect_vreg.gather [hbm4b:s4+s3], $0x80, v20, vm0, $0xb8;
	[tilespmem:$0x10680] =	vst v63  }
0x74: {  	s26 =	simm.s32 $0x1400;
	v20 =	vadd.s32 v2, v21;
	v21 =	vperm.xlane v17, v8  }
0x75: {  	[tilespmem:s26], [sflag:$0x1] =	stream.indirect_vreg.gather [hbm4b:s4+s3], $0x80, v18, vm0, $0xb8;
	[tilespmem:$0x10680] =	vst v63  }
0x76: {  	s1 =	simm.s32 $0x1480;
	v18 =	vadd.s32 v2, v21;
	v21 =	vperm.xlane v17, v0  }
0x77: {  	[tilespmem:s1], [sflag:$0x1] =	stream.indirect_vreg.gather [hbm4b:s4+s3], $0x80, v19, vm0, $0xb8;
	[tilespmem:$0x10680] =	vst v63  }
0x78: {  	s2 =	simm.s32 $0x1500;
	v19 =	vadd.s32 v2, v21;
	v21 =	vperm.xlane v17, v9  }
0x79: {  	[tilespmem:s2], [sflag:$0x1] =	stream.indirect_vreg.gather [hbm4b:s4+s3], $0x80, v20, vm0, $0xb8;
	[tilespmem:$0x10680] =	vst v63  }
0x7a: {  	s12 =	simm.s32 $0x1580;
	v20 =	vadd.s32 v2, v21;
	v21 =	vperm.xlane v17, v10  }
0x7b: {  	[tilespmem:s12], [sflag:$0x1] =	stream.indirect_vreg.gather [hbm4b:s4+s3], $0x80, v18, vm0, $0xb8;
	[tilespmem:$0x10680] =	vst v63  }
0x7c: {  	s26 =	simm.s32 $0x1600;
	v18 =	vadd.s32 v2, v21;
	v21 =	vperm.xlane v17, v11  }
0x7d: {  	[tilespmem:s26], [sflag:$0x1] =	stream.indirect_vreg.gather [hbm4b:s4+s3], $0x80, v19, vm0, $0xb8;
	[tilespmem:$0x10680] =	vst v63  }
0x7e: {  	s1 =	simm.s32 $0x1680;
	v19 =	vadd.s32 v2, v21;
	v21 =	vperm.xlane v17, v12  }
0x7f: {  	[tilespmem:s1], [sflag:$0x1] =	stream.indirect_vreg.gather [hbm4b:s4+s3], $0x80, v20, vm0, $0xb8;
	[tilespmem:$0x10680] =	vst v63  }
0x80: {  	s2 =	simm.s32 $0x1700;
	v20 =	vadd.s32 v2, v21;
	v21 =	vperm.xlane v17, v13  }
0x81: {  	[tilespmem:s2], [sflag:$0x1] =	stream.indirect_vreg.gather [hbm4b:s4+s3], $0x80, v18, vm0, $0xb8;
	[tilespmem:$0x10680] =	vst v63  }
0x82: {  	s12 =	simm.s32 $0x1780;
	v18 =	vadd.s32 v2, v21;
	v21 =	vperm.xlane v17, v14  }
0x83: {  	[tilespmem:s12], [sflag:$0x1] =	stream.indirect_vreg.gather [hbm4b:s4+s3], $0x80, v19, vm0, $0xb8;
	[tilespmem:$0x10680] =	vst v63  }
0x84: {  	s26 =	simm.s32 $0x1800;
	v19 =	vadd.s32 v2, v21;
	v21 =	vperm.xlane v17, v15  }
0x85: {  	[tilespmem:s26], [sflag:$0x1] =	stream.indirect_vreg.gather [hbm4b:s4+s3], $0x80, v20, vm0, $0xb8;
	[tilespmem:$0x10680] =	vst v63  }
0x86: {  	s1 =	simm.s32 $0x1880;
	v17 =	vperm.xlane v17, v16;
	v20 =	vadd.s32 v2, v21  }
0x87: {  	[tilespmem:s1], [sflag:$0x1] =	stream.indirect_vreg.gather [hbm4b:s4+s3], $0x80, v18, vm0, $0xb8;
	[tilespmem:$0x10680] =	vst v63  }
0x88: {  	s2 =	simm.s32 $0x1900;
	v17 =	vadd.s32 v2, v17  }
0x89: {  	[tilespmem:s2], [sflag:$0x1] =	stream.indirect_vreg.gather [hbm4b:s4+s3], $0x80, v19, vm0, $0xb8;
	[tilespmem:$0x10680] =	vst v63  }
0x8a: {  	s12 =	simm.s32 $0x1980  }
0x8b: {  	[tilespmem:s12], [sflag:$0x1] =	stream.indirect_vreg.gather [hbm4b:s4+s3], $0x80, v20, vm0, $0xb8;
	[tilespmem:$0x10680] =	vst v63  }
0x8c: {  	s26 =	simm.s32 $0x1A00  }
0x8d: {  	[tilespmem:s26], [sflag:$0x1] =	stream.indirect_vreg.gather [hbm4b:s4+s3], $0x80, v17, vm0, $0xb8;
	[tilespmem:$0x10680] =	vst v63  }
0x8e: {  	v17 =	vld [tilespmem:$0x30];
	_ =	sdelay $0x4  }
0x8f: {  	v18 =	vshll.u32 v17, $0x7  }
0x90: {  	v17 =	vand.u32 $0x7, v17;
	v18 =	vand.u32 $0xFFFFFC00, v18  }
0x91: {  	v17 =	vor.u32 v17, v18  }
0x92: {  	v18 =	vperm.xlane v17, v1;
	_ =	sdelay $0x1  }
0x93: {  	v19 =	vperm.xlane v17, v3;
	v18 =	vadd.s32 v2, v18;
	_ =	sdelay $0x1  }
0x94: {  	v20 =	vperm.xlane v17, v4;
	v19 =	vadd.s32 v2, v19;
	_ =	sdelay $0x1  }
0x95: {  	s1 =	simm.s32 $0x1A80;
	v21 =	vperm.xlane v17, v5;
	v20 =	vadd.s32 v2, v20  }
0x96: {  	[tilespmem:s1], [sflag:$0x1] =	stream.indirect_vreg.gather [hbm4b:s4+s3], $0x80, v18, vm0, $0xb8;
	[tilespmem:$0x10680] =	vst v63  }
0x97: {  	s2 =	simm.s32 $0x1B00;
	v18 =	vadd.s32 v2, v21;
	v21 =	vperm.xlane v17, v6  }
0x98: {  	[tilespmem:s2], [sflag:$0x1] =	stream.indirect_vreg.gather [hbm4b:s4+s3], $0x80, v19, vm0, $0xb8;
	[tilespmem:$0x10680] =	vst v63  }
0x99: {  	s12 =	simm.s32 $0x1B80;
	v19 =	vadd.s32 v2, v21;
	v21 =	vperm.xlane v17, v7  }
0x9a: {  	[tilespmem:s12], [sflag:$0x1] =	stream.indirect_vreg.gather [hbm4b:s4+s3], $0x80, v20, vm0, $0xb8;
	[tilespmem:$0x10680] =	vst v63  }
0x9b: {  	s26 =	simm.s32 $0x1C00;
	v20 =	vadd.s32 v2, v21;
	v21 =	vperm.xlane v17, v8  }
0x9c: {  	[tilespmem:s26], [sflag:$0x1] =	stream.indirect_vreg.gather [hbm4b:s4+s3], $0x80, v18, vm0, $0xb8;
	[tilespmem:$0x10680] =	vst v63  }
0x9d: {  	s1 =	simm.s32 $0x1C80;
	v18 =	vadd.s32 v2, v21;
	v21 =	vperm.xlane v17, v0  }
0x9e: {  	[tilespmem:s1], [sflag:$0x1] =	stream.indirect_vreg.gather [hbm4b:s4+s3], $0x80, v19, vm0, $0xb8;
	[tilespmem:$0x10680] =	vst v63  }
0x9f: {  	s2 =	simm.s32 $0x1D00;
	v19 =	vadd.s32 v2, v21;
	v21 =	vperm.xlane v17, v9  }
0xa0: {  	[tilespmem:s2], [sflag:$0x1] =	stream.indirect_vreg.gather [hbm4b:s4+s3], $0x80, v20, vm0, $0xb8;
	[tilespmem:$0x10680] =	vst v63  }
0xa1: {  	s12 =	simm.s32 $0x1D80;
	v20 =	vadd.s32 v2, v21;
	v21 =	vperm.xlane v17, v10  }
0xa2: {  	[tilespmem:s12], [sflag:$0x1] =	stream.indirect_vreg.gather [hbm4b:s4+s3], $0x80, v18, vm0, $0xb8;
	[tilespmem:$0x10680] =	vst v63  }
0xa3: {  	s26 =	simm.s32 $0x1E00;
	v18 =	vadd.s32 v2, v21;
	v21 =	vperm.xlane v17, v11  }
0xa4: {  	[tilespmem:s26], [sflag:$0x1] =	stream.indirect_vreg.gather [hbm4b:s4+s3], $0x80, v19, vm0, $0xb8;
	[tilespmem:$0x10680] =	vst v63  }
0xa5: {  	s1 =	simm.s32 $0x1E80;
	v19 =	vadd.s32 v2, v21;
	v21 =	vperm.xlane v17, v12  }
0xa6: {  	[tilespmem:s1], [sflag:$0x1] =	stream.indirect_vreg.gather [hbm4b:s4+s3], $0x80, v20, vm0, $0xb8;
	[tilespmem:$0x10680] =	vst v63  }
0xa7: {  	s2 =	simm.s32 $0x1F00;
	v20 =	vadd.s32 v2, v21;
	v21 =	vperm.xlane v17, v13  }
0xa8: {  	[tilespmem:s2], [sflag:$0x1] =	stream.indirect_vreg.gather [hbm4b:s4+s3], $0x80, v18, vm0, $0xb8;
	[tilespmem:$0x10680] =	vst v63  }
0xa9: {  	s12 =	simm.s32 $0x1F80;
	v18 =	vadd.s32 v2, v21;
	v21 =	vperm.xlane v17, v14  }
0xaa: {  	[tilespmem:s12], [sflag:$0x1] =	stream.indirect_vreg.gather [hbm4b:s4+s3], $0x80, v19, vm0, $0xb8;
	[tilespmem:$0x10680] =	vst v63  }
0xab: {  	s26 =	simm.s32 $0x2000;
	v19 =	vadd.s32 v2, v21;
	v21 =	vperm.xlane v17, v15  }
0xac: {  	[tilespmem:s26], [sflag:$0x1] =	stream.indirect_vreg.gather [hbm4b:s4+s3], $0x80, v20, vm0, $0xb8;
	[tilespmem:$0x10680] =	vst v63  }
0xad: {  	s1 =	simm.s32 $0x2080;
	v17 =	vperm.xlane v17, v16;
	v20 =	vadd.s32 v2, v21  }
0xae: {  	[tilespmem:s1], [sflag:$0x1] =	stream.indirect_vreg.gather [hbm4b:s4+s3], $0x80, v18, vm0, $0xb8;
	[tilespmem:$0x10680] =	vst v63  }
0xaf: {  	s2 =	simm.s32 $0x2100;
	v17 =	vadd.s32 v2, v17  }
0xb0: {  	[tilespmem:s2], [sflag:$0x1] =	stream.indirect_vreg.gather [hbm4b:s4+s3], $0x80, v19, vm0, $0xb8;
	[tilespmem:$0x10680] =	vst v63  }
0xb1: {  	s12 =	simm.s32 $0x2180  }
0xb2: {  	[tilespmem:s12], [sflag:$0x1] =	stream.indirect_vreg.gather [hbm4b:s4+s3], $0x80, v20, vm0, $0xb8;
	[tilespmem:$0x10680] =	vst v63  }
0xb3: {  	s26 =	simm.s32 $0x2200  }
0xb4: {  	[tilespmem:s26], [sflag:$0x1] =	stream.indirect_vreg.gather [hbm4b:s4+s3], $0x80, v17, vm0, $0xb8;
	[tilespmem:$0x10680] =	vst v63  }
0xb5: {  	v17 =	vld [tilespmem:$0x40];
	_ =	sdelay $0x4  }
0xb6: {  	v18 =	vshll.u32 v17, $0x7  }
0xb7: {  	v17 =	vand.u32 $0x7, v17;
	v18 =	vand.u32 $0xFFFFFC00, v18  }
0xb8: {  	v17 =	vor.u32 v17, v18  }
0xb9: {  	v18 =	vperm.xlane v17, v1;
	_ =	sdelay $0x1  }
0xba: {  	v19 =	vperm.xlane v17, v3;
	v18 =	vadd.s32 v2, v18;
	_ =	sdelay $0x1  }
0xbb: {  	v20 =	vperm.xlane v17, v4;
	v19 =	vadd.s32 v2, v19;
	_ =	sdelay $0x1  }
0xbc: {  	s1 =	simm.s32 $0x2280;
	v21 =	vperm.xlane v17, v5;
	v20 =	vadd.s32 v2, v20  }
0xbd: {  	[tilespmem:s1], [sflag:$0x1] =	stream.indirect_vreg.gather [hbm4b:s4+s3], $0x80, v18, vm0, $0xb8;
	[tilespmem:$0x10680] =	vst v63  }
0xbe: {  	s2 =	simm.s32 $0x2300;
	v18 =	vadd.s32 v2, v21;
	v21 =	vperm.xlane v17, v6  }
0xbf: {  	[tilespmem:s2], [sflag:$0x1] =	stream.indirect_vreg.gather [hbm4b:s4+s3], $0x80, v19, vm0, $0xb8;
	[tilespmem:$0x10680] =	vst v63  }
0xc0: {  	s12 =	simm.s32 $0x2380;
	v19 =	vadd.s32 v2, v21;
	v21 =	vperm.xlane v17, v7  }
0xc1: {  	[tilespmem:s12], [sflag:$0x1] =	stream.indirect_vreg.gather [hbm4b:s4+s3], $0x80, v20, vm0, $0xb8;
	[tilespmem:$0x10680] =	vst v63  }
0xc2: {  	s26 =	simm.s32 $0x2400;
	v20 =	vadd.s32 v2, v21;
	v21 =	vperm.xlane v17, v8  }
0xc3: {  	[tilespmem:s26], [sflag:$0x1] =	stream.indirect_vreg.gather [hbm4b:s4+s3], $0x80, v18, vm0, $0xb8;
	[tilespmem:$0x10680] =	vst v63  }
0xc4: {  	s1 =	simm.s32 $0x2480;
	v18 =	vadd.s32 v2, v21;
	v21 =	vperm.xlane v17, v0  }
0xc5: {  	[tilespmem:s1], [sflag:$0x1] =	stream.indirect_vreg.gather [hbm4b:s4+s3], $0x80, v19, vm0, $0xb8;
	[tilespmem:$0x10680] =	vst v63  }
0xc6: {  	s2 =	simm.s32 $0x2500;
	v19 =	vadd.s32 v2, v21;
	v21 =	vperm.xlane v17, v9  }
0xc7: {  	[tilespmem:s2], [sflag:$0x1] =	stream.indirect_vreg.gather [hbm4b:s4+s3], $0x80, v20, vm0, $0xb8;
	[tilespmem:$0x10680] =	vst v63  }
0xc8: {  	s12 =	simm.s32 $0x2580;
	v20 =	vadd.s32 v2, v21;
	v21 =	vperm.xlane v17, v10  }
0xc9: {  	[tilespmem:s12], [sflag:$0x1] =	stream.indirect_vreg.gather [hbm4b:s4+s3], $0x80, v18, vm0, $0xb8;
	[tilespmem:$0x10680] =	vst v63  }
0xca: {  	s26 =	simm.s32 $0x2600;
	v18 =	vadd.s32 v2, v21;
	v21 =	vperm.xlane v17, v11  }
0xcb: {  	[tilespmem:s26], [sflag:$0x1] =	stream.indirect_vreg.gather [hbm4b:s4+s3], $0x80, v19, vm0, $0xb8;
	[tilespmem:$0x10680] =	vst v63  }
0xcc: {  	s1 =	simm.s32 $0x2680;
	v19 =	vadd.s32 v2, v21;
	v21 =	vperm.xlane v17, v12  }
0xcd: {  	[tilespmem:s1], [sflag:$0x1] =	stream.indirect_vreg.gather [hbm4b:s4+s3], $0x80, v20, vm0, $0xb8;
	[tilespmem:$0x10680] =	vst v63  }
0xce: {  	s2 =	simm.s32 $0x2700;
	v20 =	vadd.s32 v2, v21;
	v21 =	vperm.xlane v17, v13  }
0xcf: {  	[tilespmem:s2], [sflag:$0x1] =	stream.indirect_vreg.gather [hbm4b:s4+s3], $0x80, v18, vm0, $0xb8;
	[tilespmem:$0x10680] =	vst v63  }
0xd0: {  	s12 =	simm.s32 $0x2780;
	v18 =	vadd.s32 v2, v21;
	v21 =	vperm.xlane v17, v14  }
0xd1: {  	[tilespmem:s12], [sflag:$0x1] =	stream.indirect_vreg.gather [hbm4b:s4+s3], $0x80, v19, vm0, $0xb8;
	[tilespmem:$0x10680] =	vst v63  }
0xd2: {  	s26 =	simm.s32 $0x2800;
	v19 =	vadd.s32 v2, v21;
	v21 =	vperm.xlane v17, v15  }
0xd3: {  	[tilespmem:s26], [sflag:$0x1] =	stream.indirect_vreg.gather [hbm4b:s4+s3], $0x80, v20, vm0, $0xb8;
	[tilespmem:$0x10680] =	vst v63  }
0xd4: {  	s1 =	simm.s32 $0x2880;
	v17 =	vperm.xlane v17, v16;
	v20 =	vadd.s32 v2, v21  }
0xd5: {  	[tilespmem:s1], [sflag:$0x1] =	stream.indirect_vreg.gather [hbm4b:s4+s3], $0x80, v18, vm0, $0xb8;
	[tilespmem:$0x10680] =	vst v63  }
0xd6: {  	s2 =	simm.s32 $0x2900;
	v17 =	vadd.s32 v2, v17  }
0xd7: {  	[tilespmem:s2], [sflag:$0x1] =	stream.indirect_vreg.gather [hbm4b:s4+s3], $0x80, v19, vm0, $0xb8;
	[tilespmem:$0x10680] =	vst v63  }
0xd8: {  	s12 =	simm.s32 $0x2980  }
0xd9: {  	[tilespmem:s12], [sflag:$0x1] =	stream.indirect_vreg.gather [hbm4b:s4+s3], $0x80, v20, vm0, $0xb8;
	[tilespmem:$0x10680] =	vst v63  }
0xda: {  	s26 =	simm.s32 $0x2A00  }
0xdb: {  	[tilespmem:s26], [sflag:$0x1] =	stream.indirect_vreg.gather [hbm4b:s4+s3], $0x80, v17, vm0, $0xb8;
	[tilespmem:$0x10680] =	vst v63  }
0xdc: {  	v17 =	vld [tilespmem:$0x50];
	_ =	sdelay $0x4  }
0xdd: {  	v18 =	vshll.u32 v17, $0x7  }
0xde: {  	v17 =	vand.u32 $0x7, v17;
	v18 =	vand.u32 $0xFFFFFC00, v18  }
0xdf: {  	v17 =	vor.u32 v17, v18  }
0xe0: {  	v18 =	vperm.xlane v17, v1;
	_ =	sdelay $0x1  }
0xe1: {  	v19 =	vperm.xlane v17, v3;
	v18 =	vadd.s32 v2, v18;
	_ =	sdelay $0x1  }
0xe2: {  	v20 =	vperm.xlane v17, v4;
	v19 =	vadd.s32 v2, v19;
	_ =	sdelay $0x1  }
0xe3: {  	s1 =	simm.s32 $0x2A80;
	v21 =	vperm.xlane v17, v5;
	v20 =	vadd.s32 v2, v20  }
0xe4: {  	[tilespmem:s1], [sflag:$0x1] =	stream.indirect_vreg.gather [hbm4b:s4+s3], $0x80, v18, vm0, $0xb8;
	[tilespmem:$0x10680] =	vst v63  }
0xe5: {  	s2 =	simm.s32 $0x2B00;
	v18 =	vadd.s32 v2, v21;
	v21 =	vperm.xlane v17, v6  }
0xe6: {  	[tilespmem:s2], [sflag:$0x1] =	stream.indirect_vreg.gather [hbm4b:s4+s3], $0x80, v19, vm0, $0xb8;
	[tilespmem:$0x10680] =	vst v63  }
0xe7: {  	s12 =	simm.s32 $0x2B80;
	v19 =	vadd.s32 v2, v21;
	v21 =	vperm.xlane v17, v7  }
0xe8: {  	[tilespmem:s12], [sflag:$0x1] =	stream.indirect_vreg.gather [hbm4b:s4+s3], $0x80, v20, vm0, $0xb8;
	[tilespmem:$0x10680] =	vst v63  }
0xe9: {  	s26 =	simm.s32 $0x2C00;
	v20 =	vadd.s32 v2, v21;
	v21 =	vperm.xlane v17, v8  }
0xea: {  	[tilespmem:s26], [sflag:$0x1] =	stream.indirect_vreg.gather [hbm4b:s4+s3], $0x80, v18, vm0, $0xb8;
	[tilespmem:$0x10680] =	vst v63  }
0xeb: {  	s1 =	simm.s32 $0x2C80;
	v18 =	vadd.s32 v2, v21;
	v21 =	vperm.xlane v17, v0  }
0xec: {  	[tilespmem:s1], [sflag:$0x1] =	stream.indirect_vreg.gather [hbm4b:s4+s3], $0x80, v19, vm0, $0xb8;
	[tilespmem:$0x10680] =	vst v63  }
0xed: {  	s2 =	simm.s32 $0x2D00;
	v19 =	vadd.s32 v2, v21;
	v21 =	vperm.xlane v17, v9  }
0xee: {  	[tilespmem:s2], [sflag:$0x1] =	stream.indirect_vreg.gather [hbm4b:s4+s3], $0x80, v20, vm0, $0xb8;
	[tilespmem:$0x10680] =	vst v63  }
0xef: {  	s12 =	simm.s32 $0x2D80;
	v20 =	vadd.s32 v2, v21;
	v21 =	vperm.xlane v17, v10  }
0xf0: {  	[tilespmem:s12], [sflag:$0x1] =	stream.indirect_vreg.gather [hbm4b:s4+s3], $0x80, v18, vm0, $0xb8;
	[tilespmem:$0x10680] =	vst v63  }
0xf1: {  	s26 =	simm.s32 $0x2E00;
	v18 =	vadd.s32 v2, v21;
	v21 =	vperm.xlane v17, v11  }
0xf2: {  	[tilespmem:s26], [sflag:$0x1] =	stream.indirect_vreg.gather [hbm4b:s4+s3], $0x80, v19, vm0, $0xb8;
	[tilespmem:$0x10680] =	vst v63  }
0xf3: {  	s1 =	simm.s32 $0x2E80;
	v19 =	vadd.s32 v2, v21;
	v21 =	vperm.xlane v17, v12  }
0xf4: {  	[tilespmem:s1], [sflag:$0x1] =	stream.indirect_vreg.gather [hbm4b:s4+s3], $0x80, v20, vm0, $0xb8;
	[tilespmem:$0x10680] =	vst v63  }
0xf5: {  	s2 =	simm.s32 $0x2F00;
	v20 =	vadd.s32 v2, v21;
	v21 =	vperm.xlane v17, v13  }
0xf6: {  	[tilespmem:s2], [sflag:$0x1] =	stream.indirect_vreg.gather [hbm4b:s4+s3], $0x80, v18, vm0, $0xb8;
	[tilespmem:$0x10680] =	vst v63  }
0xf7: {  	s12 =	simm.s32 $0x2F80;
	v18 =	vadd.s32 v2, v21;
	v21 =	vperm.xlane v17, v14  }
0xf8: {  	[tilespmem:s12], [sflag:$0x1] =	stream.indirect_vreg.gather [hbm4b:s4+s3], $0x80, v19, vm0, $0xb8;
	[tilespmem:$0x10680] =	vst v63  }
0xf9: {  	s26 =	simm.s32 $0x3000;
	v19 =	vadd.s32 v2, v21;
	v21 =	vperm.xlane v17, v15  }
0xfa: {  	[tilespmem:s26], [sflag:$0x1] =	stream.indirect_vreg.gather [hbm4b:s4+s3], $0x80, v20, vm0, $0xb8;
	[tilespmem:$0x10680] =	vst v63  }
0xfb: {  	s1 =	simm.s32 $0x3080;
	v17 =	vperm.xlane v17, v16;
	v20 =	vadd.s32 v2, v21  }
0xfc: {  	[tilespmem:s1], [sflag:$0x1] =	stream.indirect_vreg.gather [hbm4b:s4+s3], $0x80, v18, vm0, $0xb8;
	[tilespmem:$0x10680] =	vst v63  }
0xfd: {  	s2 =	simm.s32 $0x3100;
	v17 =	vadd.s32 v2, v17  }
0xfe: {  	[tilespmem:s2], [sflag:$0x1] =	stream.indirect_vreg.gather [hbm4b:s4+s3], $0x80, v19, vm0, $0xb8;
	[tilespmem:$0x10680] =	vst v63  }
0xff: {  	s12 =	simm.s32 $0x3180  }
0x100: {  	[tilespmem:s12], [sflag:$0x1] =	stream.indirect_vreg.gather [hbm4b:s4+s3], $0x80, v20, vm0, $0xb8;
	[tilespmem:$0x10680] =	vst v63  }
0x101: {  	s26 =	simm.s32 $0x3200  }
0x102: {  	[tilespmem:s26], [sflag:$0x1] =	stream.indirect_vreg.gather [hbm4b:s4+s3], $0x80, v17, vm0, $0xb8;
	[tilespmem:$0x10680] =	vst v63  }
0x103: {  	v17 =	vld [tilespmem:$0x60];
	_ =	sdelay $0x4  }
0x104: {  	v18 =	vshll.u32 v17, $0x7  }
0x105: {  	v17 =	vand.u32 $0x7, v17;
	v18 =	vand.u32 $0xFFFFFC00, v18  }
0x106: {  	v17 =	vor.u32 v17, v18  }
0x107: {  	v18 =	vperm.xlane v17, v1;
	_ =	sdelay $0x1  }
0x108: {  	v19 =	vperm.xlane v17, v3;
	v18 =	vadd.s32 v2, v18;
	_ =	sdelay $0x1  }
0x109: {  	v20 =	vperm.xlane v17, v4;
	v19 =	vadd.s32 v2, v19;
	_ =	sdelay $0x1  }
0x10a: {  	s1 =	simm.s32 $0x3280;
	v21 =	vperm.xlane v17, v5;
	v20 =	vadd.s32 v2, v20  }
0x10b: {  	[tilespmem:s1], [sflag:$0x1] =	stream.indirect_vreg.gather [hbm4b:s4+s3], $0x80, v18, vm0, $0xb8;
	[tilespmem:$0x10680] =	vst v63  }
0x10c: {  	s2 =	simm.s32 $0x3300;
	v18 =	vadd.s32 v2, v21;
	v21 =	vperm.xlane v17, v6  }
0x10d: {  	[tilespmem:s2], [sflag:$0x1] =	stream.indirect_vreg.gather [hbm4b:s4+s3], $0x80, v19, vm0, $0xb8;
	[tilespmem:$0x10680] =	vst v63  }
0x10e: {  	s12 =	simm.s32 $0x3380;
	v19 =	vadd.s32 v2, v21;
	v21 =	vperm.xlane v17, v7  }
0x10f: {  	[tilespmem:s12], [sflag:$0x1] =	stream.indirect_vreg.gather [hbm4b:s4+s3], $0x80, v20, vm0, $0xb8;
	[tilespmem:$0x10680] =	vst v63  }
0x110: {  	s26 =	simm.s32 $0x3400;
	v20 =	vadd.s32 v2, v21;
	v21 =	vperm.xlane v17, v8  }
0x111: {  	[tilespmem:s26], [sflag:$0x1] =	stream.indirect_vreg.gather [hbm4b:s4+s3], $0x80, v18, vm0, $0xb8;
	[tilespmem:$0x10680] =	vst v63  }
0x112: {  	s1 =	simm.s32 $0x3480;
	v18 =	vadd.s32 v2, v21;
	v21 =	vperm.xlane v17, v0  }
0x113: {  	[tilespmem:s1], [sflag:$0x1] =	stream.indirect_vreg.gather [hbm4b:s4+s3], $0x80, v19, vm0, $0xb8;
	[tilespmem:$0x10680] =	vst v63  }
0x114: {  	s2 =	simm.s32 $0x3500;
	v19 =	vadd.s32 v2, v21;
	v21 =	vperm.xlane v17, v9  }
0x115: {  	[tilespmem:s2], [sflag:$0x1] =	stream.indirect_vreg.gather [hbm4b:s4+s3], $0x80, v20, vm0, $0xb8;
	[tilespmem:$0x10680] =	vst v63  }
0x116: {  	s12 =	simm.s32 $0x3580;
	v20 =	vadd.s32 v2, v21;
	v21 =	vperm.xlane v17, v10  }
0x117: {  	[tilespmem:s12], [sflag:$0x1] =	stream.indirect_vreg.gather [hbm4b:s4+s3], $0x80, v18, vm0, $0xb8;
	[tilespmem:$0x10680] =	vst v63  }
0x118: {  	s26 =	simm.s32 $0x3600;
	v18 =	vadd.s32 v2, v21;
	v21 =	vperm.xlane v17, v11  }
0x119: {  	[tilespmem:s26], [sflag:$0x1] =	stream.indirect_vreg.gather [hbm4b:s4+s3], $0x80, v19, vm0, $0xb8;
	[tilespmem:$0x10680] =	vst v63  }
0x11a: {  	s1 =	simm.s32 $0x3680;
	v19 =	vadd.s32 v2, v21;
	v21 =	vperm.xlane v17, v12  }
0x11b: {  	[tilespmem:s1], [sflag:$0x1] =	stream.indirect_vreg.gather [hbm4b:s4+s3], $0x80, v20, vm0, $0xb8;
	[tilespmem:$0x10680] =	vst v63  }
0x11c: {  	s2 =	simm.s32 $0x3700;
	v20 =	vadd.s32 v2, v21;
	v21 =	vperm.xlane v17, v13  }
0x11d: {  	[tilespmem:s2], [sflag:$0x1] =	stream.indirect_vreg.gather [hbm4b:s4+s3], $0x80, v18, vm0, $0xb8;
	[tilespmem:$0x10680] =	vst v63  }
0x11e: {  	s12 =	simm.s32 $0x3780;
	v18 =	vadd.s32 v2, v21;
	v21 =	vperm.xlane v17, v14  }
0x11f: {  	[tilespmem:s12], [sflag:$0x1] =	stream.indirect_vreg.gather [hbm4b:s4+s3], $0x80, v19, vm0, $0xb8;
	[tilespmem:$0x10680] =	vst v63  }
0x120: {  	s26 =	simm.s32 $0x3800;
	v19 =	vadd.s32 v2, v21;
	v21 =	vperm.xlane v17, v15  }
0x121: {  	[tilespmem:s26], [sflag:$0x1] =	stream.indirect_vreg.gather [hbm4b:s4+s3], $0x80, v20, vm0, $0xb8;
	[tilespmem:$0x10680] =	vst v63  }
0x122: {  	s1 =	simm.s32 $0x3880;
	v17 =	vperm.xlane v17, v16;
	v20 =	vadd.s32 v2, v21  }
0x123: {  	[tilespmem:s1], [sflag:$0x1] =	stream.indirect_vreg.gather [hbm4b:s4+s3], $0x80, v18, vm0, $0xb8;
	[tilespmem:$0x10680] =	vst v63  }
0x124: {  	s2 =	simm.s32 $0x3900;
	v17 =	vadd.s32 v2, v17  }
0x125: {  	[tilespmem:s2], [sflag:$0x1] =	stream.indirect_vreg.gather [hbm4b:s4+s3], $0x80, v19, vm0, $0xb8;
	[tilespmem:$0x10680] =	vst v63  }
0x126: {  	s12 =	simm.s32 $0x3980  }
0x127: {  	[tilespmem:s12], [sflag:$0x1] =	stream.indirect_vreg.gather [hbm4b:s4+s3], $0x80, v20, vm0, $0xb8;
	[tilespmem:$0x10680] =	vst v63  }
0x128: {  	s26 =	simm.s32 $0x3A00  }
0x129: {  	[tilespmem:s26], [sflag:$0x1] =	stream.indirect_vreg.gather [hbm4b:s4+s3], $0x80, v17, vm0, $0xb8;
	[tilespmem:$0x10680] =	vst v63  }
0x12a: {  	v17 =	vld [tilespmem:$0x70];
	_ =	sdelay $0x4  }
0x12b: {  	v18 =	vshll.u32 v17, $0x7  }
0x12c: {  	v17 =	vand.u32 $0x7, v17;
	v18 =	vand.u32 $0xFFFFFC00, v18  }
0x12d: {  	v17 =	vor.u32 v17, v18  }
0x12e: {  	v18 =	vperm.xlane v17, v1;
	_ =	sdelay $0x1  }
0x12f: {  	v19 =	vperm.xlane v17, v3;
	v18 =	vadd.s32 v2, v18;
	_ =	sdelay $0x1  }
0x130: {  	v20 =	vperm.xlane v17, v4;
	v19 =	vadd.s32 v2, v19;
	_ =	sdelay $0x1  }
0x131: {  	s1 =	simm.s32 $0x3A80;
	v21 =	vperm.xlane v17, v5;
	v20 =	vadd.s32 v2, v20  }
0x132: {  	[tilespmem:s1], [sflag:$0x1] =	stream.indirect_vreg.gather [hbm4b:s4+s3], $0x80, v18, vm0, $0xb8;
	[tilespmem:$0x10680] =	vst v63  }
0x133: {  	s2 =	simm.s32 $0x3B00;
	v18 =	vadd.s32 v2, v21;
	v21 =	vperm.xlane v17, v6  }
0x134: {  	[tilespmem:s2], [sflag:$0x1] =	stream.indirect_vreg.gather [hbm4b:s4+s3], $0x80, v19, vm0, $0xb8;
	[tilespmem:$0x10680] =	vst v63  }
0x135: {  	s12 =	simm.s32 $0x3B80;
	v19 =	vadd.s32 v2, v21;
	v21 =	vperm.xlane v17, v7  }
0x136: {  	[tilespmem:s12], [sflag:$0x1] =	stream.indirect_vreg.gather [hbm4b:s4+s3], $0x80, v20, vm0, $0xb8;
	[tilespmem:$0x10680] =	vst v63  }
0x137: {  	s26 =	simm.s32 $0x3C00;
	v20 =	vadd.s32 v2, v21;
	v21 =	vperm.xlane v17, v8  }
0x138: {  	[tilespmem:s26], [sflag:$0x1] =	stream.indirect_vreg.gather [hbm4b:s4+s3], $0x80, v18, vm0, $0xb8;
	[tilespmem:$0x10680] =	vst v63  }
0x139: {  	s1 =	simm.s32 $0x3C80;
	v18 =	vadd.s32 v2, v21;
	v21 =	vperm.xlane v17, v0  }
0x13a: {  	[tilespmem:s1], [sflag:$0x1] =	stream.indirect_vreg.gather [hbm4b:s4+s3], $0x80, v19, vm0, $0xb8;
	[tilespmem:$0x10680] =	vst v63  }
0x13b: {  	s2 =	simm.s32 $0x3D00;
	v19 =	vadd.s32 v2, v21;
	v21 =	vperm.xlane v17, v9  }
0x13c: {  	[tilespmem:s2], [sflag:$0x1] =	stream.indirect_vreg.gather [hbm4b:s4+s3], $0x80, v20, vm0, $0xb8;
	[tilespmem:$0x10680] =	vst v63  }
0x13d: {  	s12 =	simm.s32 $0x3D80;
	v20 =	vadd.s32 v2, v21;
	v21 =	vperm.xlane v17, v10  }
0x13e: {  	[tilespmem:s12], [sflag:$0x1] =	stream.indirect_vreg.gather [hbm4b:s4+s3], $0x80, v18, vm0, $0xb8;
	[tilespmem:$0x10680] =	vst v63  }
0x13f: {  	s26 =	simm.s32 $0x3E00;
	v18 =	vadd.s32 v2, v21;
	v21 =	vperm.xlane v17, v11  }
0x140: {  	[tilespmem:s26], [sflag:$0x1] =	stream.indirect_vreg.gather [hbm4b:s4+s3], $0x80, v19, vm0, $0xb8;
	[tilespmem:$0x10680] =	vst v63  }
0x141: {  	s1 =	simm.s32 $0x3E80;
	v19 =	vadd.s32 v2, v21;
	v21 =	vperm.xlane v17, v12  }
0x142: {  	[tilespmem:s1], [sflag:$0x1] =	stream.indirect_vreg.gather [hbm4b:s4+s3], $0x80, v20, vm0, $0xb8;
	[tilespmem:$0x10680] =	vst v63  }
0x143: {  	s2 =	simm.s32 $0x3F00;
	v20 =	vadd.s32 v2, v21;
	v21 =	vperm.xlane v17, v13  }
0x144: {  	[tilespmem:s2], [sflag:$0x1] =	stream.indirect_vreg.gather [hbm4b:s4+s3], $0x80, v18, vm0, $0xb8;
	[tilespmem:$0x10680] =	vst v63  }
0x145: {  	s12 =	simm.s32 $0x3F80;
	v18 =	vadd.s32 v2, v21;
	v21 =	vperm.xlane v17, v14  }
0x146: {  	[tilespmem:s12], [sflag:$0x1] =	stream.indirect_vreg.gather [hbm4b:s4+s3], $0x80, v19, vm0, $0xb8;
	[tilespmem:$0x10680] =	vst v63  }
0x147: {  	s26 =	simm.s32 $0x4000;
	v19 =	vadd.s32 v2, v21;
	v21 =	vperm.xlane v17, v15  }
0x148: {  	[tilespmem:s26], [sflag:$0x1] =	stream.indirect_vreg.gather [hbm4b:s4+s3], $0x80, v20, vm0, $0xb8;
	[tilespmem:$0x10680] =	vst v63  }
0x149: {  	s1 =	simm.s32 $0x4080;
	v17 =	vperm.xlane v17, v16;
	v20 =	vadd.s32 v2, v21  }
0x14a: {  	[tilespmem:s1], [sflag:$0x1] =	stream.indirect_vreg.gather [hbm4b:s4+s3], $0x80, v18, vm0, $0xb8;
	[tilespmem:$0x10680] =	vst v63  }
0x14b: {  	s2 =	simm.s32 $0x4100;
	v17 =	vadd.s32 v2, v17  }
0x14c: {  	[tilespmem:s2], [sflag:$0x1] =	stream.indirect_vreg.gather [hbm4b:s4+s3], $0x80, v19, vm0, $0xb8;
	[tilespmem:$0x10680] =	vst v63  }
0x14d: {  	s12 =	simm.s32 $0x4180  }
0x14e: {  	[tilespmem:s12], [sflag:$0x1] =	stream.indirect_vreg.gather [hbm4b:s4+s3], $0x80, v20, vm0, $0xb8;
	[tilespmem:$0x10680] =	vst v63  }
0x14f: {  	s26 =	simm.s32 $0x4200  }
0x150: {  	[tilespmem:s26], [sflag:$0x1] =	stream.indirect_vreg.gather [hbm4b:s4+s3], $0x80, v17, vm0, $0xb8;
	[tilespmem:$0x10680] =	vst v63  }
0x151: {  	v17 =	vld [tilespmem:$0x80];
	_ =	sdelay $0x4  }
0x152: {  	v18 =	vshll.u32 v17, $0x7  }
0x153: {  	v17 =	vand.u32 $0x7, v17;
	v18 =	vand.u32 $0xFFFFFC00, v18  }
0x154: {  	v17 =	vor.u32 v17, v18  }
0x155: {  	v18 =	vperm.xlane v17, v1;
	_ =	sdelay $0x1  }
0x156: {  	v19 =	vperm.xlane v17, v3;
	v18 =	vadd.s32 v2, v18;
	_ =	sdelay $0x1  }
0x157: {  	v20 =	vperm.xlane v17, v4;
	v19 =	vadd.s32 v2, v19;
	_ =	sdelay $0x1  }
0x158: {  	s1 =	simm.s32 $0x4280;
	v21 =	vperm.xlane v17, v5;
	v20 =	vadd.s32 v2, v20  }
0x159: {  	[tilespmem:s1], [sflag:$0x2] =	stream.indirect_vreg.gather [hbm4b:s6+s3], $0x80, v18, vm0, $0xb8;
	[tilespmem:$0x10680] =	vst v63  }
0x15a: {  	s2 =	simm.s32 $0x4300;
	v18 =	vadd.s32 v2, v21;
	v21 =	vperm.xlane v17, v6  }
0x15b: {  	[tilespmem:s2], [sflag:$0x2] =	stream.indirect_vreg.gather [hbm4b:s6+s3], $0x80, v19, vm0, $0xb8;
	[tilespmem:$0x10680] =	vst v63  }
0x15c: {  	s12 =	simm.s32 $0x4380;
	v19 =	vadd.s32 v2, v21;
	v21 =	vperm.xlane v17, v7  }
0x15d: {  	[tilespmem:s12], [sflag:$0x2] =	stream.indirect_vreg.gather [hbm4b:s6+s3], $0x80, v20, vm0, $0xb8;
	[tilespmem:$0x10680] =	vst v63  }
0x15e: {  	s26 =	simm.s32 $0x4400;
	v20 =	vadd.s32 v2, v21;
	v21 =	vperm.xlane v17, v8  }
0x15f: {  	[tilespmem:s26], [sflag:$0x2] =	stream.indirect_vreg.gather [hbm4b:s6+s3], $0x80, v18, vm0, $0xb8;
	[tilespmem:$0x10680] =	vst v63  }
0x160: {  	s1 =	simm.s32 $0x4480;
	v18 =	vadd.s32 v2, v21;
	v21 =	vperm.xlane v17, v0  }
0x161: {  	[tilespmem:s1], [sflag:$0x2] =	stream.indirect_vreg.gather [hbm4b:s6+s3], $0x80, v19, vm0, $0xb8;
	[tilespmem:$0x10680] =	vst v63  }
0x162: {  	s2 =	simm.s32 $0x4500;
	v19 =	vadd.s32 v2, v21;
	v21 =	vperm.xlane v17, v9  }
0x163: {  	[tilespmem:s2], [sflag:$0x2] =	stream.indirect_vreg.gather [hbm4b:s6+s3], $0x80, v20, vm0, $0xb8;
	[tilespmem:$0x10680] =	vst v63  }
0x164: {  	s12 =	simm.s32 $0x4580;
	v20 =	vadd.s32 v2, v21;
	v21 =	vperm.xlane v17, v10  }
0x165: {  	[tilespmem:s12], [sflag:$0x2] =	stream.indirect_vreg.gather [hbm4b:s6+s3], $0x80, v18, vm0, $0xb8;
	[tilespmem:$0x10680] =	vst v63  }
0x166: {  	s26 =	simm.s32 $0x4600;
	v18 =	vadd.s32 v2, v21;
	v21 =	vperm.xlane v17, v11  }
0x167: {  	[tilespmem:s26], [sflag:$0x2] =	stream.indirect_vreg.gather [hbm4b:s6+s3], $0x80, v19, vm0, $0xb8;
	[tilespmem:$0x10680] =	vst v63  }
0x168: {  	s1 =	simm.s32 $0x4680;
	v19 =	vadd.s32 v2, v21;
	v21 =	vperm.xlane v17, v12  }
0x169: {  	[tilespmem:s1], [sflag:$0x2] =	stream.indirect_vreg.gather [hbm4b:s6+s3], $0x80, v20, vm0, $0xb8;
	[tilespmem:$0x10680] =	vst v63  }
0x16a: {  	s2 =	simm.s32 $0x4700;
	v20 =	vadd.s32 v2, v21;
	v21 =	vperm.xlane v17, v13  }
0x16b: {  	[tilespmem:s2], [sflag:$0x2] =	stream.indirect_vreg.gather [hbm4b:s6+s3], $0x80, v18, vm0, $0xb8;
	[tilespmem:$0x10680] =	vst v63  }
0x16c: {  	s12 =	simm.s32 $0x4780;
	v18 =	vadd.s32 v2, v21;
	v21 =	vperm.xlane v17, v14  }
0x16d: {  	[tilespmem:s12], [sflag:$0x2] =	stream.indirect_vreg.gather [hbm4b:s6+s3], $0x80, v19, vm0, $0xb8;
	[tilespmem:$0x10680] =	vst v63  }
0x16e: {  	s26 =	simm.s32 $0x4800;
	v19 =	vadd.s32 v2, v21;
	v21 =	vperm.xlane v17, v15  }
0x16f: {  	[tilespmem:s26], [sflag:$0x2] =	stream.indirect_vreg.gather [hbm4b:s6+s3], $0x80, v20, vm0, $0xb8;
	[tilespmem:$0x10680] =	vst v63  }
0x170: {  	s1 =	simm.s32 $0x4880;
	v17 =	vperm.xlane v17, v16;
	v20 =	vadd.s32 v2, v21  }
0x171: {  	[tilespmem:s1], [sflag:$0x2] =	stream.indirect_vreg.gather [hbm4b:s6+s3], $0x80, v18, vm0, $0xb8;
	[tilespmem:$0x10680] =	vst v63  }
0x172: {  	s2 =	simm.s32 $0x4900;
	v17 =	vadd.s32 v2, v17  }
0x173: {  	[tilespmem:s2], [sflag:$0x2] =	stream.indirect_vreg.gather [hbm4b:s6+s3], $0x80, v19, vm0, $0xb8;
	[tilespmem:$0x10680] =	vst v63  }
0x174: {  	s12 =	simm.s32 $0x4980  }
0x175: {  	[tilespmem:s12], [sflag:$0x2] =	stream.indirect_vreg.gather [hbm4b:s6+s3], $0x80, v20, vm0, $0xb8;
	[tilespmem:$0x10680] =	vst v63  }
0x176: {  	s26 =	simm.s32 $0x4A00  }
0x177: {  	[tilespmem:s26], [sflag:$0x2] =	stream.indirect_vreg.gather [hbm4b:s6+s3], $0x80, v17, vm0, $0xb8;
	[tilespmem:$0x10680] =	vst v63  }
0x178: {  	v17 =	vld [tilespmem:$0x90];
	_ =	sdelay $0x4  }
0x179: {  	v18 =	vshll.u32 v17, $0x7  }
0x17a: {  	v17 =	vand.u32 $0x7, v17;
	v18 =	vand.u32 $0xFFFFFC00, v18  }
0x17b: {  	v17 =	vor.u32 v17, v18  }
0x17c: {  	v18 =	vperm.xlane v17, v1;
	_ =	sdelay $0x1  }
0x17d: {  	v19 =	vperm.xlane v17, v3;
	v18 =	vadd.s32 v2, v18;
	_ =	sdelay $0x1  }
0x17e: {  	v20 =	vperm.xlane v17, v4;
	v19 =	vadd.s32 v2, v19;
	_ =	sdelay $0x1  }
0x17f: {  	s1 =	simm.s32 $0x4A80;
	v21 =	vperm.xlane v17, v5;
	v20 =	vadd.s32 v2, v20  }
0x180: {  	[tilespmem:s1], [sflag:$0x2] =	stream.indirect_vreg.gather [hbm4b:s6+s3], $0x80, v18, vm0, $0xb8;
	[tilespmem:$0x10680] =	vst v63  }
0x181: {  	s2 =	simm.s32 $0x4B00;
	v18 =	vadd.s32 v2, v21;
	v21 =	vperm.xlane v17, v6  }
0x182: {  	[tilespmem:s2], [sflag:$0x2] =	stream.indirect_vreg.gather [hbm4b:s6+s3], $0x80, v19, vm0, $0xb8;
	[tilespmem:$0x10680] =	vst v63  }
0x183: {  	s12 =	simm.s32 $0x4B80;
	v19 =	vadd.s32 v2, v21;
	v21 =	vperm.xlane v17, v7  }
0x184: {  	[tilespmem:s12], [sflag:$0x2] =	stream.indirect_vreg.gather [hbm4b:s6+s3], $0x80, v20, vm0, $0xb8;
	[tilespmem:$0x10680] =	vst v63  }
0x185: {  	s26 =	simm.s32 $0x4C00;
	v20 =	vadd.s32 v2, v21;
	v21 =	vperm.xlane v17, v8  }
0x186: {  	[tilespmem:s26], [sflag:$0x2] =	stream.indirect_vreg.gather [hbm4b:s6+s3], $0x80, v18, vm0, $0xb8;
	[tilespmem:$0x10680] =	vst v63  }
0x187: {  	s1 =	simm.s32 $0x4C80;
	v18 =	vadd.s32 v2, v21;
	v21 =	vperm.xlane v17, v0  }
0x188: {  	[tilespmem:s1], [sflag:$0x2] =	stream.indirect_vreg.gather [hbm4b:s6+s3], $0x80, v19, vm0, $0xb8;
	[tilespmem:$0x10680] =	vst v63  }
0x189: {  	s2 =	simm.s32 $0x4D00;
	v19 =	vadd.s32 v2, v21;
	v21 =	vperm.xlane v17, v9  }
0x18a: {  	[tilespmem:s2], [sflag:$0x2] =	stream.indirect_vreg.gather [hbm4b:s6+s3], $0x80, v20, vm0, $0xb8;
	[tilespmem:$0x10680] =	vst v63  }
0x18b: {  	s12 =	simm.s32 $0x4D80;
	v20 =	vadd.s32 v2, v21;
	v21 =	vperm.xlane v17, v10  }
0x18c: {  	[tilespmem:s12], [sflag:$0x2] =	stream.indirect_vreg.gather [hbm4b:s6+s3], $0x80, v18, vm0, $0xb8;
	[tilespmem:$0x10680] =	vst v63  }
0x18d: {  	s26 =	simm.s32 $0x4E00;
	v18 =	vadd.s32 v2, v21;
	v21 =	vperm.xlane v17, v11  }
0x18e: {  	[tilespmem:s26], [sflag:$0x2] =	stream.indirect_vreg.gather [hbm4b:s6+s3], $0x80, v19, vm0, $0xb8;
	[tilespmem:$0x10680] =	vst v63  }
0x18f: {  	s1 =	simm.s32 $0x4E80;
	v19 =	vadd.s32 v2, v21;
	v21 =	vperm.xlane v17, v12  }
0x190: {  	[tilespmem:s1], [sflag:$0x2] =	stream.indirect_vreg.gather [hbm4b:s6+s3], $0x80, v20, vm0, $0xb8;
	[tilespmem:$0x10680] =	vst v63  }
0x191: {  	s2 =	simm.s32 $0x4F00;
	v20 =	vadd.s32 v2, v21;
	v21 =	vperm.xlane v17, v13  }
0x192: {  	[tilespmem:s2], [sflag:$0x2] =	stream.indirect_vreg.gather [hbm4b:s6+s3], $0x80, v18, vm0, $0xb8;
	[tilespmem:$0x10680] =	vst v63  }
0x193: {  	s12 =	simm.s32 $0x4F80;
	v18 =	vadd.s32 v2, v21;
	v21 =	vperm.xlane v17, v14  }
0x194: {  	[tilespmem:s12], [sflag:$0x2] =	stream.indirect_vreg.gather [hbm4b:s6+s3], $0x80, v19, vm0, $0xb8;
	[tilespmem:$0x10680] =	vst v63  }
0x195: {  	s26 =	simm.s32 $0x5000;
	v19 =	vadd.s32 v2, v21;
	v21 =	vperm.xlane v17, v15  }
0x196: {  	[tilespmem:s26], [sflag:$0x2] =	stream.indirect_vreg.gather [hbm4b:s6+s3], $0x80, v20, vm0, $0xb8;
	[tilespmem:$0x10680] =	vst v63  }
0x197: {  	s1 =	simm.s32 $0x5080;
	v17 =	vperm.xlane v17, v16;
	v20 =	vadd.s32 v2, v21  }
0x198: {  	[tilespmem:s1], [sflag:$0x2] =	stream.indirect_vreg.gather [hbm4b:s6+s3], $0x80, v18, vm0, $0xb8;
	[tilespmem:$0x10680] =	vst v63  }
0x199: {  	s2 =	simm.s32 $0x5100;
	v17 =	vadd.s32 v2, v17  }
0x19a: {  	[tilespmem:s2], [sflag:$0x2] =	stream.indirect_vreg.gather [hbm4b:s6+s3], $0x80, v19, vm0, $0xb8;
	[tilespmem:$0x10680] =	vst v63  }
0x19b: {  	s12 =	simm.s32 $0x5180  }
0x19c: {  	[tilespmem:s12], [sflag:$0x2] =	stream.indirect_vreg.gather [hbm4b:s6+s3], $0x80, v20, vm0, $0xb8;
	[tilespmem:$0x10680] =	vst v63  }
0x19d: {  	s26 =	simm.s32 $0x5200  }
0x19e: {  	[tilespmem:s26], [sflag:$0x2] =	stream.indirect_vreg.gather [hbm4b:s6+s3], $0x80, v17, vm0, $0xb8;
	[tilespmem:$0x10680] =	vst v63  }
0x19f: {  	v17 =	vld [tilespmem:$0xA0];
	_ =	sdelay $0x4  }
0x1a0: {  	v18 =	vshll.u32 v17, $0x7  }
0x1a1: {  	v17 =	vand.u32 $0x7, v17;
	v18 =	vand.u32 $0xFFFFFC00, v18  }
0x1a2: {  	v17 =	vor.u32 v17, v18  }
0x1a3: {  	v18 =	vperm.xlane v17, v1;
	_ =	sdelay $0x1  }
0x1a4: {  	v19 =	vperm.xlane v17, v3;
	v18 =	vadd.s32 v2, v18;
	_ =	sdelay $0x1  }
0x1a5: {  	v20 =	vperm.xlane v17, v4;
	v19 =	vadd.s32 v2, v19;
	_ =	sdelay $0x1  }
0x1a6: {  	s1 =	simm.s32 $0x5280;
	v21 =	vperm.xlane v17, v5;
	v20 =	vadd.s32 v2, v20  }
0x1a7: {  	[tilespmem:s1], [sflag:$0x2] =	stream.indirect_vreg.gather [hbm4b:s6+s3], $0x80, v18, vm0, $0xb8;
	[tilespmem:$0x10680] =	vst v63  }
0x1a8: {  	s2 =	simm.s32 $0x5300;
	v18 =	vadd.s32 v2, v21;
	v21 =	vperm.xlane v17, v6  }
0x1a9: {  	[tilespmem:s2], [sflag:$0x2] =	stream.indirect_vreg.gather [hbm4b:s6+s3], $0x80, v19, vm0, $0xb8;
	[tilespmem:$0x10680] =	vst v63  }
0x1aa: {  	s12 =	simm.s32 $0x5380;
	v19 =	vadd.s32 v2, v21;
	v21 =	vperm.xlane v17, v7  }
0x1ab: {  	[tilespmem:s12], [sflag:$0x2] =	stream.indirect_vreg.gather [hbm4b:s6+s3], $0x80, v20, vm0, $0xb8;
	[tilespmem:$0x10680] =	vst v63  }
0x1ac: {  	s26 =	simm.s32 $0x5400;
	v20 =	vadd.s32 v2, v21;
	v21 =	vperm.xlane v17, v8  }
0x1ad: {  	[tilespmem:s26], [sflag:$0x2] =	stream.indirect_vreg.gather [hbm4b:s6+s3], $0x80, v18, vm0, $0xb8;
	[tilespmem:$0x10680] =	vst v63  }
0x1ae: {  	s1 =	simm.s32 $0x5480;
	v18 =	vadd.s32 v2, v21;
	v21 =	vperm.xlane v17, v0  }
0x1af: {  	[tilespmem:s1], [sflag:$0x2] =	stream.indirect_vreg.gather [hbm4b:s6+s3], $0x80, v19, vm0, $0xb8;
	[tilespmem:$0x10680] =	vst v63  }
0x1b0: {  	s2 =	simm.s32 $0x5500;
	v19 =	vadd.s32 v2, v21;
	v21 =	vperm.xlane v17, v9  }
0x1b1: {  	[tilespmem:s2], [sflag:$0x2] =	stream.indirect_vreg.gather [hbm4b:s6+s3], $0x80, v20, vm0, $0xb8;
	[tilespmem:$0x10680] =	vst v63  }
0x1b2: {  	s12 =	simm.s32 $0x5580;
	v20 =	vadd.s32 v2, v21;
	v21 =	vperm.xlane v17, v10  }
0x1b3: {  	[tilespmem:s12], [sflag:$0x2] =	stream.indirect_vreg.gather [hbm4b:s6+s3], $0x80, v18, vm0, $0xb8;
	[tilespmem:$0x10680] =	vst v63  }
0x1b4: {  	s26 =	simm.s32 $0x5600;
	v18 =	vadd.s32 v2, v21;
	v21 =	vperm.xlane v17, v11  }
0x1b5: {  	[tilespmem:s26], [sflag:$0x2] =	stream.indirect_vreg.gather [hbm4b:s6+s3], $0x80, v19, vm0, $0xb8;
	[tilespmem:$0x10680] =	vst v63  }
0x1b6: {  	s1 =	simm.s32 $0x5680;
	v19 =	vadd.s32 v2, v21;
	v21 =	vperm.xlane v17, v12  }
0x1b7: {  	[tilespmem:s1], [sflag:$0x2] =	stream.indirect_vreg.gather [hbm4b:s6+s3], $0x80, v20, vm0, $0xb8;
	[tilespmem:$0x10680] =	vst v63  }
0x1b8: {  	s2 =	simm.s32 $0x5700;
	v20 =	vadd.s32 v2, v21;
	v21 =	vperm.xlane v17, v13  }
0x1b9: {  	[tilespmem:s2], [sflag:$0x2] =	stream.indirect_vreg.gather [hbm4b:s6+s3], $0x80, v18, vm0, $0xb8;
	[tilespmem:$0x10680] =	vst v63  }
0x1ba: {  	s12 =	simm.s32 $0x5780;
	v18 =	vadd.s32 v2, v21;
	v21 =	vperm.xlane v17, v14  }
0x1bb: {  	[tilespmem:s12], [sflag:$0x2] =	stream.indirect_vreg.gather [hbm4b:s6+s3], $0x80, v19, vm0, $0xb8;
	[tilespmem:$0x10680] =	vst v63  }
0x1bc: {  	s26 =	simm.s32 $0x5800;
	v19 =	vadd.s32 v2, v21;
	v21 =	vperm.xlane v17, v15  }
0x1bd: {  	[tilespmem:s26], [sflag:$0x2] =	stream.indirect_vreg.gather [hbm4b:s6+s3], $0x80, v20, vm0, $0xb8;
	[tilespmem:$0x10680] =	vst v63  }
0x1be: {  	s1 =	simm.s32 $0x5880;
	v17 =	vperm.xlane v17, v16;
	v20 =	vadd.s32 v2, v21  }
0x1bf: {  	[tilespmem:s1], [sflag:$0x2] =	stream.indirect_vreg.gather [hbm4b:s6+s3], $0x80, v18, vm0, $0xb8;
	[tilespmem:$0x10680] =	vst v63  }
0x1c0: {  	s2 =	simm.s32 $0x5900;
	v17 =	vadd.s32 v2, v17  }
0x1c1: {  	[tilespmem:s2], [sflag:$0x2] =	stream.indirect_vreg.gather [hbm4b:s6+s3], $0x80, v19, vm0, $0xb8;
	[tilespmem:$0x10680] =	vst v63  }
0x1c2: {  	s12 =	simm.s32 $0x5980  }
0x1c3: {  	[tilespmem:s12], [sflag:$0x2] =	stream.indirect_vreg.gather [hbm4b:s6+s3], $0x80, v20, vm0, $0xb8;
	[tilespmem:$0x10680] =	vst v63  }
0x1c4: {  	s26 =	simm.s32 $0x5A00  }
0x1c5: {  	[tilespmem:s26], [sflag:$0x2] =	stream.indirect_vreg.gather [hbm4b:s6+s3], $0x80, v17, vm0, $0xb8;
	[tilespmem:$0x10680] =	vst v63  }
0x1c6: {  	v17 =	vld [tilespmem:$0xB0];
	_ =	sdelay $0x4  }
0x1c7: {  	v18 =	vshll.u32 v17, $0x7  }
0x1c8: {  	v17 =	vand.u32 $0x7, v17;
	v18 =	vand.u32 $0xFFFFFC00, v18  }
0x1c9: {  	v17 =	vor.u32 v17, v18  }
0x1ca: {  	v18 =	vperm.xlane v17, v1;
	_ =	sdelay $0x1  }
0x1cb: {  	v19 =	vperm.xlane v17, v3;
	v18 =	vadd.s32 v2, v18;
	_ =	sdelay $0x1  }
0x1cc: {  	v20 =	vperm.xlane v17, v4;
	v19 =	vadd.s32 v2, v19;
	_ =	sdelay $0x1  }
0x1cd: {  	s1 =	simm.s32 $0x5A80;
	v21 =	vperm.xlane v17, v5;
	v20 =	vadd.s32 v2, v20  }
0x1ce: {  	[tilespmem:s1], [sflag:$0x2] =	stream.indirect_vreg.gather [hbm4b:s6+s3], $0x80, v18, vm0, $0xb8;
	[tilespmem:$0x10680] =	vst v63  }
0x1cf: {  	s2 =	simm.s32 $0x5B00;
	v18 =	vadd.s32 v2, v21;
	v21 =	vperm.xlane v17, v6  }
0x1d0: {  	[tilespmem:s2], [sflag:$0x2] =	stream.indirect_vreg.gather [hbm4b:s6+s3], $0x80, v19, vm0, $0xb8;
	[tilespmem:$0x10680] =	vst v63  }
0x1d1: {  	s12 =	simm.s32 $0x5B80;
	v19 =	vadd.s32 v2, v21;
	v21 =	vperm.xlane v17, v7  }
0x1d2: {  	[tilespmem:s12], [sflag:$0x2] =	stream.indirect_vreg.gather [hbm4b:s6+s3], $0x80, v20, vm0, $0xb8;
	[tilespmem:$0x10680] =	vst v63  }
0x1d3: {  	s26 =	simm.s32 $0x5C00;
	v20 =	vadd.s32 v2, v21;
	v21 =	vperm.xlane v17, v8  }
0x1d4: {  	[tilespmem:s26], [sflag:$0x2] =	stream.indirect_vreg.gather [hbm4b:s6+s3], $0x80, v18, vm0, $0xb8;
	[tilespmem:$0x10680] =	vst v63  }
0x1d5: {  	s1 =	simm.s32 $0x5C80;
	v18 =	vadd.s32 v2, v21;
	v21 =	vperm.xlane v17, v0  }
0x1d6: {  	[tilespmem:s1], [sflag:$0x2] =	stream.indirect_vreg.gather [hbm4b:s6+s3], $0x80, v19, vm0, $0xb8;
	[tilespmem:$0x10680] =	vst v63  }
0x1d7: {  	s2 =	simm.s32 $0x5D00;
	v19 =	vadd.s32 v2, v21;
	v21 =	vperm.xlane v17, v9  }
0x1d8: {  	[tilespmem:s2], [sflag:$0x2] =	stream.indirect_vreg.gather [hbm4b:s6+s3], $0x80, v20, vm0, $0xb8;
	[tilespmem:$0x10680] =	vst v63  }
0x1d9: {  	s12 =	simm.s32 $0x5D80;
	v20 =	vadd.s32 v2, v21;
	v21 =	vperm.xlane v17, v10  }
0x1da: {  	[tilespmem:s12], [sflag:$0x2] =	stream.indirect_vreg.gather [hbm4b:s6+s3], $0x80, v18, vm0, $0xb8;
	[tilespmem:$0x10680] =	vst v63  }
0x1db: {  	s26 =	simm.s32 $0x5E00;
	v18 =	vadd.s32 v2, v21;
	v21 =	vperm.xlane v17, v11  }
0x1dc: {  	[tilespmem:s26], [sflag:$0x2] =	stream.indirect_vreg.gather [hbm4b:s6+s3], $0x80, v19, vm0, $0xb8;
	[tilespmem:$0x10680] =	vst v63  }
0x1dd: {  	s1 =	simm.s32 $0x5E80;
	v19 =	vadd.s32 v2, v21;
	v21 =	vperm.xlane v17, v12  }
0x1de: {  	[tilespmem:s1], [sflag:$0x2] =	stream.indirect_vreg.gather [hbm4b:s6+s3], $0x80, v20, vm0, $0xb8;
	[tilespmem:$0x10680] =	vst v63  }
0x1df: {  	s2 =	simm.s32 $0x5F00;
	v20 =	vadd.s32 v2, v21;
	v21 =	vperm.xlane v17, v13  }
0x1e0: {  	[tilespmem:s2], [sflag:$0x2] =	stream.indirect_vreg.gather [hbm4b:s6+s3], $0x80, v18, vm0, $0xb8;
	[tilespmem:$0x10680] =	vst v63  }
0x1e1: {  	s12 =	simm.s32 $0x5F80;
	v18 =	vadd.s32 v2, v21;
	v21 =	vperm.xlane v17, v14  }
0x1e2: {  	[tilespmem:s12], [sflag:$0x2] =	stream.indirect_vreg.gather [hbm4b:s6+s3], $0x80, v19, vm0, $0xb8;
	[tilespmem:$0x10680] =	vst v63  }
0x1e3: {  	s26 =	simm.s32 $0x6000;
	v19 =	vadd.s32 v2, v21;
	v21 =	vperm.xlane v17, v15  }
0x1e4: {  	[tilespmem:s26], [sflag:$0x2] =	stream.indirect_vreg.gather [hbm4b:s6+s3], $0x80, v20, vm0, $0xb8;
	[tilespmem:$0x10680] =	vst v63  }
0x1e5: {  	s1 =	simm.s32 $0x6080;
	v17 =	vperm.xlane v17, v16;
	v20 =	vadd.s32 v2, v21  }
0x1e6: {  	[tilespmem:s1], [sflag:$0x2] =	stream.indirect_vreg.gather [hbm4b:s6+s3], $0x80, v18, vm0, $0xb8;
	[tilespmem:$0x10680] =	vst v63  }
0x1e7: {  	s2 =	simm.s32 $0x6100;
	v17 =	vadd.s32 v2, v17  }
0x1e8: {  	[tilespmem:s2], [sflag:$0x2] =	stream.indirect_vreg.gather [hbm4b:s6+s3], $0x80, v19, vm0, $0xb8;
	[tilespmem:$0x10680] =	vst v63  }
0x1e9: {  	s12 =	simm.s32 $0x6180  }
0x1ea: {  	[tilespmem:s12], [sflag:$0x2] =	stream.indirect_vreg.gather [hbm4b:s6+s3], $0x80, v20, vm0, $0xb8;
	[tilespmem:$0x10680] =	vst v63  }
0x1eb: {  	s26 =	simm.s32 $0x6200  }
0x1ec: {  	[tilespmem:s26], [sflag:$0x2] =	stream.indirect_vreg.gather [hbm4b:s6+s3], $0x80, v17, vm0, $0xb8;
	[tilespmem:$0x10680] =	vst v63  }
0x1ed: {  	v17 =	vld [tilespmem:$0xC0];
	_ =	sdelay $0x4  }
0x1ee: {  	v18 =	vshll.u32 v17, $0x7  }
0x1ef: {  	v17 =	vand.u32 $0x7, v17;
	v18 =	vand.u32 $0xFFFFFC00, v18  }
0x1f0: {  	v17 =	vor.u32 v17, v18  }
0x1f1: {  	v18 =	vperm.xlane v17, v1;
	_ =	sdelay $0x1  }
0x1f2: {  	v19 =	vperm.xlane v17, v3;
	v18 =	vadd.s32 v2, v18;
	_ =	sdelay $0x1  }
0x1f3: {  	v20 =	vperm.xlane v17, v4;
	v19 =	vadd.s32 v2, v19;
	_ =	sdelay $0x1  }
0x1f4: {  	s1 =	simm.s32 $0x6280;
	v21 =	vperm.xlane v17, v5;
	v20 =	vadd.s32 v2, v20  }
0x1f5: {  	[tilespmem:s1], [sflag:$0x2] =	stream.indirect_vreg.gather [hbm4b:s6+s3], $0x80, v18, vm0, $0xb8;
	[tilespmem:$0x10680] =	vst v63  }
0x1f6: {  	s2 =	simm.s32 $0x6300;
	v18 =	vadd.s32 v2, v21;
	v21 =	vperm.xlane v17, v6  }
0x1f7: {  	[tilespmem:s2], [sflag:$0x2] =	stream.indirect_vreg.gather [hbm4b:s6+s3], $0x80, v19, vm0, $0xb8;
	[tilespmem:$0x10680] =	vst v63  }
0x1f8: {  	s12 =	simm.s32 $0x6380;
	v19 =	vadd.s32 v2, v21;
	v21 =	vperm.xlane v17, v7  }
0x1f9: {  	[tilespmem:s12], [sflag:$0x2] =	stream.indirect_vreg.gather [hbm4b:s6+s3], $0x80, v20, vm0, $0xb8;
	[tilespmem:$0x10680] =	vst v63  }
0x1fa: {  	s26 =	simm.s32 $0x6400;
	v20 =	vadd.s32 v2, v21;
	v21 =	vperm.xlane v17, v8  }
0x1fb: {  	[tilespmem:s26], [sflag:$0x2] =	stream.indirect_vreg.gather [hbm4b:s6+s3], $0x80, v18, vm0, $0xb8;
	[tilespmem:$0x10680] =	vst v63  }
0x1fc: {  	s1 =	simm.s32 $0x6480;
	v18 =	vadd.s32 v2, v21;
	v21 =	vperm.xlane v17, v0  }
0x1fd: {  	[tilespmem:s1], [sflag:$0x2] =	stream.indirect_vreg.gather [hbm4b:s6+s3], $0x80, v19, vm0, $0xb8;
	[tilespmem:$0x10680] =	vst v63  }
0x1fe: {  	s2 =	simm.s32 $0x6500;
	v19 =	vadd.s32 v2, v21;
	v21 =	vperm.xlane v17, v9  }
0x1ff: {  	[tilespmem:s2], [sflag:$0x2] =	stream.indirect_vreg.gather [hbm4b:s6+s3], $0x80, v20, vm0, $0xb8;
	[tilespmem:$0x10680] =	vst v63  }
0x200: {  	s12 =	simm.s32 $0x6580;
	v20 =	vadd.s32 v2, v21;
	v21 =	vperm.xlane v17, v10  }
0x201: {  	[tilespmem:s12], [sflag:$0x2] =	stream.indirect_vreg.gather [hbm4b:s6+s3], $0x80, v18, vm0, $0xb8;
	[tilespmem:$0x10680] =	vst v63  }
0x202: {  	s26 =	simm.s32 $0x6600;
	v18 =	vadd.s32 v2, v21;
	v21 =	vperm.xlane v17, v11  }
0x203: {  	[tilespmem:s26], [sflag:$0x2] =	stream.indirect_vreg.gather [hbm4b:s6+s3], $0x80, v19, vm0, $0xb8;
	[tilespmem:$0x10680] =	vst v63  }
0x204: {  	s1 =	simm.s32 $0x6680;
	v19 =	vadd.s32 v2, v21;
	v21 =	vperm.xlane v17, v12  }
0x205: {  	[tilespmem:s1], [sflag:$0x2] =	stream.indirect_vreg.gather [hbm4b:s6+s3], $0x80, v20, vm0, $0xb8;
	[tilespmem:$0x10680] =	vst v63  }
0x206: {  	s2 =	simm.s32 $0x6700;
	v20 =	vadd.s32 v2, v21;
	v21 =	vperm.xlane v17, v13  }
0x207: {  	[tilespmem:s2], [sflag:$0x2] =	stream.indirect_vreg.gather [hbm4b:s6+s3], $0x80, v18, vm0, $0xb8;
	[tilespmem:$0x10680] =	vst v63  }
0x208: {  	s12 =	simm.s32 $0x6780;
	v18 =	vadd.s32 v2, v21;
	v21 =	vperm.xlane v17, v14  }
0x209: {  	[tilespmem:s12], [sflag:$0x2] =	stream.indirect_vreg.gather [hbm4b:s6+s3], $0x80, v19, vm0, $0xb8;
	[tilespmem:$0x10680] =	vst v63  }
0x20a: {  	s26 =	simm.s32 $0x6800;
	v19 =	vadd.s32 v2, v21;
	v21 =	vperm.xlane v17, v15  }
0x20b: {  	[tilespmem:s26], [sflag:$0x2] =	stream.indirect_vreg.gather [hbm4b:s6+s3], $0x80, v20, vm0, $0xb8;
	[tilespmem:$0x10680] =	vst v63  }
0x20c: {  	s1 =	simm.s32 $0x6880;
	v17 =	vperm.xlane v17, v16;
	v20 =	vadd.s32 v2, v21  }
0x20d: {  	[tilespmem:s1], [sflag:$0x2] =	stream.indirect_vreg.gather [hbm4b:s6+s3], $0x80, v18, vm0, $0xb8;
	[tilespmem:$0x10680] =	vst v63  }
0x20e: {  	s2 =	simm.s32 $0x6900;
	v17 =	vadd.s32 v2, v17  }
0x20f: {  	[tilespmem:s2], [sflag:$0x2] =	stream.indirect_vreg.gather [hbm4b:s6+s3], $0x80, v19, vm0, $0xb8;
	[tilespmem:$0x10680] =	vst v63  }
0x210: {  	s12 =	simm.s32 $0x6980  }
0x211: {  	[tilespmem:s12], [sflag:$0x2] =	stream.indirect_vreg.gather [hbm4b:s6+s3], $0x80, v20, vm0, $0xb8;
	[tilespmem:$0x10680] =	vst v63  }
0x212: {  	s26 =	simm.s32 $0x6A00  }
0x213: {  	[tilespmem:s26], [sflag:$0x2] =	stream.indirect_vreg.gather [hbm4b:s6+s3], $0x80, v17, vm0, $0xb8;
	[tilespmem:$0x10680] =	vst v63  }
0x214: {  	v17 =	vld [tilespmem:$0xD0];
	_ =	sdelay $0x4  }
0x215: {  	v18 =	vshll.u32 v17, $0x7  }
0x216: {  	v17 =	vand.u32 $0x7, v17;
	v18 =	vand.u32 $0xFFFFFC00, v18  }
0x217: {  	v17 =	vor.u32 v17, v18  }
0x218: {  	v18 =	vperm.xlane v17, v1;
	_ =	sdelay $0x1  }
0x219: {  	v19 =	vperm.xlane v17, v3;
	v18 =	vadd.s32 v2, v18;
	_ =	sdelay $0x1  }
0x21a: {  	v20 =	vperm.xlane v17, v4;
	v19 =	vadd.s32 v2, v19;
	_ =	sdelay $0x1  }
0x21b: {  	s1 =	simm.s32 $0x6A80;
	v21 =	vperm.xlane v17, v5;
	v20 =	vadd.s32 v2, v20  }
0x21c: {  	[tilespmem:s1], [sflag:$0x2] =	stream.indirect_vreg.gather [hbm4b:s6+s3], $0x80, v18, vm0, $0xb8;
	[tilespmem:$0x10680] =	vst v63  }
0x21d: {  	s2 =	simm.s32 $0x6B00;
	v18 =	vadd.s32 v2, v21;
	v21 =	vperm.xlane v17, v6  }
0x21e: {  	[tilespmem:s2], [sflag:$0x2] =	stream.indirect_vreg.gather [hbm4b:s6+s3], $0x80, v19, vm0, $0xb8;
	[tilespmem:$0x10680] =	vst v63  }
0x21f: {  	s12 =	simm.s32 $0x6B80;
	v19 =	vadd.s32 v2, v21;
	v21 =	vperm.xlane v17, v7  }
0x220: {  	[tilespmem:s12], [sflag:$0x2] =	stream.indirect_vreg.gather [hbm4b:s6+s3], $0x80, v20, vm0, $0xb8;
	[tilespmem:$0x10680] =	vst v63  }
0x221: {  	s26 =	simm.s32 $0x6C00;
	v20 =	vadd.s32 v2, v21;
	v21 =	vperm.xlane v17, v8  }
0x222: {  	[tilespmem:s26], [sflag:$0x2] =	stream.indirect_vreg.gather [hbm4b:s6+s3], $0x80, v18, vm0, $0xb8;
	[tilespmem:$0x10680] =	vst v63  }
0x223: {  	s1 =	simm.s32 $0x6C80;
	v18 =	vadd.s32 v2, v21;
	v21 =	vperm.xlane v17, v0  }
0x224: {  	[tilespmem:s1], [sflag:$0x2] =	stream.indirect_vreg.gather [hbm4b:s6+s3], $0x80, v19, vm0, $0xb8;
	[tilespmem:$0x10680] =	vst v63  }
0x225: {  	s2 =	simm.s32 $0x6D00;
	v19 =	vadd.s32 v2, v21;
	v21 =	vperm.xlane v17, v9  }
0x226: {  	[tilespmem:s2], [sflag:$0x2] =	stream.indirect_vreg.gather [hbm4b:s6+s3], $0x80, v20, vm0, $0xb8;
	[tilespmem:$0x10680] =	vst v63  }
0x227: {  	s12 =	simm.s32 $0x6D80;
	v20 =	vadd.s32 v2, v21;
	v21 =	vperm.xlane v17, v10  }
0x228: {  	[tilespmem:s12], [sflag:$0x2] =	stream.indirect_vreg.gather [hbm4b:s6+s3], $0x80, v18, vm0, $0xb8;
	[tilespmem:$0x10680] =	vst v63  }
0x229: {  	s26 =	simm.s32 $0x6E00;
	v18 =	vadd.s32 v2, v21;
	v21 =	vperm.xlane v17, v11  }
0x22a: {  	[tilespmem:s26], [sflag:$0x2] =	stream.indirect_vreg.gather [hbm4b:s6+s3], $0x80, v19, vm0, $0xb8;
	[tilespmem:$0x10680] =	vst v63  }
0x22b: {  	s1 =	simm.s32 $0x6E80;
	v19 =	vadd.s32 v2, v21;
	v21 =	vperm.xlane v17, v12  }
0x22c: {  	[tilespmem:s1], [sflag:$0x2] =	stream.indirect_vreg.gather [hbm4b:s6+s3], $0x80, v20, vm0, $0xb8;
	[tilespmem:$0x10680] =	vst v63  }
0x22d: {  	s2 =	simm.s32 $0x6F00;
	v20 =	vadd.s32 v2, v21;
	v21 =	vperm.xlane v17, v13  }
0x22e: {  	[tilespmem:s2], [sflag:$0x2] =	stream.indirect_vreg.gather [hbm4b:s6+s3], $0x80, v18, vm0, $0xb8;
	[tilespmem:$0x10680] =	vst v63  }
0x22f: {  	s12 =	simm.s32 $0x6F80;
	v18 =	vadd.s32 v2, v21;
	v21 =	vperm.xlane v17, v14  }
0x230: {  	[tilespmem:s12], [sflag:$0x2] =	stream.indirect_vreg.gather [hbm4b:s6+s3], $0x80, v19, vm0, $0xb8;
	[tilespmem:$0x10680] =	vst v63  }
0x231: {  	s26 =	simm.s32 $0x7000;
	v19 =	vadd.s32 v2, v21;
	v21 =	vperm.xlane v17, v15  }
0x232: {  	[tilespmem:s26], [sflag:$0x2] =	stream.indirect_vreg.gather [hbm4b:s6+s3], $0x80, v20, vm0, $0xb8;
	[tilespmem:$0x10680] =	vst v63  }
0x233: {  	s1 =	simm.s32 $0x7080;
	v17 =	vperm.xlane v17, v16;
	v20 =	vadd.s32 v2, v21  }
0x234: {  	[tilespmem:s1], [sflag:$0x2] =	stream.indirect_vreg.gather [hbm4b:s6+s3], $0x80, v18, vm0, $0xb8;
	[tilespmem:$0x10680] =	vst v63  }
0x235: {  	s2 =	simm.s32 $0x7100;
	v17 =	vadd.s32 v2, v17  }
0x236: {  	[tilespmem:s2], [sflag:$0x2] =	stream.indirect_vreg.gather [hbm4b:s6+s3], $0x80, v19, vm0, $0xb8;
	[tilespmem:$0x10680] =	vst v63  }
0x237: {  	s12 =	simm.s32 $0x7180  }
0x238: {  	[tilespmem:s12], [sflag:$0x2] =	stream.indirect_vreg.gather [hbm4b:s6+s3], $0x80, v20, vm0, $0xb8;
	[tilespmem:$0x10680] =	vst v63  }
0x239: {  	s26 =	simm.s32 $0x7200  }
0x23a: {  	[tilespmem:s26], [sflag:$0x2] =	stream.indirect_vreg.gather [hbm4b:s6+s3], $0x80, v17, vm0, $0xb8;
	[tilespmem:$0x10680] =	vst v63  }
0x23b: {  	v17 =	vld [tilespmem:$0xE0];
	_ =	sdelay $0x4  }
0x23c: {  	v18 =	vshll.u32 v17, $0x7  }
0x23d: {  	v17 =	vand.u32 $0x7, v17;
	v18 =	vand.u32 $0xFFFFFC00, v18  }
0x23e: {  	v17 =	vor.u32 v17, v18  }
0x23f: {  	v18 =	vperm.xlane v17, v1;
	_ =	sdelay $0x1  }
0x240: {  	v19 =	vperm.xlane v17, v3;
	v18 =	vadd.s32 v2, v18;
	_ =	sdelay $0x1  }
0x241: {  	v20 =	vperm.xlane v17, v4;
	v19 =	vadd.s32 v2, v19;
	_ =	sdelay $0x1  }
0x242: {  	s1 =	simm.s32 $0x7280;
	v21 =	vperm.xlane v17, v5;
	v20 =	vadd.s32 v2, v20  }
0x243: {  	[tilespmem:s1], [sflag:$0x2] =	stream.indirect_vreg.gather [hbm4b:s6+s3], $0x80, v18, vm0, $0xb8;
	[tilespmem:$0x10680] =	vst v63  }
0x244: {  	s2 =	simm.s32 $0x7300;
	v18 =	vadd.s32 v2, v21;
	v21 =	vperm.xlane v17, v6  }
0x245: {  	[tilespmem:s2], [sflag:$0x2] =	stream.indirect_vreg.gather [hbm4b:s6+s3], $0x80, v19, vm0, $0xb8;
	[tilespmem:$0x10680] =	vst v63  }
0x246: {  	s12 =	simm.s32 $0x7380;
	v19 =	vadd.s32 v2, v21;
	v21 =	vperm.xlane v17, v7  }
0x247: {  	[tilespmem:s12], [sflag:$0x2] =	stream.indirect_vreg.gather [hbm4b:s6+s3], $0x80, v20, vm0, $0xb8;
	[tilespmem:$0x10680] =	vst v63  }
0x248: {  	s26 =	simm.s32 $0x7400;
	v20 =	vadd.s32 v2, v21;
	v21 =	vperm.xlane v17, v8  }
0x249: {  	[tilespmem:s26], [sflag:$0x2] =	stream.indirect_vreg.gather [hbm4b:s6+s3], $0x80, v18, vm0, $0xb8;
	[tilespmem:$0x10680] =	vst v63  }
0x24a: {  	s1 =	simm.s32 $0x7480;
	v18 =	vadd.s32 v2, v21;
	v21 =	vperm.xlane v17, v0  }
0x24b: {  	[tilespmem:s1], [sflag:$0x2] =	stream.indirect_vreg.gather [hbm4b:s6+s3], $0x80, v19, vm0, $0xb8;
	[tilespmem:$0x10680] =	vst v63  }
0x24c: {  	s2 =	simm.s32 $0x7500;
	v19 =	vadd.s32 v2, v21;
	v21 =	vperm.xlane v17, v9  }
0x24d: {  	[tilespmem:s2], [sflag:$0x2] =	stream.indirect_vreg.gather [hbm4b:s6+s3], $0x80, v20, vm0, $0xb8;
	[tilespmem:$0x10680] =	vst v63  }
0x24e: {  	s12 =	simm.s32 $0x7580;
	v20 =	vadd.s32 v2, v21;
	v21 =	vperm.xlane v17, v10  }
0x24f: {  	[tilespmem:s12], [sflag:$0x2] =	stream.indirect_vreg.gather [hbm4b:s6+s3], $0x80, v18, vm0, $0xb8;
	[tilespmem:$0x10680] =	vst v63  }
0x250: {  	s26 =	simm.s32 $0x7600;
	v18 =	vadd.s32 v2, v21;
	v21 =	vperm.xlane v17, v11  }
0x251: {  	[tilespmem:s26], [sflag:$0x2] =	stream.indirect_vreg.gather [hbm4b:s6+s3], $0x80, v19, vm0, $0xb8;
	[tilespmem:$0x10680] =	vst v63  }
0x252: {  	s1 =	simm.s32 $0x7680;
	v19 =	vadd.s32 v2, v21;
	v21 =	vperm.xlane v17, v12  }
0x253: {  	[tilespmem:s1], [sflag:$0x2] =	stream.indirect_vreg.gather [hbm4b:s6+s3], $0x80, v20, vm0, $0xb8;
	[tilespmem:$0x10680] =	vst v63  }
0x254: {  	s2 =	simm.s32 $0x7700;
	v20 =	vadd.s32 v2, v21;
	v21 =	vperm.xlane v17, v13  }
0x255: {  	[tilespmem:s2], [sflag:$0x2] =	stream.indirect_vreg.gather [hbm4b:s6+s3], $0x80, v18, vm0, $0xb8;
	[tilespmem:$0x10680] =	vst v63  }
0x256: {  	s12 =	simm.s32 $0x7780;
	v18 =	vadd.s32 v2, v21;
	v21 =	vperm.xlane v17, v14  }
0x257: {  	[tilespmem:s12], [sflag:$0x2] =	stream.indirect_vreg.gather [hbm4b:s6+s3], $0x80, v19, vm0, $0xb8;
	[tilespmem:$0x10680] =	vst v63  }
0x258: {  	s26 =	simm.s32 $0x7800;
	v19 =	vadd.s32 v2, v21;
	v21 =	vperm.xlane v17, v15  }
0x259: {  	[tilespmem:s26], [sflag:$0x2] =	stream.indirect_vreg.gather [hbm4b:s6+s3], $0x80, v20, vm0, $0xb8;
	[tilespmem:$0x10680] =	vst v63  }
0x25a: {  	s1 =	simm.s32 $0x7880;
	v17 =	vperm.xlane v17, v16;
	v20 =	vadd.s32 v2, v21  }
0x25b: {  	[tilespmem:s1], [sflag:$0x2] =	stream.indirect_vreg.gather [hbm4b:s6+s3], $0x80, v18, vm0, $0xb8;
	[tilespmem:$0x10680] =	vst v63  }
0x25c: {  	s2 =	simm.s32 $0x7900;
	v17 =	vadd.s32 v2, v17  }
0x25d: {  	[tilespmem:s2], [sflag:$0x2] =	stream.indirect_vreg.gather [hbm4b:s6+s3], $0x80, v19, vm0, $0xb8;
	[tilespmem:$0x10680] =	vst v63  }
0x25e: {  	s12 =	simm.s32 $0x7980  }
0x25f: {  	[tilespmem:s12], [sflag:$0x2] =	stream.indirect_vreg.gather [hbm4b:s6+s3], $0x80, v20, vm0, $0xb8;
	[tilespmem:$0x10680] =	vst v63  }
0x260: {  	s26 =	simm.s32 $0x7A00  }
0x261: {  	[tilespmem:s26], [sflag:$0x2] =	stream.indirect_vreg.gather [hbm4b:s6+s3], $0x80, v17, vm0, $0xb8;
	[tilespmem:$0x10680] =	vst v63  }
0x262: {  	v17 =	vld [tilespmem:$0xF0];
	_ =	sdelay $0x4  }
0x263: {  	v18 =	vshll.u32 v17, $0x7  }
0x264: {  	v17 =	vand.u32 $0x7, v17;
	v18 =	vand.u32 $0xFFFFFC00, v18  }
0x265: {  	v17 =	vor.u32 v17, v18  }
0x266: {  	v18 =	vperm.xlane v17, v1;
	_ =	sdelay $0x1  }
0x267: {  	v19 =	vperm.xlane v17, v3;
	v18 =	vadd.s32 v2, v18;
	_ =	sdelay $0x1  }
0x268: {  	v20 =	vperm.xlane v17, v4;
	v19 =	vadd.s32 v2, v19;
	_ =	sdelay $0x1  }
0x269: {  	s1 =	simm.s32 $0x7A80;
	v21 =	vperm.xlane v17, v5;
	v20 =	vadd.s32 v2, v20  }
0x26a: {  	[tilespmem:s1], [sflag:$0x2] =	stream.indirect_vreg.gather [hbm4b:s6+s3], $0x80, v18, vm0, $0xb8;
	[tilespmem:$0x10680] =	vst v63  }
0x26b: {  	s2 =	simm.s32 $0x7B00;
	v18 =	vadd.s32 v2, v21;
	v21 =	vperm.xlane v17, v6  }
0x26c: {  	[tilespmem:s2], [sflag:$0x2] =	stream.indirect_vreg.gather [hbm4b:s6+s3], $0x80, v19, vm0, $0xb8;
	[tilespmem:$0x10680] =	vst v63  }
0x26d: {  	s12 =	simm.s32 $0x7B80;
	v19 =	vadd.s32 v2, v21;
	v21 =	vperm.xlane v17, v7  }
0x26e: {  	[tilespmem:s12], [sflag:$0x2] =	stream.indirect_vreg.gather [hbm4b:s6+s3], $0x80, v20, vm0, $0xb8;
	[tilespmem:$0x10680] =	vst v63  }
0x26f: {  	s26 =	simm.s32 $0x7C00;
	v20 =	vadd.s32 v2, v21;
	v21 =	vperm.xlane v17, v8  }
0x270: {  	[tilespmem:s26], [sflag:$0x2] =	stream.indirect_vreg.gather [hbm4b:s6+s3], $0x80, v18, vm0, $0xb8;
	[tilespmem:$0x10680] =	vst v63  }
0x271: {  	s1 =	simm.s32 $0x7C80;
	v18 =	vadd.s32 v2, v21;
	v21 =	vperm.xlane v17, v0  }
0x272: {  	[tilespmem:s1], [sflag:$0x2] =	stream.indirect_vreg.gather [hbm4b:s6+s3], $0x80, v19, vm0, $0xb8;
	[tilespmem:$0x10680] =	vst v63  }
0x273: {  	s2 =	simm.s32 $0x7D00;
	v19 =	vadd.s32 v2, v21;
	v21 =	vperm.xlane v17, v9  }
0x274: {  	[tilespmem:s2], [sflag:$0x2] =	stream.indirect_vreg.gather [hbm4b:s6+s3], $0x80, v20, vm0, $0xb8;
	[tilespmem:$0x10680] =	vst v63  }
0x275: {  	s12 =	simm.s32 $0x7D80;
	v20 =	vadd.s32 v2, v21;
	v21 =	vperm.xlane v17, v10  }
0x276: {  	[tilespmem:s12], [sflag:$0x2] =	stream.indirect_vreg.gather [hbm4b:s6+s3], $0x80, v18, vm0, $0xb8;
	[tilespmem:$0x10680] =	vst v63  }
0x277: {  	s26 =	simm.s32 $0x7E00;
	v18 =	vadd.s32 v2, v21;
	v21 =	vperm.xlane v17, v11  }
0x278: {  	[tilespmem:s26], [sflag:$0x2] =	stream.indirect_vreg.gather [hbm4b:s6+s3], $0x80, v19, vm0, $0xb8;
	[tilespmem:$0x10680] =	vst v63  }
0x279: {  	s1 =	simm.s32 $0x7E80;
	v19 =	vadd.s32 v2, v21;
	v21 =	vperm.xlane v17, v12  }
0x27a: {  	[tilespmem:s1], [sflag:$0x2] =	stream.indirect_vreg.gather [hbm4b:s6+s3], $0x80, v20, vm0, $0xb8;
	[tilespmem:$0x10680] =	vst v63  }
0x27b: {  	s2 =	simm.s32 $0x7F00;
	v20 =	vadd.s32 v2, v21;
	v21 =	vperm.xlane v17, v13  }
0x27c: {  	[tilespmem:s2], [sflag:$0x2] =	stream.indirect_vreg.gather [hbm4b:s6+s3], $0x80, v18, vm0, $0xb8;
	[tilespmem:$0x10680] =	vst v63  }
0x27d: {  	s12 =	simm.s32 $0x7F80;
	v18 =	vadd.s32 v2, v21;
	v21 =	vperm.xlane v17, v14  }
0x27e: {  	[tilespmem:s12], [sflag:$0x2] =	stream.indirect_vreg.gather [hbm4b:s6+s3], $0x80, v19, vm0, $0xb8;
	[tilespmem:$0x10680] =	vst v63  }
0x27f: {  	s26 =	simm.s32 $0x8000;
	v19 =	vadd.s32 v2, v21;
	v21 =	vperm.xlane v17, v15  }
0x280: {  	[tilespmem:s26], [sflag:$0x2] =	stream.indirect_vreg.gather [hbm4b:s6+s3], $0x80, v20, vm0, $0xb8;
	[tilespmem:$0x10680] =	vst v63  }
0x281: {  	s1 =	simm.s32 $0x8080;
	v17 =	vperm.xlane v17, v16;
	v20 =	vadd.s32 v2, v21  }
0x282: {  	[tilespmem:s1], [sflag:$0x2] =	stream.indirect_vreg.gather [hbm4b:s6+s3], $0x80, v18, vm0, $0xb8;
	[tilespmem:$0x10680] =	vst v63  }
0x283: {  	s2 =	simm.s32 $0x8100;
	v17 =	vadd.s32 v2, v17  }
0x284: {  	[tilespmem:s2], [sflag:$0x2] =	stream.indirect_vreg.gather [hbm4b:s6+s3], $0x80, v19, vm0, $0xb8;
	[tilespmem:$0x10680] =	vst v63  }
0x285: {  	s12 =	simm.s32 $0x8180  }
0x286: {  	[tilespmem:s12], [sflag:$0x2] =	stream.indirect_vreg.gather [hbm4b:s6+s3], $0x80, v20, vm0, $0xb8;
	[tilespmem:$0x10680] =	vst v63  }
0x287: {  	s26 =	simm.s32 $0x8200  }
0x288: {  	[tilespmem:s26], [sflag:$0x2] =	stream.indirect_vreg.gather [hbm4b:s6+s3], $0x80, v17, vm0, $0xb8;
	[tilespmem:$0x10680] =	vst v63  }
0x289: {  	v17 =	vld [tilespmem:$0x100];
	_ =	sdelay $0x4  }
0x28a: {  	v18 =	vshll.u32 v17, $0x7  }
0x28b: {  	v17 =	vand.u32 $0x7, v17;
	v18 =	vand.u32 $0xFFFFFC00, v18  }
0x28c: {  	v17 =	vor.u32 v17, v18  }
0x28d: {  	v18 =	vperm.xlane v17, v1;
	_ =	sdelay $0x1  }
0x28e: {  	v19 =	vperm.xlane v17, v3;
	v18 =	vadd.s32 v2, v18;
	_ =	sdelay $0x1  }
0x28f: {  	v20 =	vperm.xlane v17, v4;
	v19 =	vadd.s32 v2, v19;
	_ =	sdelay $0x1  }
0x290: {  	s1 =	simm.s32 $0x8280;
	v21 =	vperm.xlane v17, v5;
	v20 =	vadd.s32 v2, v20  }
0x291: {  	[tilespmem:s1], [sflag:$0x3] =	stream.indirect_vreg.gather [hbm4b:s7+s3], $0x80, v18, vm0, $0xb8;
	[tilespmem:$0x10680] =	vst v63  }
0x292: {  	s2 =	simm.s32 $0x8300;
	v18 =	vadd.s32 v2, v21;
	v21 =	vperm.xlane v17, v6  }
0x293: {  	[tilespmem:s2], [sflag:$0x3] =	stream.indirect_vreg.gather [hbm4b:s7+s3], $0x80, v19, vm0, $0xb8;
	[tilespmem:$0x10680] =	vst v63  }
0x294: {  	s12 =	simm.s32 $0x8380;
	v19 =	vadd.s32 v2, v21;
	v21 =	vperm.xlane v17, v7  }
0x295: {  	[tilespmem:s12], [sflag:$0x3] =	stream.indirect_vreg.gather [hbm4b:s7+s3], $0x80, v20, vm0, $0xb8;
	[tilespmem:$0x10680] =	vst v63  }
0x296: {  	s26 =	simm.s32 $0x8400;
	v20 =	vadd.s32 v2, v21;
	v21 =	vperm.xlane v17, v8  }
0x297: {  	[tilespmem:s26], [sflag:$0x3] =	stream.indirect_vreg.gather [hbm4b:s7+s3], $0x80, v18, vm0, $0xb8;
	[tilespmem:$0x10680] =	vst v63  }
0x298: {  	s1 =	simm.s32 $0x8480;
	v18 =	vadd.s32 v2, v21;
	v21 =	vperm.xlane v17, v0  }
0x299: {  	[tilespmem:s1], [sflag:$0x3] =	stream.indirect_vreg.gather [hbm4b:s7+s3], $0x80, v19, vm0, $0xb8;
	[tilespmem:$0x10680] =	vst v63  }
0x29a: {  	s2 =	simm.s32 $0x8500;
	v19 =	vadd.s32 v2, v21;
	v21 =	vperm.xlane v17, v9  }
0x29b: {  	[tilespmem:s2], [sflag:$0x3] =	stream.indirect_vreg.gather [hbm4b:s7+s3], $0x80, v20, vm0, $0xb8;
	[tilespmem:$0x10680] =	vst v63  }
0x29c: {  	s12 =	simm.s32 $0x8580;
	v20 =	vadd.s32 v2, v21;
	v21 =	vperm.xlane v17, v10  }
0x29d: {  	[tilespmem:s12], [sflag:$0x3] =	stream.indirect_vreg.gather [hbm4b:s7+s3], $0x80, v18, vm0, $0xb8;
	[tilespmem:$0x10680] =	vst v63  }
0x29e: {  	s26 =	simm.s32 $0x8600;
	v18 =	vadd.s32 v2, v21;
	v21 =	vperm.xlane v17, v11  }
0x29f: {  	[tilespmem:s26], [sflag:$0x3] =	stream.indirect_vreg.gather [hbm4b:s7+s3], $0x80, v19, vm0, $0xb8;
	[tilespmem:$0x10680] =	vst v63  }
0x2a0: {  	s1 =	simm.s32 $0x8680;
	v19 =	vadd.s32 v2, v21;
	v21 =	vperm.xlane v17, v12  }
0x2a1: {  	[tilespmem:s1], [sflag:$0x3] =	stream.indirect_vreg.gather [hbm4b:s7+s3], $0x80, v20, vm0, $0xb8;
	[tilespmem:$0x10680] =	vst v63  }
0x2a2: {  	s2 =	simm.s32 $0x8700;
	v20 =	vadd.s32 v2, v21;
	v21 =	vperm.xlane v17, v13  }
0x2a3: {  	[tilespmem:s2], [sflag:$0x3] =	stream.indirect_vreg.gather [hbm4b:s7+s3], $0x80, v18, vm0, $0xb8;
	[tilespmem:$0x10680] =	vst v63  }
0x2a4: {  	s12 =	simm.s32 $0x8780;
	v18 =	vadd.s32 v2, v21;
	v21 =	vperm.xlane v17, v14  }
0x2a5: {  	[tilespmem:s12], [sflag:$0x3] =	stream.indirect_vreg.gather [hbm4b:s7+s3], $0x80, v19, vm0, $0xb8;
	[tilespmem:$0x10680] =	vst v63  }
0x2a6: {  	s26 =	simm.s32 $0x8800;
	v19 =	vadd.s32 v2, v21;
	v21 =	vperm.xlane v17, v15  }
0x2a7: {  	[tilespmem:s26], [sflag:$0x3] =	stream.indirect_vreg.gather [hbm4b:s7+s3], $0x80, v20, vm0, $0xb8;
	[tilespmem:$0x10680] =	vst v63  }
0x2a8: {  	s1 =	simm.s32 $0x8880;
	v17 =	vperm.xlane v17, v16;
	v20 =	vadd.s32 v2, v21  }
0x2a9: {  	[tilespmem:s1], [sflag:$0x3] =	stream.indirect_vreg.gather [hbm4b:s7+s3], $0x80, v18, vm0, $0xb8;
	[tilespmem:$0x10680] =	vst v63  }
0x2aa: {  	s2 =	simm.s32 $0x8900;
	v17 =	vadd.s32 v2, v17  }
0x2ab: {  	[tilespmem:s2], [sflag:$0x3] =	stream.indirect_vreg.gather [hbm4b:s7+s3], $0x80, v19, vm0, $0xb8;
	[tilespmem:$0x10680] =	vst v63  }
0x2ac: {  	s12 =	simm.s32 $0x8980  }
0x2ad: {  	[tilespmem:s12], [sflag:$0x3] =	stream.indirect_vreg.gather [hbm4b:s7+s3], $0x80, v20, vm0, $0xb8;
	[tilespmem:$0x10680] =	vst v63  }
0x2ae: {  	s26 =	simm.s32 $0x8A00  }
0x2af: {  	[tilespmem:s26], [sflag:$0x3] =	stream.indirect_vreg.gather [hbm4b:s7+s3], $0x80, v17, vm0, $0xb8;
	[tilespmem:$0x10680] =	vst v63  }
0x2b0: {  	v17 =	vld [tilespmem:$0x110];
	_ =	sdelay $0x4  }
0x2b1: {  	v18 =	vshll.u32 v17, $0x7  }
0x2b2: {  	v17 =	vand.u32 $0x7, v17;
	v18 =	vand.u32 $0xFFFFFC00, v18  }
0x2b3: {  	v17 =	vor.u32 v17, v18  }
0x2b4: {  	v18 =	vperm.xlane v17, v1;
	_ =	sdelay $0x1  }
0x2b5: {  	v19 =	vperm.xlane v17, v3;
	v18 =	vadd.s32 v2, v18;
	_ =	sdelay $0x1  }
0x2b6: {  	v20 =	vperm.xlane v17, v4;
	v19 =	vadd.s32 v2, v19;
	_ =	sdelay $0x1  }
0x2b7: {  	s1 =	simm.s32 $0x8A80;
	v21 =	vperm.xlane v17, v5;
	v20 =	vadd.s32 v2, v20  }
0x2b8: {  	[tilespmem:s1], [sflag:$0x3] =	stream.indirect_vreg.gather [hbm4b:s7+s3], $0x80, v18, vm0, $0xb8;
	[tilespmem:$0x10680] =	vst v63  }
0x2b9: {  	s2 =	simm.s32 $0x8B00;
	v18 =	vadd.s32 v2, v21;
	v21 =	vperm.xlane v17, v6  }
0x2ba: {  	[tilespmem:s2], [sflag:$0x3] =	stream.indirect_vreg.gather [hbm4b:s7+s3], $0x80, v19, vm0, $0xb8;
	[tilespmem:$0x10680] =	vst v63  }
0x2bb: {  	s12 =	simm.s32 $0x8B80;
	v19 =	vadd.s32 v2, v21;
	v21 =	vperm.xlane v17, v7  }
0x2bc: {  	[tilespmem:s12], [sflag:$0x3] =	stream.indirect_vreg.gather [hbm4b:s7+s3], $0x80, v20, vm0, $0xb8;
	[tilespmem:$0x10680] =	vst v63  }
0x2bd: {  	s26 =	simm.s32 $0x8C00;
	v20 =	vadd.s32 v2, v21;
	v21 =	vperm.xlane v17, v8  }
0x2be: {  	[tilespmem:s26], [sflag:$0x3] =	stream.indirect_vreg.gather [hbm4b:s7+s3], $0x80, v18, vm0, $0xb8;
	[tilespmem:$0x10680] =	vst v63  }
0x2bf: {  	s1 =	simm.s32 $0x8C80;
	v18 =	vadd.s32 v2, v21;
	v21 =	vperm.xlane v17, v0  }
0x2c0: {  	[tilespmem:s1], [sflag:$0x3] =	stream.indirect_vreg.gather [hbm4b:s7+s3], $0x80, v19, vm0, $0xb8;
	[tilespmem:$0x10680] =	vst v63  }
0x2c1: {  	s2 =	simm.s32 $0x8D00;
	v19 =	vadd.s32 v2, v21;
	v21 =	vperm.xlane v17, v9  }
0x2c2: {  	[tilespmem:s2], [sflag:$0x3] =	stream.indirect_vreg.gather [hbm4b:s7+s3], $0x80, v20, vm0, $0xb8;
	[tilespmem:$0x10680] =	vst v63  }
0x2c3: {  	s12 =	simm.s32 $0x8D80;
	v20 =	vadd.s32 v2, v21;
	v21 =	vperm.xlane v17, v10  }
0x2c4: {  	[tilespmem:s12], [sflag:$0x3] =	stream.indirect_vreg.gather [hbm4b:s7+s3], $0x80, v18, vm0, $0xb8;
	[tilespmem:$0x10680] =	vst v63  }
0x2c5: {  	s26 =	simm.s32 $0x8E00;
	v18 =	vadd.s32 v2, v21;
	v21 =	vperm.xlane v17, v11  }
0x2c6: {  	[tilespmem:s26], [sflag:$0x3] =	stream.indirect_vreg.gather [hbm4b:s7+s3], $0x80, v19, vm0, $0xb8;
	[tilespmem:$0x10680] =	vst v63  }
0x2c7: {  	s1 =	simm.s32 $0x8E80;
	v19 =	vadd.s32 v2, v21;
	v21 =	vperm.xlane v17, v12  }
0x2c8: {  	[tilespmem:s1], [sflag:$0x3] =	stream.indirect_vreg.gather [hbm4b:s7+s3], $0x80, v20, vm0, $0xb8;
	[tilespmem:$0x10680] =	vst v63  }
0x2c9: {  	s2 =	simm.s32 $0x8F00;
	v20 =	vadd.s32 v2, v21;
	v21 =	vperm.xlane v17, v13  }
0x2ca: {  	[tilespmem:s2], [sflag:$0x3] =	stream.indirect_vreg.gather [hbm4b:s7+s3], $0x80, v18, vm0, $0xb8;
	[tilespmem:$0x10680] =	vst v63  }
0x2cb: {  	s12 =	simm.s32 $0x8F80;
	v18 =	vadd.s32 v2, v21;
	v21 =	vperm.xlane v17, v14  }
0x2cc: {  	[tilespmem:s12], [sflag:$0x3] =	stream.indirect_vreg.gather [hbm4b:s7+s3], $0x80, v19, vm0, $0xb8;
	[tilespmem:$0x10680] =	vst v63  }
0x2cd: {  	s26 =	simm.s32 $0x9000;
	v19 =	vadd.s32 v2, v21;
	v21 =	vperm.xlane v17, v15  }
0x2ce: {  	[tilespmem:s26], [sflag:$0x3] =	stream.indirect_vreg.gather [hbm4b:s7+s3], $0x80, v20, vm0, $0xb8;
	[tilespmem:$0x10680] =	vst v63  }
0x2cf: {  	s1 =	simm.s32 $0x9080;
	v17 =	vperm.xlane v17, v16;
	v20 =	vadd.s32 v2, v21  }
0x2d0: {  	[tilespmem:s1], [sflag:$0x3] =	stream.indirect_vreg.gather [hbm4b:s7+s3], $0x80, v18, vm0, $0xb8;
	[tilespmem:$0x10680] =	vst v63  }
0x2d1: {  	s2 =	simm.s32 $0x9100;
	v17 =	vadd.s32 v2, v17  }
0x2d2: {  	[tilespmem:s2], [sflag:$0x3] =	stream.indirect_vreg.gather [hbm4b:s7+s3], $0x80, v19, vm0, $0xb8;
	[tilespmem:$0x10680] =	vst v63  }
0x2d3: {  	s12 =	simm.s32 $0x9180  }
0x2d4: {  	[tilespmem:s12], [sflag:$0x3] =	stream.indirect_vreg.gather [hbm4b:s7+s3], $0x80, v20, vm0, $0xb8;
	[tilespmem:$0x10680] =	vst v63  }
0x2d5: {  	s26 =	simm.s32 $0x9200  }
0x2d6: {  	[tilespmem:s26], [sflag:$0x3] =	stream.indirect_vreg.gather [hbm4b:s7+s3], $0x80, v17, vm0, $0xb8;
	[tilespmem:$0x10680] =	vst v63  }
0x2d7: {  	v17 =	vld [tilespmem:$0x120];
	_ =	sdelay $0x4  }
0x2d8: {  	v18 =	vshll.u32 v17, $0x7  }
0x2d9: {  	v17 =	vand.u32 $0x7, v17;
	v18 =	vand.u32 $0xFFFFFC00, v18  }
0x2da: {  	v17 =	vor.u32 v17, v18  }
0x2db: {  	v18 =	vperm.xlane v17, v1;
	_ =	sdelay $0x1  }
0x2dc: {  	v19 =	vperm.xlane v17, v3;
	v18 =	vadd.s32 v2, v18;
	_ =	sdelay $0x1  }
0x2dd: {  	v20 =	vperm.xlane v17, v4;
	v19 =	vadd.s32 v2, v19;
	_ =	sdelay $0x1  }
0x2de: {  	s1 =	simm.s32 $0x9280;
	v21 =	vperm.xlane v17, v5;
	v20 =	vadd.s32 v2, v20  }
0x2df: {  	[tilespmem:s1], [sflag:$0x3] =	stream.indirect_vreg.gather [hbm4b:s7+s3], $0x80, v18, vm0, $0xb8;
	[tilespmem:$0x10680] =	vst v63  }
0x2e0: {  	s2 =	simm.s32 $0x9300;
	v18 =	vadd.s32 v2, v21;
	v21 =	vperm.xlane v17, v6  }
0x2e1: {  	[tilespmem:s2], [sflag:$0x3] =	stream.indirect_vreg.gather [hbm4b:s7+s3], $0x80, v19, vm0, $0xb8;
	[tilespmem:$0x10680] =	vst v63  }
0x2e2: {  	s12 =	simm.s32 $0x9380;
	v19 =	vadd.s32 v2, v21;
	v21 =	vperm.xlane v17, v7  }
0x2e3: {  	[tilespmem:s12], [sflag:$0x3] =	stream.indirect_vreg.gather [hbm4b:s7+s3], $0x80, v20, vm0, $0xb8;
	[tilespmem:$0x10680] =	vst v63  }
0x2e4: {  	s26 =	simm.s32 $0x9400;
	v20 =	vadd.s32 v2, v21;
	v21 =	vperm.xlane v17, v8  }
0x2e5: {  	[tilespmem:s26], [sflag:$0x3] =	stream.indirect_vreg.gather [hbm4b:s7+s3], $0x80, v18, vm0, $0xb8;
	[tilespmem:$0x10680] =	vst v63  }
0x2e6: {  	s1 =	simm.s32 $0x9480;
	v18 =	vadd.s32 v2, v21;
	v21 =	vperm.xlane v17, v0  }
0x2e7: {  	[tilespmem:s1], [sflag:$0x3] =	stream.indirect_vreg.gather [hbm4b:s7+s3], $0x80, v19, vm0, $0xb8;
	[tilespmem:$0x10680] =	vst v63  }
0x2e8: {  	s2 =	simm.s32 $0x9500;
	v19 =	vadd.s32 v2, v21;
	v21 =	vperm.xlane v17, v9  }
0x2e9: {  	[tilespmem:s2], [sflag:$0x3] =	stream.indirect_vreg.gather [hbm4b:s7+s3], $0x80, v20, vm0, $0xb8;
	[tilespmem:$0x10680] =	vst v63  }
0x2ea: {  	s12 =	simm.s32 $0x9580;
	v20 =	vadd.s32 v2, v21;
	v21 =	vperm.xlane v17, v10  }
0x2eb: {  	[tilespmem:s12], [sflag:$0x3] =	stream.indirect_vreg.gather [hbm4b:s7+s3], $0x80, v18, vm0, $0xb8;
	[tilespmem:$0x10680] =	vst v63  }
0x2ec: {  	s26 =	simm.s32 $0x9600;
	v18 =	vadd.s32 v2, v21;
	v21 =	vperm.xlane v17, v11  }
0x2ed: {  	[tilespmem:s26], [sflag:$0x3] =	stream.indirect_vreg.gather [hbm4b:s7+s3], $0x80, v19, vm0, $0xb8;
	[tilespmem:$0x10680] =	vst v63  }
0x2ee: {  	s1 =	simm.s32 $0x9680;
	v19 =	vadd.s32 v2, v21;
	v21 =	vperm.xlane v17, v12  }
0x2ef: {  	[tilespmem:s1], [sflag:$0x3] =	stream.indirect_vreg.gather [hbm4b:s7+s3], $0x80, v20, vm0, $0xb8;
	[tilespmem:$0x10680] =	vst v63  }
0x2f0: {  	s2 =	simm.s32 $0x9700;
	v20 =	vadd.s32 v2, v21;
	v21 =	vperm.xlane v17, v13  }
0x2f1: {  	[tilespmem:s2], [sflag:$0x3] =	stream.indirect_vreg.gather [hbm4b:s7+s3], $0x80, v18, vm0, $0xb8;
	[tilespmem:$0x10680] =	vst v63  }
0x2f2: {  	s12 =	simm.s32 $0x9780;
	v18 =	vadd.s32 v2, v21;
	v21 =	vperm.xlane v17, v14  }
0x2f3: {  	[tilespmem:s12], [sflag:$0x3] =	stream.indirect_vreg.gather [hbm4b:s7+s3], $0x80, v19, vm0, $0xb8;
	[tilespmem:$0x10680] =	vst v63  }
0x2f4: {  	s26 =	simm.s32 $0x9800;
	v19 =	vadd.s32 v2, v21;
	v21 =	vperm.xlane v17, v15  }
0x2f5: {  	[tilespmem:s26], [sflag:$0x3] =	stream.indirect_vreg.gather [hbm4b:s7+s3], $0x80, v20, vm0, $0xb8;
	[tilespmem:$0x10680] =	vst v63  }
0x2f6: {  	s1 =	simm.s32 $0x9880;
	v17 =	vperm.xlane v17, v16;
	v20 =	vadd.s32 v2, v21  }
0x2f7: {  	[tilespmem:s1], [sflag:$0x3] =	stream.indirect_vreg.gather [hbm4b:s7+s3], $0x80, v18, vm0, $0xb8;
	[tilespmem:$0x10680] =	vst v63  }
0x2f8: {  	s2 =	simm.s32 $0x9900;
	v17 =	vadd.s32 v2, v17  }
0x2f9: {  	[tilespmem:s2], [sflag:$0x3] =	stream.indirect_vreg.gather [hbm4b:s7+s3], $0x80, v19, vm0, $0xb8;
	[tilespmem:$0x10680] =	vst v63  }
0x2fa: {  	s12 =	simm.s32 $0x9980  }
0x2fb: {  	[tilespmem:s12], [sflag:$0x3] =	stream.indirect_vreg.gather [hbm4b:s7+s3], $0x80, v20, vm0, $0xb8;
	[tilespmem:$0x10680] =	vst v63  }
0x2fc: {  	s26 =	simm.s32 $0x9A00  }
0x2fd: {  	[tilespmem:s26], [sflag:$0x3] =	stream.indirect_vreg.gather [hbm4b:s7+s3], $0x80, v17, vm0, $0xb8;
	[tilespmem:$0x10680] =	vst v63  }
0x2fe: {  	v17 =	vld [tilespmem:$0x130];
	_ =	sdelay $0x4  }
0x2ff: {  	v18 =	vshll.u32 v17, $0x7  }
0x300: {  	v17 =	vand.u32 $0x7, v17;
	v18 =	vand.u32 $0xFFFFFC00, v18  }
0x301: {  	v17 =	vor.u32 v17, v18  }
0x302: {  	v18 =	vperm.xlane v17, v1;
	_ =	sdelay $0x1  }
0x303: {  	v19 =	vperm.xlane v17, v3;
	v18 =	vadd.s32 v2, v18;
	_ =	sdelay $0x1  }
0x304: {  	v20 =	vperm.xlane v17, v4;
	v19 =	vadd.s32 v2, v19;
	_ =	sdelay $0x1  }
0x305: {  	s1 =	simm.s32 $0x9A80;
	v21 =	vperm.xlane v17, v5;
	v20 =	vadd.s32 v2, v20  }
0x306: {  	[tilespmem:s1], [sflag:$0x3] =	stream.indirect_vreg.gather [hbm4b:s7+s3], $0x80, v18, vm0, $0xb8;
	[tilespmem:$0x10680] =	vst v63  }
0x307: {  	s2 =	simm.s32 $0x9B00;
	v18 =	vadd.s32 v2, v21;
	v21 =	vperm.xlane v17, v6  }
0x308: {  	[tilespmem:s2], [sflag:$0x3] =	stream.indirect_vreg.gather [hbm4b:s7+s3], $0x80, v19, vm0, $0xb8;
	[tilespmem:$0x10680] =	vst v63  }
0x309: {  	s12 =	simm.s32 $0x9B80;
	v19 =	vadd.s32 v2, v21;
	v21 =	vperm.xlane v17, v7  }
0x30a: {  	[tilespmem:s12], [sflag:$0x3] =	stream.indirect_vreg.gather [hbm4b:s7+s3], $0x80, v20, vm0, $0xb8;
	[tilespmem:$0x10680] =	vst v63  }
0x30b: {  	s26 =	simm.s32 $0x9C00;
	v20 =	vadd.s32 v2, v21;
	v21 =	vperm.xlane v17, v8  }
0x30c: {  	[tilespmem:s26], [sflag:$0x3] =	stream.indirect_vreg.gather [hbm4b:s7+s3], $0x80, v18, vm0, $0xb8;
	[tilespmem:$0x10680] =	vst v63  }
0x30d: {  	s1 =	simm.s32 $0x9C80;
	v18 =	vadd.s32 v2, v21;
	v21 =	vperm.xlane v17, v0  }
0x30e: {  	[tilespmem:s1], [sflag:$0x3] =	stream.indirect_vreg.gather [hbm4b:s7+s3], $0x80, v19, vm0, $0xb8;
	[tilespmem:$0x10680] =	vst v63  }
0x30f: {  	s2 =	simm.s32 $0x9D00;
	v19 =	vadd.s32 v2, v21;
	v21 =	vperm.xlane v17, v9  }
0x310: {  	[tilespmem:s2], [sflag:$0x3] =	stream.indirect_vreg.gather [hbm4b:s7+s3], $0x80, v20, vm0, $0xb8;
	[tilespmem:$0x10680] =	vst v63  }
0x311: {  	s12 =	simm.s32 $0x9D80;
	v20 =	vadd.s32 v2, v21;
	v21 =	vperm.xlane v17, v10  }
0x312: {  	[tilespmem:s12], [sflag:$0x3] =	stream.indirect_vreg.gather [hbm4b:s7+s3], $0x80, v18, vm0, $0xb8;
	[tilespmem:$0x10680] =	vst v63  }
0x313: {  	s26 =	simm.s32 $0x9E00;
	v18 =	vadd.s32 v2, v21;
	v21 =	vperm.xlane v17, v11  }
0x314: {  	[tilespmem:s26], [sflag:$0x3] =	stream.indirect_vreg.gather [hbm4b:s7+s3], $0x80, v19, vm0, $0xb8;
	[tilespmem:$0x10680] =	vst v63  }
0x315: {  	s1 =	simm.s32 $0x9E80;
	v19 =	vadd.s32 v2, v21;
	v21 =	vperm.xlane v17, v12  }
0x316: {  	[tilespmem:s1], [sflag:$0x3] =	stream.indirect_vreg.gather [hbm4b:s7+s3], $0x80, v20, vm0, $0xb8;
	[tilespmem:$0x10680] =	vst v63  }
0x317: {  	s2 =	simm.s32 $0x9F00;
	v20 =	vadd.s32 v2, v21;
	v21 =	vperm.xlane v17, v13  }
0x318: {  	[tilespmem:s2], [sflag:$0x3] =	stream.indirect_vreg.gather [hbm4b:s7+s3], $0x80, v18, vm0, $0xb8;
	[tilespmem:$0x10680] =	vst v63  }
0x319: {  	s12 =	simm.s32 $0x9F80;
	v18 =	vadd.s32 v2, v21;
	v21 =	vperm.xlane v17, v14  }
0x31a: {  	[tilespmem:s12], [sflag:$0x3] =	stream.indirect_vreg.gather [hbm4b:s7+s3], $0x80, v19, vm0, $0xb8;
	[tilespmem:$0x10680] =	vst v63  }
0x31b: {  	s26 =	simm.s32 $0xA000;
	v19 =	vadd.s32 v2, v21;
	v21 =	vperm.xlane v17, v15  }
0x31c: {  	[tilespmem:s26], [sflag:$0x3] =	stream.indirect_vreg.gather [hbm4b:s7+s3], $0x80, v20, vm0, $0xb8;
	[tilespmem:$0x10680] =	vst v63  }
0x31d: {  	s1 =	simm.s32 $0xA080;
	v17 =	vperm.xlane v17, v16;
	v20 =	vadd.s32 v2, v21  }
0x31e: {  	[tilespmem:s1], [sflag:$0x3] =	stream.indirect_vreg.gather [hbm4b:s7+s3], $0x80, v18, vm0, $0xb8;
	[tilespmem:$0x10680] =	vst v63  }
0x31f: {  	s2 =	simm.s32 $0xA100;
	v17 =	vadd.s32 v2, v17  }
0x320: {  	[tilespmem:s2], [sflag:$0x3] =	stream.indirect_vreg.gather [hbm4b:s7+s3], $0x80, v19, vm0, $0xb8;
	[tilespmem:$0x10680] =	vst v63  }
0x321: {  	s12 =	simm.s32 $0xA180  }
0x322: {  	[tilespmem:s12], [sflag:$0x3] =	stream.indirect_vreg.gather [hbm4b:s7+s3], $0x80, v20, vm0, $0xb8;
	[tilespmem:$0x10680] =	vst v63  }
0x323: {  	s26 =	simm.s32 $0xA200  }
0x324: {  	[tilespmem:s26], [sflag:$0x3] =	stream.indirect_vreg.gather [hbm4b:s7+s3], $0x80, v17, vm0, $0xb8;
	[tilespmem:$0x10680] =	vst v63  }
0x325: {  	v17 =	vld [tilespmem:$0x140];
	_ =	sdelay $0x4  }
0x326: {  	v18 =	vshll.u32 v17, $0x7  }
0x327: {  	v17 =	vand.u32 $0x7, v17;
	v18 =	vand.u32 $0xFFFFFC00, v18  }
0x328: {  	v17 =	vor.u32 v17, v18  }
0x329: {  	v18 =	vperm.xlane v17, v1;
	_ =	sdelay $0x1  }
0x32a: {  	v19 =	vperm.xlane v17, v3;
	v18 =	vadd.s32 v2, v18;
	_ =	sdelay $0x1  }
0x32b: {  	v20 =	vperm.xlane v17, v4;
	v19 =	vadd.s32 v2, v19;
	_ =	sdelay $0x1  }
0x32c: {  	s1 =	simm.s32 $0xA280;
	v21 =	vperm.xlane v17, v5;
	v20 =	vadd.s32 v2, v20  }
0x32d: {  	[tilespmem:s1], [sflag:$0x3] =	stream.indirect_vreg.gather [hbm4b:s7+s3], $0x80, v18, vm0, $0xb8;
	[tilespmem:$0x10680] =	vst v63  }
0x32e: {  	s2 =	simm.s32 $0xA300;
	v18 =	vadd.s32 v2, v21;
	v21 =	vperm.xlane v17, v6  }
0x32f: {  	[tilespmem:s2], [sflag:$0x3] =	stream.indirect_vreg.gather [hbm4b:s7+s3], $0x80, v19, vm0, $0xb8;
	[tilespmem:$0x10680] =	vst v63  }
0x330: {  	s12 =	simm.s32 $0xA380;
	v19 =	vadd.s32 v2, v21;
	v21 =	vperm.xlane v17, v7  }
0x331: {  	[tilespmem:s12], [sflag:$0x3] =	stream.indirect_vreg.gather [hbm4b:s7+s3], $0x80, v20, vm0, $0xb8;
	[tilespmem:$0x10680] =	vst v63  }
0x332: {  	s26 =	simm.s32 $0xA400;
	v20 =	vadd.s32 v2, v21;
	v21 =	vperm.xlane v17, v8  }
0x333: {  	[tilespmem:s26], [sflag:$0x3] =	stream.indirect_vreg.gather [hbm4b:s7+s3], $0x80, v18, vm0, $0xb8;
	[tilespmem:$0x10680] =	vst v63  }
0x334: {  	s1 =	simm.s32 $0xA480;
	v18 =	vadd.s32 v2, v21;
	v21 =	vperm.xlane v17, v0  }
0x335: {  	[tilespmem:s1], [sflag:$0x3] =	stream.indirect_vreg.gather [hbm4b:s7+s3], $0x80, v19, vm0, $0xb8;
	[tilespmem:$0x10680] =	vst v63  }
0x336: {  	s2 =	simm.s32 $0xA500;
	v19 =	vadd.s32 v2, v21;
	v21 =	vperm.xlane v17, v9  }
0x337: {  	[tilespmem:s2], [sflag:$0x3] =	stream.indirect_vreg.gather [hbm4b:s7+s3], $0x80, v20, vm0, $0xb8;
	[tilespmem:$0x10680] =	vst v63  }
0x338: {  	s12 =	simm.s32 $0xA580;
	v20 =	vadd.s32 v2, v21;
	v21 =	vperm.xlane v17, v10  }
0x339: {  	[tilespmem:s12], [sflag:$0x3] =	stream.indirect_vreg.gather [hbm4b:s7+s3], $0x80, v18, vm0, $0xb8;
	[tilespmem:$0x10680] =	vst v63  }
0x33a: {  	s26 =	simm.s32 $0xA600;
	v18 =	vadd.s32 v2, v21;
	v21 =	vperm.xlane v17, v11  }
0x33b: {  	[tilespmem:s26], [sflag:$0x3] =	stream.indirect_vreg.gather [hbm4b:s7+s3], $0x80, v19, vm0, $0xb8;
	[tilespmem:$0x10680] =	vst v63  }
0x33c: {  	s1 =	simm.s32 $0xA680;
	v19 =	vadd.s32 v2, v21;
	v21 =	vperm.xlane v17, v12  }
0x33d: {  	[tilespmem:s1], [sflag:$0x3] =	stream.indirect_vreg.gather [hbm4b:s7+s3], $0x80, v20, vm0, $0xb8;
	[tilespmem:$0x10680] =	vst v63  }
0x33e: {  	s2 =	simm.s32 $0xA700;
	v20 =	vadd.s32 v2, v21;
	v21 =	vperm.xlane v17, v13  }
0x33f: {  	[tilespmem:s2], [sflag:$0x3] =	stream.indirect_vreg.gather [hbm4b:s7+s3], $0x80, v18, vm0, $0xb8;
	[tilespmem:$0x10680] =	vst v63  }
0x340: {  	s12 =	simm.s32 $0xA780;
	v18 =	vadd.s32 v2, v21;
	v21 =	vperm.xlane v17, v14  }
0x341: {  	[tilespmem:s12], [sflag:$0x3] =	stream.indirect_vreg.gather [hbm4b:s7+s3], $0x80, v19, vm0, $0xb8;
	[tilespmem:$0x10680] =	vst v63  }
0x342: {  	s26 =	simm.s32 $0xA800;
	v19 =	vadd.s32 v2, v21;
	v21 =	vperm.xlane v17, v15  }
0x343: {  	[tilespmem:s26], [sflag:$0x3] =	stream.indirect_vreg.gather [hbm4b:s7+s3], $0x80, v20, vm0, $0xb8;
	[tilespmem:$0x10680] =	vst v63  }
0x344: {  	s1 =	simm.s32 $0xA880;
	v17 =	vperm.xlane v17, v16;
	v20 =	vadd.s32 v2, v21  }
0x345: {  	[tilespmem:s1], [sflag:$0x3] =	stream.indirect_vreg.gather [hbm4b:s7+s3], $0x80, v18, vm0, $0xb8;
	[tilespmem:$0x10680] =	vst v63  }
0x346: {  	s2 =	simm.s32 $0xA900;
	v17 =	vadd.s32 v2, v17  }
0x347: {  	[tilespmem:s2], [sflag:$0x3] =	stream.indirect_vreg.gather [hbm4b:s7+s3], $0x80, v19, vm0, $0xb8;
	[tilespmem:$0x10680] =	vst v63  }
0x348: {  	s12 =	simm.s32 $0xA980  }
0x349: {  	[tilespmem:s12], [sflag:$0x3] =	stream.indirect_vreg.gather [hbm4b:s7+s3], $0x80, v20, vm0, $0xb8;
	[tilespmem:$0x10680] =	vst v63  }
0x34a: {  	s26 =	simm.s32 $0xAA00  }
0x34b: {  	[tilespmem:s26], [sflag:$0x3] =	stream.indirect_vreg.gather [hbm4b:s7+s3], $0x80, v17, vm0, $0xb8;
	[tilespmem:$0x10680] =	vst v63  }
0x34c: {  	v17 =	vld [tilespmem:$0x150];
	_ =	sdelay $0x4  }
0x34d: {  	v18 =	vshll.u32 v17, $0x7  }
0x34e: {  	v17 =	vand.u32 $0x7, v17;
	v18 =	vand.u32 $0xFFFFFC00, v18  }
0x34f: {  	v17 =	vor.u32 v17, v18  }
0x350: {  	v18 =	vperm.xlane v17, v1;
	_ =	sdelay $0x1  }
0x351: {  	v19 =	vperm.xlane v17, v3;
	v18 =	vadd.s32 v2, v18;
	_ =	sdelay $0x1  }
0x352: {  	v20 =	vperm.xlane v17, v4;
	v19 =	vadd.s32 v2, v19;
	_ =	sdelay $0x1  }
0x353: {  	s1 =	simm.s32 $0xAA80;
	v21 =	vperm.xlane v17, v5;
	v20 =	vadd.s32 v2, v20  }
0x354: {  	[tilespmem:s1], [sflag:$0x3] =	stream.indirect_vreg.gather [hbm4b:s7+s3], $0x80, v18, vm0, $0xb8;
	[tilespmem:$0x10680] =	vst v63  }
0x355: {  	s2 =	simm.s32 $0xAB00;
	v18 =	vadd.s32 v2, v21;
	v21 =	vperm.xlane v17, v6  }
0x356: {  	[tilespmem:s2], [sflag:$0x3] =	stream.indirect_vreg.gather [hbm4b:s7+s3], $0x80, v19, vm0, $0xb8;
	[tilespmem:$0x10680] =	vst v63  }
0x357: {  	s12 =	simm.s32 $0xAB80;
	v19 =	vadd.s32 v2, v21;
	v21 =	vperm.xlane v17, v7  }
0x358: {  	[tilespmem:s12], [sflag:$0x3] =	stream.indirect_vreg.gather [hbm4b:s7+s3], $0x80, v20, vm0, $0xb8;
	[tilespmem:$0x10680] =	vst v63  }
0x359: {  	s26 =	simm.s32 $0xAC00;
	v20 =	vadd.s32 v2, v21;
	v21 =	vperm.xlane v17, v8  }
0x35a: {  	[tilespmem:s26], [sflag:$0x3] =	stream.indirect_vreg.gather [hbm4b:s7+s3], $0x80, v18, vm0, $0xb8;
	[tilespmem:$0x10680] =	vst v63  }
0x35b: {  	s1 =	simm.s32 $0xAC80;
	v18 =	vadd.s32 v2, v21;
	v21 =	vperm.xlane v17, v0  }
0x35c: {  	[tilespmem:s1], [sflag:$0x3] =	stream.indirect_vreg.gather [hbm4b:s7+s3], $0x80, v19, vm0, $0xb8;
	[tilespmem:$0x10680] =	vst v63  }
0x35d: {  	s2 =	simm.s32 $0xAD00;
	v19 =	vadd.s32 v2, v21;
	v21 =	vperm.xlane v17, v9  }
0x35e: {  	[tilespmem:s2], [sflag:$0x3] =	stream.indirect_vreg.gather [hbm4b:s7+s3], $0x80, v20, vm0, $0xb8;
	[tilespmem:$0x10680] =	vst v63  }
0x35f: {  	s12 =	simm.s32 $0xAD80;
	v20 =	vadd.s32 v2, v21;
	v21 =	vperm.xlane v17, v10  }
0x360: {  	[tilespmem:s12], [sflag:$0x3] =	stream.indirect_vreg.gather [hbm4b:s7+s3], $0x80, v18, vm0, $0xb8;
	[tilespmem:$0x10680] =	vst v63  }
0x361: {  	s26 =	simm.s32 $0xAE00;
	v18 =	vadd.s32 v2, v21;
	v21 =	vperm.xlane v17, v11  }
0x362: {  	[tilespmem:s26], [sflag:$0x3] =	stream.indirect_vreg.gather [hbm4b:s7+s3], $0x80, v19, vm0, $0xb8;
	[tilespmem:$0x10680] =	vst v63  }
0x363: {  	s1 =	simm.s32 $0xAE80;
	v19 =	vadd.s32 v2, v21;
	v21 =	vperm.xlane v17, v12  }
0x364: {  	[tilespmem:s1], [sflag:$0x3] =	stream.indirect_vreg.gather [hbm4b:s7+s3], $0x80, v20, vm0, $0xb8;
	[tilespmem:$0x10680] =	vst v63  }
0x365: {  	s2 =	simm.s32 $0xAF00;
	v20 =	vadd.s32 v2, v21;
	v21 =	vperm.xlane v17, v13  }
0x366: {  	[tilespmem:s2], [sflag:$0x3] =	stream.indirect_vreg.gather [hbm4b:s7+s3], $0x80, v18, vm0, $0xb8;
	[tilespmem:$0x10680] =	vst v63  }
0x367: {  	s12 =	simm.s32 $0xAF80;
	v18 =	vadd.s32 v2, v21;
	v21 =	vperm.xlane v17, v14  }
0x368: {  	[tilespmem:s12], [sflag:$0x3] =	stream.indirect_vreg.gather [hbm4b:s7+s3], $0x80, v19, vm0, $0xb8;
	[tilespmem:$0x10680] =	vst v63  }
0x369: {  	s26 =	simm.s32 $0xB000;
	v19 =	vadd.s32 v2, v21;
	v21 =	vperm.xlane v17, v15  }
0x36a: {  	[tilespmem:s26], [sflag:$0x3] =	stream.indirect_vreg.gather [hbm4b:s7+s3], $0x80, v20, vm0, $0xb8;
	[tilespmem:$0x10680] =	vst v63  }
0x36b: {  	s1 =	simm.s32 $0xB080;
	v17 =	vperm.xlane v17, v16;
	v20 =	vadd.s32 v2, v21  }
0x36c: {  	[tilespmem:s1], [sflag:$0x3] =	stream.indirect_vreg.gather [hbm4b:s7+s3], $0x80, v18, vm0, $0xb8;
	[tilespmem:$0x10680] =	vst v63  }
0x36d: {  	s2 =	simm.s32 $0xB100;
	v17 =	vadd.s32 v2, v17  }
0x36e: {  	[tilespmem:s2], [sflag:$0x3] =	stream.indirect_vreg.gather [hbm4b:s7+s3], $0x80, v19, vm0, $0xb8;
	[tilespmem:$0x10680] =	vst v63  }
0x36f: {  	s12 =	simm.s32 $0xB180  }
0x370: {  	[tilespmem:s12], [sflag:$0x3] =	stream.indirect_vreg.gather [hbm4b:s7+s3], $0x80, v20, vm0, $0xb8;
	[tilespmem:$0x10680] =	vst v63  }
0x371: {  	s26 =	simm.s32 $0xB200  }
0x372: {  	[tilespmem:s26], [sflag:$0x3] =	stream.indirect_vreg.gather [hbm4b:s7+s3], $0x80, v17, vm0, $0xb8;
	[tilespmem:$0x10680] =	vst v63  }
0x373: {  	v17 =	vld [tilespmem:$0x160];
	_ =	sdelay $0x4  }
0x374: {  	v18 =	vshll.u32 v17, $0x7  }
0x375: {  	v17 =	vand.u32 $0x7, v17;
	v18 =	vand.u32 $0xFFFFFC00, v18  }
0x376: {  	v17 =	vor.u32 v17, v18  }
0x377: {  	v18 =	vperm.xlane v17, v1;
	_ =	sdelay $0x1  }
0x378: {  	v19 =	vperm.xlane v17, v3;
	v18 =	vadd.s32 v2, v18;
	_ =	sdelay $0x1  }
0x379: {  	v20 =	vperm.xlane v17, v4;
	v19 =	vadd.s32 v2, v19;
	_ =	sdelay $0x1  }
0x37a: {  	s1 =	simm.s32 $0xB280;
	v21 =	vperm.xlane v17, v5;
	v20 =	vadd.s32 v2, v20  }
0x37b: {  	[tilespmem:s1], [sflag:$0x3] =	stream.indirect_vreg.gather [hbm4b:s7+s3], $0x80, v18, vm0, $0xb8;
	[tilespmem:$0x10680] =	vst v63  }
0x37c: {  	s2 =	simm.s32 $0xB300;
	v18 =	vadd.s32 v2, v21;
	v21 =	vperm.xlane v17, v6  }
0x37d: {  	[tilespmem:s2], [sflag:$0x3] =	stream.indirect_vreg.gather [hbm4b:s7+s3], $0x80, v19, vm0, $0xb8;
	[tilespmem:$0x10680] =	vst v63  }
0x37e: {  	s12 =	simm.s32 $0xB380;
	v19 =	vadd.s32 v2, v21;
	v21 =	vperm.xlane v17, v7  }
0x37f: {  	[tilespmem:s12], [sflag:$0x3] =	stream.indirect_vreg.gather [hbm4b:s7+s3], $0x80, v20, vm0, $0xb8;
	[tilespmem:$0x10680] =	vst v63  }
0x380: {  	s26 =	simm.s32 $0xB400;
	v20 =	vadd.s32 v2, v21;
	v21 =	vperm.xlane v17, v8  }
0x381: {  	[tilespmem:s26], [sflag:$0x3] =	stream.indirect_vreg.gather [hbm4b:s7+s3], $0x80, v18, vm0, $0xb8;
	[tilespmem:$0x10680] =	vst v63  }
0x382: {  	s1 =	simm.s32 $0xB480;
	v18 =	vadd.s32 v2, v21;
	v21 =	vperm.xlane v17, v0  }
0x383: {  	[tilespmem:s1], [sflag:$0x3] =	stream.indirect_vreg.gather [hbm4b:s7+s3], $0x80, v19, vm0, $0xb8;
	[tilespmem:$0x10680] =	vst v63  }
0x384: {  	s2 =	simm.s32 $0xB500;
	v19 =	vadd.s32 v2, v21;
	v21 =	vperm.xlane v17, v9  }
0x385: {  	[tilespmem:s2], [sflag:$0x3] =	stream.indirect_vreg.gather [hbm4b:s7+s3], $0x80, v20, vm0, $0xb8;
	[tilespmem:$0x10680] =	vst v63  }
0x386: {  	s12 =	simm.s32 $0xB580;
	v20 =	vadd.s32 v2, v21;
	v21 =	vperm.xlane v17, v10  }
0x387: {  	[tilespmem:s12], [sflag:$0x3] =	stream.indirect_vreg.gather [hbm4b:s7+s3], $0x80, v18, vm0, $0xb8;
	[tilespmem:$0x10680] =	vst v63  }
0x388: {  	s26 =	simm.s32 $0xB600;
	v18 =	vadd.s32 v2, v21;
	v21 =	vperm.xlane v17, v11  }
0x389: {  	[tilespmem:s26], [sflag:$0x3] =	stream.indirect_vreg.gather [hbm4b:s7+s3], $0x80, v19, vm0, $0xb8;
	[tilespmem:$0x10680] =	vst v63  }
0x38a: {  	s1 =	simm.s32 $0xB680;
	v19 =	vadd.s32 v2, v21;
	v21 =	vperm.xlane v17, v12  }
0x38b: {  	[tilespmem:s1], [sflag:$0x3] =	stream.indirect_vreg.gather [hbm4b:s7+s3], $0x80, v20, vm0, $0xb8;
	[tilespmem:$0x10680] =	vst v63  }
0x38c: {  	s2 =	simm.s32 $0xB700;
	v20 =	vadd.s32 v2, v21;
	v21 =	vperm.xlane v17, v13  }
0x38d: {  	[tilespmem:s2], [sflag:$0x3] =	stream.indirect_vreg.gather [hbm4b:s7+s3], $0x80, v18, vm0, $0xb8;
	[tilespmem:$0x10680] =	vst v63  }
0x38e: {  	s12 =	simm.s32 $0xB780;
	v18 =	vadd.s32 v2, v21;
	v21 =	vperm.xlane v17, v14  }
0x38f: {  	[tilespmem:s12], [sflag:$0x3] =	stream.indirect_vreg.gather [hbm4b:s7+s3], $0x80, v19, vm0, $0xb8;
	[tilespmem:$0x10680] =	vst v63  }
0x390: {  	s26 =	simm.s32 $0xB800;
	v19 =	vadd.s32 v2, v21;
	v21 =	vperm.xlane v17, v15  }
0x391: {  	[tilespmem:s26], [sflag:$0x3] =	stream.indirect_vreg.gather [hbm4b:s7+s3], $0x80, v20, vm0, $0xb8;
	[tilespmem:$0x10680] =	vst v63  }
0x392: {  	s1 =	simm.s32 $0xB880;
	v17 =	vperm.xlane v17, v16;
	v20 =	vadd.s32 v2, v21  }
0x393: {  	[tilespmem:s1], [sflag:$0x3] =	stream.indirect_vreg.gather [hbm4b:s7+s3], $0x80, v18, vm0, $0xb8;
	[tilespmem:$0x10680] =	vst v63  }
0x394: {  	s2 =	simm.s32 $0xB900;
	v17 =	vadd.s32 v2, v17  }
0x395: {  	[tilespmem:s2], [sflag:$0x3] =	stream.indirect_vreg.gather [hbm4b:s7+s3], $0x80, v19, vm0, $0xb8;
	[tilespmem:$0x10680] =	vst v63  }
0x396: {  	s12 =	simm.s32 $0xB980  }
0x397: {  	[tilespmem:s12], [sflag:$0x3] =	stream.indirect_vreg.gather [hbm4b:s7+s3], $0x80, v20, vm0, $0xb8;
	[tilespmem:$0x10680] =	vst v63  }
0x398: {  	s26 =	simm.s32 $0xBA00  }
0x399: {  	[tilespmem:s26], [sflag:$0x3] =	stream.indirect_vreg.gather [hbm4b:s7+s3], $0x80, v17, vm0, $0xb8;
	[tilespmem:$0x10680] =	vst v63  }
0x39a: {  	v17 =	vld [tilespmem:$0x170];
	_ =	sdelay $0x4  }
0x39b: {  	v18 =	vshll.u32 v17, $0x7  }
0x39c: {  	v17 =	vand.u32 $0x7, v17;
	v18 =	vand.u32 $0xFFFFFC00, v18  }
0x39d: {  	v17 =	vor.u32 v17, v18  }
0x39e: {  	v18 =	vperm.xlane v17, v1;
	_ =	sdelay $0x1  }
0x39f: {  	v19 =	vperm.xlane v17, v3;
	v18 =	vadd.s32 v2, v18;
	_ =	sdelay $0x1  }
0x3a0: {  	v20 =	vperm.xlane v17, v4;
	v19 =	vadd.s32 v2, v19;
	_ =	sdelay $0x1  }
0x3a1: {  	s1 =	simm.s32 $0xBA80;
	v21 =	vperm.xlane v17, v5;
	v20 =	vadd.s32 v2, v20  }
0x3a2: {  	[tilespmem:s1], [sflag:$0x3] =	stream.indirect_vreg.gather [hbm4b:s7+s3], $0x80, v18, vm0, $0xb8;
	[tilespmem:$0x10680] =	vst v63  }
0x3a3: {  	s2 =	simm.s32 $0xBB00;
	v18 =	vadd.s32 v2, v21;
	v21 =	vperm.xlane v17, v6  }
0x3a4: {  	[tilespmem:s2], [sflag:$0x3] =	stream.indirect_vreg.gather [hbm4b:s7+s3], $0x80, v19, vm0, $0xb8;
	[tilespmem:$0x10680] =	vst v63  }
0x3a5: {  	s12 =	simm.s32 $0xBB80;
	v19 =	vadd.s32 v2, v21;
	v21 =	vperm.xlane v17, v7  }
0x3a6: {  	[tilespmem:s12], [sflag:$0x3] =	stream.indirect_vreg.gather [hbm4b:s7+s3], $0x80, v20, vm0, $0xb8;
	[tilespmem:$0x10680] =	vst v63  }
0x3a7: {  	s26 =	simm.s32 $0xBC00;
	v20 =	vadd.s32 v2, v21;
	v21 =	vperm.xlane v17, v8  }
0x3a8: {  	[tilespmem:s26], [sflag:$0x3] =	stream.indirect_vreg.gather [hbm4b:s7+s3], $0x80, v18, vm0, $0xb8;
	[tilespmem:$0x10680] =	vst v63  }
0x3a9: {  	s1 =	simm.s32 $0xBC80;
	v18 =	vadd.s32 v2, v21;
	v21 =	vperm.xlane v17, v0  }
0x3aa: {  	[tilespmem:s1], [sflag:$0x3] =	stream.indirect_vreg.gather [hbm4b:s7+s3], $0x80, v19, vm0, $0xb8;
	[tilespmem:$0x10680] =	vst v63  }
0x3ab: {  	s2 =	simm.s32 $0xBD00;
	v19 =	vadd.s32 v2, v21;
	v21 =	vperm.xlane v17, v9  }
0x3ac: {  	[tilespmem:s2], [sflag:$0x3] =	stream.indirect_vreg.gather [hbm4b:s7+s3], $0x80, v20, vm0, $0xb8;
	[tilespmem:$0x10680] =	vst v63  }
0x3ad: {  	s12 =	simm.s32 $0xBD80;
	v20 =	vadd.s32 v2, v21;
	v21 =	vperm.xlane v17, v10  }
0x3ae: {  	[tilespmem:s12], [sflag:$0x3] =	stream.indirect_vreg.gather [hbm4b:s7+s3], $0x80, v18, vm0, $0xb8;
	[tilespmem:$0x10680] =	vst v63  }
0x3af: {  	s26 =	simm.s32 $0xBE00;
	v18 =	vadd.s32 v2, v21;
	v21 =	vperm.xlane v17, v11  }
0x3b0: {  	[tilespmem:s26], [sflag:$0x3] =	stream.indirect_vreg.gather [hbm4b:s7+s3], $0x80, v19, vm0, $0xb8;
	[tilespmem:$0x10680] =	vst v63  }
0x3b1: {  	s1 =	simm.s32 $0xBE80;
	v19 =	vadd.s32 v2, v21;
	v21 =	vperm.xlane v17, v12  }
0x3b2: {  	[tilespmem:s1], [sflag:$0x3] =	stream.indirect_vreg.gather [hbm4b:s7+s3], $0x80, v20, vm0, $0xb8;
	[tilespmem:$0x10680] =	vst v63  }
0x3b3: {  	s2 =	simm.s32 $0xBF00;
	v20 =	vadd.s32 v2, v21;
	v21 =	vperm.xlane v17, v13  }
0x3b4: {  	[tilespmem:s2], [sflag:$0x3] =	stream.indirect_vreg.gather [hbm4b:s7+s3], $0x80, v18, vm0, $0xb8;
	[tilespmem:$0x10680] =	vst v63  }
0x3b5: {  	s12 =	simm.s32 $0xBF80;
	v18 =	vadd.s32 v2, v21;
	v21 =	vperm.xlane v17, v14  }
0x3b6: {  	[tilespmem:s12], [sflag:$0x3] =	stream.indirect_vreg.gather [hbm4b:s7+s3], $0x80, v19, vm0, $0xb8;
	[tilespmem:$0x10680] =	vst v63  }
0x3b7: {  	s26 =	simm.s32 $0xC000;
	v19 =	vadd.s32 v2, v21;
	v21 =	vperm.xlane v17, v15  }
0x3b8: {  	[tilespmem:s26], [sflag:$0x3] =	stream.indirect_vreg.gather [hbm4b:s7+s3], $0x80, v20, vm0, $0xb8;
	[tilespmem:$0x10680] =	vst v63  }
0x3b9: {  	s1 =	simm.s32 $0xC080;
	v17 =	vperm.xlane v17, v16;
	v20 =	vadd.s32 v2, v21  }
0x3ba: {  	[tilespmem:s1], [sflag:$0x3] =	stream.indirect_vreg.gather [hbm4b:s7+s3], $0x80, v18, vm0, $0xb8;
	[tilespmem:$0x10680] =	vst v63  }
0x3bb: {  	s2 =	simm.s32 $0xC100;
	v17 =	vadd.s32 v2, v17  }
0x3bc: {  	[tilespmem:s2], [sflag:$0x3] =	stream.indirect_vreg.gather [hbm4b:s7+s3], $0x80, v19, vm0, $0xb8;
	[tilespmem:$0x10680] =	vst v63  }
0x3bd: {  	s12 =	simm.s32 $0xC180  }
0x3be: {  	[tilespmem:s12], [sflag:$0x3] =	stream.indirect_vreg.gather [hbm4b:s7+s3], $0x80, v20, vm0, $0xb8;
	[tilespmem:$0x10680] =	vst v63  }
0x3bf: {  	s26 =	simm.s32 $0xC200  }
0x3c0: {  	[tilespmem:s26], [sflag:$0x3] =	stream.indirect_vreg.gather [hbm4b:s7+s3], $0x80, v17, vm0, $0xb8;
	[tilespmem:$0x10680] =	vst v63  }
0x3c1: {  	v17 =	vld [tilespmem:$0x180];
	_ =	sdelay $0x4  }
0x3c2: {  	v18 =	vshll.u32 v17, $0x7  }
0x3c3: {  	v17 =	vand.u32 $0x7, v17;
	v18 =	vand.u32 $0xFFFFFC00, v18  }
0x3c4: {  	v17 =	vor.u32 v17, v18  }
0x3c5: {  	v18 =	vperm.xlane v17, v1;
	_ =	sdelay $0x1  }
0x3c6: {  	v19 =	vperm.xlane v17, v3;
	v18 =	vadd.s32 v2, v18;
	_ =	sdelay $0x1  }
0x3c7: {  	v20 =	vperm.xlane v17, v4;
	v19 =	vadd.s32 v2, v19;
	_ =	sdelay $0x1  }
0x3c8: {  	s1 =	simm.s32 $0xC280;
	v21 =	vperm.xlane v17, v5;
	v20 =	vadd.s32 v2, v20  }
0x3c9: {  	[tilespmem:s1], [sflag:$0x4] =	stream.indirect_vreg.gather [hbm4b:s8+s3], $0x80, v18, vm0, $0xb8;
	[tilespmem:$0x10680] =	vst v63  }
0x3ca: {  	s2 =	simm.s32 $0xC300;
	v18 =	vadd.s32 v2, v21;
	v21 =	vperm.xlane v17, v6  }
0x3cb: {  	[tilespmem:s2], [sflag:$0x4] =	stream.indirect_vreg.gather [hbm4b:s8+s3], $0x80, v19, vm0, $0xb8;
	[tilespmem:$0x10680] =	vst v63  }
0x3cc: {  	s12 =	simm.s32 $0xC380;
	v19 =	vadd.s32 v2, v21;
	v21 =	vperm.xlane v17, v7  }
0x3cd: {  	[tilespmem:s12], [sflag:$0x4] =	stream.indirect_vreg.gather [hbm4b:s8+s3], $0x80, v20, vm0, $0xb8;
	[tilespmem:$0x10680] =	vst v63  }
0x3ce: {  	s26 =	simm.s32 $0xC400;
	v20 =	vadd.s32 v2, v21;
	v21 =	vperm.xlane v17, v8  }
0x3cf: {  	[tilespmem:s26], [sflag:$0x4] =	stream.indirect_vreg.gather [hbm4b:s8+s3], $0x80, v18, vm0, $0xb8;
	[tilespmem:$0x10680] =	vst v63  }
0x3d0: {  	s1 =	simm.s32 $0xC480;
	v18 =	vadd.s32 v2, v21;
	v21 =	vperm.xlane v17, v0  }
0x3d1: {  	[tilespmem:s1], [sflag:$0x4] =	stream.indirect_vreg.gather [hbm4b:s8+s3], $0x80, v19, vm0, $0xb8;
	[tilespmem:$0x10680] =	vst v63  }
0x3d2: {  	s2 =	simm.s32 $0xC500;
	v19 =	vadd.s32 v2, v21;
	v21 =	vperm.xlane v17, v9  }
0x3d3: {  	[tilespmem:s2], [sflag:$0x4] =	stream.indirect_vreg.gather [hbm4b:s8+s3], $0x80, v20, vm0, $0xb8;
	[tilespmem:$0x10680] =	vst v63  }
0x3d4: {  	s12 =	simm.s32 $0xC580;
	v20 =	vadd.s32 v2, v21;
	v21 =	vperm.xlane v17, v10  }
0x3d5: {  	[tilespmem:s12], [sflag:$0x4] =	stream.indirect_vreg.gather [hbm4b:s8+s3], $0x80, v18, vm0, $0xb8;
	[tilespmem:$0x10680] =	vst v63  }
0x3d6: {  	s26 =	simm.s32 $0xC600;
	v18 =	vadd.s32 v2, v21;
	v21 =	vperm.xlane v17, v11  }
0x3d7: {  	[tilespmem:s26], [sflag:$0x4] =	stream.indirect_vreg.gather [hbm4b:s8+s3], $0x80, v19, vm0, $0xb8;
	[tilespmem:$0x10680] =	vst v63  }
0x3d8: {  	s1 =	simm.s32 $0xC680;
	v19 =	vadd.s32 v2, v21;
	v21 =	vperm.xlane v17, v12  }
0x3d9: {  	[tilespmem:s1], [sflag:$0x4] =	stream.indirect_vreg.gather [hbm4b:s8+s3], $0x80, v20, vm0, $0xb8;
	[tilespmem:$0x10680] =	vst v63  }
0x3da: {  	s2 =	simm.s32 $0xC700;
	v20 =	vadd.s32 v2, v21;
	v21 =	vperm.xlane v17, v13  }
0x3db: {  	[tilespmem:s2], [sflag:$0x4] =	stream.indirect_vreg.gather [hbm4b:s8+s3], $0x80, v18, vm0, $0xb8;
	[tilespmem:$0x10680] =	vst v63  }
0x3dc: {  	s12 =	simm.s32 $0xC780;
	v18 =	vadd.s32 v2, v21;
	v21 =	vperm.xlane v17, v14  }
0x3dd: {  	[tilespmem:s12], [sflag:$0x4] =	stream.indirect_vreg.gather [hbm4b:s8+s3], $0x80, v19, vm0, $0xb8;
	[tilespmem:$0x10680] =	vst v63  }
0x3de: {  	s26 =	simm.s32 $0xC800;
	v19 =	vadd.s32 v2, v21;
	v21 =	vperm.xlane v17, v15  }
0x3df: {  	[tilespmem:s26], [sflag:$0x4] =	stream.indirect_vreg.gather [hbm4b:s8+s3], $0x80, v20, vm0, $0xb8;
	[tilespmem:$0x10680] =	vst v63  }
0x3e0: {  	s1 =	simm.s32 $0xC880;
	v17 =	vperm.xlane v17, v16;
	v20 =	vadd.s32 v2, v21  }
0x3e1: {  	[tilespmem:s1], [sflag:$0x4] =	stream.indirect_vreg.gather [hbm4b:s8+s3], $0x80, v18, vm0, $0xb8;
	[tilespmem:$0x10680] =	vst v63  }
0x3e2: {  	s2 =	simm.s32 $0xC900;
	v17 =	vadd.s32 v2, v17  }
0x3e3: {  	[tilespmem:s2], [sflag:$0x4] =	stream.indirect_vreg.gather [hbm4b:s8+s3], $0x80, v19, vm0, $0xb8;
	[tilespmem:$0x10680] =	vst v63  }
0x3e4: {  	s12 =	simm.s32 $0xC980  }
0x3e5: {  	[tilespmem:s12], [sflag:$0x4] =	stream.indirect_vreg.gather [hbm4b:s8+s3], $0x80, v20, vm0, $0xb8;
	[tilespmem:$0x10680] =	vst v63  }
0x3e6: {  	s26 =	simm.s32 $0xCA00  }
0x3e7: {  	[tilespmem:s26], [sflag:$0x4] =	stream.indirect_vreg.gather [hbm4b:s8+s3], $0x80, v17, vm0, $0xb8;
	[tilespmem:$0x10680] =	vst v63  }
0x3e8: {  	v17 =	vld [tilespmem:$0x190];
	_ =	sdelay $0x4  }
0x3e9: {  	v18 =	vshll.u32 v17, $0x7  }
0x3ea: {  	v17 =	vand.u32 $0x7, v17;
	v18 =	vand.u32 $0xFFFFFC00, v18  }
0x3eb: {  	v17 =	vor.u32 v17, v18  }
0x3ec: {  	v18 =	vperm.xlane v17, v1;
	_ =	sdelay $0x1  }
0x3ed: {  	v19 =	vperm.xlane v17, v3;
	v18 =	vadd.s32 v2, v18;
	_ =	sdelay $0x1  }
0x3ee: {  	v20 =	vperm.xlane v17, v4;
	v19 =	vadd.s32 v2, v19;
	_ =	sdelay $0x1  }
0x3ef: {  	s1 =	simm.s32 $0xCA80;
	v21 =	vperm.xlane v17, v5;
	v20 =	vadd.s32 v2, v20  }
0x3f0: {  	[tilespmem:s1], [sflag:$0x4] =	stream.indirect_vreg.gather [hbm4b:s8+s3], $0x80, v18, vm0, $0xb8;
	[tilespmem:$0x10680] =	vst v63  }
0x3f1: {  	s2 =	simm.s32 $0xCB00;
	v18 =	vadd.s32 v2, v21;
	v21 =	vperm.xlane v17, v6  }
0x3f2: {  	[tilespmem:s2], [sflag:$0x4] =	stream.indirect_vreg.gather [hbm4b:s8+s3], $0x80, v19, vm0, $0xb8;
	[tilespmem:$0x10680] =	vst v63  }
0x3f3: {  	s12 =	simm.s32 $0xCB80;
	v19 =	vadd.s32 v2, v21;
	v21 =	vperm.xlane v17, v7  }
0x3f4: {  	[tilespmem:s12], [sflag:$0x4] =	stream.indirect_vreg.gather [hbm4b:s8+s3], $0x80, v20, vm0, $0xb8;
	[tilespmem:$0x10680] =	vst v63  }
0x3f5: {  	s26 =	simm.s32 $0xCC00;
	v20 =	vadd.s32 v2, v21;
	v21 =	vperm.xlane v17, v8  }
0x3f6: {  	[tilespmem:s26], [sflag:$0x4] =	stream.indirect_vreg.gather [hbm4b:s8+s3], $0x80, v18, vm0, $0xb8;
	[tilespmem:$0x10680] =	vst v63  }
0x3f7: {  	s1 =	simm.s32 $0xCC80;
	v18 =	vadd.s32 v2, v21;
	v21 =	vperm.xlane v17, v0  }
0x3f8: {  	[tilespmem:s1], [sflag:$0x4] =	stream.indirect_vreg.gather [hbm4b:s8+s3], $0x80, v19, vm0, $0xb8;
	[tilespmem:$0x10680] =	vst v63  }
0x3f9: {  	s2 =	simm.s32 $0xCD00;
	v19 =	vadd.s32 v2, v21;
	v21 =	vperm.xlane v17, v9  }
0x3fa: {  	[tilespmem:s2], [sflag:$0x4] =	stream.indirect_vreg.gather [hbm4b:s8+s3], $0x80, v20, vm0, $0xb8;
	[tilespmem:$0x10680] =	vst v63  }
0x3fb: {  	s12 =	simm.s32 $0xCD80;
	v20 =	vadd.s32 v2, v21;
	v21 =	vperm.xlane v17, v10  }
0x3fc: {  	[tilespmem:s12], [sflag:$0x4] =	stream.indirect_vreg.gather [hbm4b:s8+s3], $0x80, v18, vm0, $0xb8;
	[tilespmem:$0x10680] =	vst v63  }
0x3fd: {  	s26 =	simm.s32 $0xCE00;
	v18 =	vadd.s32 v2, v21;
	v21 =	vperm.xlane v17, v11  }
0x3fe: {  	[tilespmem:s26], [sflag:$0x4] =	stream.indirect_vreg.gather [hbm4b:s8+s3], $0x80, v19, vm0, $0xb8;
	[tilespmem:$0x10680] =	vst v63  }
0x3ff: {  	s1 =	simm.s32 $0xCE80;
	v19 =	vadd.s32 v2, v21;
	v21 =	vperm.xlane v17, v12  }
0x400: {  	[tilespmem:s1], [sflag:$0x4] =	stream.indirect_vreg.gather [hbm4b:s8+s3], $0x80, v20, vm0, $0xb8;
	[tilespmem:$0x10680] =	vst v63  }
0x401: {  	s2 =	simm.s32 $0xCF00;
	v20 =	vadd.s32 v2, v21;
	v21 =	vperm.xlane v17, v13  }
0x402: {  	[tilespmem:s2], [sflag:$0x4] =	stream.indirect_vreg.gather [hbm4b:s8+s3], $0x80, v18, vm0, $0xb8;
	[tilespmem:$0x10680] =	vst v63  }
0x403: {  	s12 =	simm.s32 $0xCF80;
	v18 =	vadd.s32 v2, v21;
	v21 =	vperm.xlane v17, v14  }
0x404: {  	[tilespmem:s12], [sflag:$0x4] =	stream.indirect_vreg.gather [hbm4b:s8+s3], $0x80, v19, vm0, $0xb8;
	[tilespmem:$0x10680] =	vst v63  }
0x405: {  	s26 =	simm.s32 $0xD000;
	v19 =	vadd.s32 v2, v21;
	v21 =	vperm.xlane v17, v15  }
0x406: {  	[tilespmem:s26], [sflag:$0x4] =	stream.indirect_vreg.gather [hbm4b:s8+s3], $0x80, v20, vm0, $0xb8;
	[tilespmem:$0x10680] =	vst v63  }
0x407: {  	s1 =	simm.s32 $0xD080;
	v17 =	vperm.xlane v17, v16;
	v20 =	vadd.s32 v2, v21  }
0x408: {  	[tilespmem:s1], [sflag:$0x4] =	stream.indirect_vreg.gather [hbm4b:s8+s3], $0x80, v18, vm0, $0xb8;
	[tilespmem:$0x10680] =	vst v63  }
0x409: {  	s2 =	simm.s32 $0xD100;
	v17 =	vadd.s32 v2, v17  }
0x40a: {  	[tilespmem:s2], [sflag:$0x4] =	stream.indirect_vreg.gather [hbm4b:s8+s3], $0x80, v19, vm0, $0xb8;
	[tilespmem:$0x10680] =	vst v63  }
0x40b: {  	s12 =	simm.s32 $0xD180  }
0x40c: {  	[tilespmem:s12], [sflag:$0x4] =	stream.indirect_vreg.gather [hbm4b:s8+s3], $0x80, v20, vm0, $0xb8;
	[tilespmem:$0x10680] =	vst v63  }
0x40d: {  	s26 =	simm.s32 $0xD200  }
0x40e: {  	[tilespmem:s26], [sflag:$0x4] =	stream.indirect_vreg.gather [hbm4b:s8+s3], $0x80, v17, vm0, $0xb8;
	[tilespmem:$0x10680] =	vst v63  }
0x40f: {  	v17 =	vld [tilespmem:$0x1A0];
	_ =	sdelay $0x4  }
0x410: {  	v18 =	vshll.u32 v17, $0x7  }
0x411: {  	v17 =	vand.u32 $0x7, v17;
	v18 =	vand.u32 $0xFFFFFC00, v18  }
0x412: {  	v17 =	vor.u32 v17, v18  }
0x413: {  	v18 =	vperm.xlane v17, v1;
	_ =	sdelay $0x1  }
0x414: {  	v19 =	vperm.xlane v17, v3;
	v18 =	vadd.s32 v2, v18;
	_ =	sdelay $0x1  }
0x415: {  	v20 =	vperm.xlane v17, v4;
	v19 =	vadd.s32 v2, v19;
	_ =	sdelay $0x1  }
0x416: {  	s1 =	simm.s32 $0xD280;
	v21 =	vperm.xlane v17, v5;
	v20 =	vadd.s32 v2, v20  }
0x417: {  	[tilespmem:s1], [sflag:$0x4] =	stream.indirect_vreg.gather [hbm4b:s8+s3], $0x80, v18, vm0, $0xb8;
	[tilespmem:$0x10680] =	vst v63  }
0x418: {  	s2 =	simm.s32 $0xD300;
	v18 =	vadd.s32 v2, v21;
	v21 =	vperm.xlane v17, v6  }
0x419: {  	[tilespmem:s2], [sflag:$0x4] =	stream.indirect_vreg.gather [hbm4b:s8+s3], $0x80, v19, vm0, $0xb8;
	[tilespmem:$0x10680] =	vst v63  }
0x41a: {  	s12 =	simm.s32 $0xD380;
	v19 =	vadd.s32 v2, v21;
	v21 =	vperm.xlane v17, v7  }
0x41b: {  	[tilespmem:s12], [sflag:$0x4] =	stream.indirect_vreg.gather [hbm4b:s8+s3], $0x80, v20, vm0, $0xb8;
	[tilespmem:$0x10680] =	vst v63  }
0x41c: {  	s26 =	simm.s32 $0xD400;
	v20 =	vadd.s32 v2, v21;
	v21 =	vperm.xlane v17, v8  }
0x41d: {  	[tilespmem:s26], [sflag:$0x4] =	stream.indirect_vreg.gather [hbm4b:s8+s3], $0x80, v18, vm0, $0xb8;
	[tilespmem:$0x10680] =	vst v63  }
0x41e: {  	s1 =	simm.s32 $0xD480;
	v18 =	vadd.s32 v2, v21;
	v21 =	vperm.xlane v17, v0  }
0x41f: {  	[tilespmem:s1], [sflag:$0x4] =	stream.indirect_vreg.gather [hbm4b:s8+s3], $0x80, v19, vm0, $0xb8;
	[tilespmem:$0x10680] =	vst v63  }
0x420: {  	s2 =	simm.s32 $0xD500;
	v19 =	vadd.s32 v2, v21;
	v21 =	vperm.xlane v17, v9  }
0x421: {  	[tilespmem:s2], [sflag:$0x4] =	stream.indirect_vreg.gather [hbm4b:s8+s3], $0x80, v20, vm0, $0xb8;
	[tilespmem:$0x10680] =	vst v63  }
0x422: {  	s12 =	simm.s32 $0xD580;
	v20 =	vadd.s32 v2, v21;
	v21 =	vperm.xlane v17, v10  }
0x423: {  	[tilespmem:s12], [sflag:$0x4] =	stream.indirect_vreg.gather [hbm4b:s8+s3], $0x80, v18, vm0, $0xb8;
	[tilespmem:$0x10680] =	vst v63  }
0x424: {  	s26 =	simm.s32 $0xD600;
	v18 =	vadd.s32 v2, v21;
	v21 =	vperm.xlane v17, v11  }
0x425: {  	[tilespmem:s26], [sflag:$0x4] =	stream.indirect_vreg.gather [hbm4b:s8+s3], $0x80, v19, vm0, $0xb8;
	[tilespmem:$0x10680] =	vst v63  }
0x426: {  	s1 =	simm.s32 $0xD680;
	v19 =	vadd.s32 v2, v21;
	v21 =	vperm.xlane v17, v12  }
0x427: {  	[tilespmem:s1], [sflag:$0x4] =	stream.indirect_vreg.gather [hbm4b:s8+s3], $0x80, v20, vm0, $0xb8;
	[tilespmem:$0x10680] =	vst v63  }
0x428: {  	s2 =	simm.s32 $0xD700;
	v20 =	vadd.s32 v2, v21;
	v21 =	vperm.xlane v17, v13  }
0x429: {  	[tilespmem:s2], [sflag:$0x4] =	stream.indirect_vreg.gather [hbm4b:s8+s3], $0x80, v18, vm0, $0xb8;
	[tilespmem:$0x10680] =	vst v63  }
0x42a: {  	s12 =	simm.s32 $0xD780;
	v18 =	vadd.s32 v2, v21;
	v21 =	vperm.xlane v17, v14  }
0x42b: {  	[tilespmem:s12], [sflag:$0x4] =	stream.indirect_vreg.gather [hbm4b:s8+s3], $0x80, v19, vm0, $0xb8;
	[tilespmem:$0x10680] =	vst v63  }
0x42c: {  	s26 =	simm.s32 $0xD800;
	v19 =	vadd.s32 v2, v21;
	v21 =	vperm.xlane v17, v15  }
0x42d: {  	[tilespmem:s26], [sflag:$0x4] =	stream.indirect_vreg.gather [hbm4b:s8+s3], $0x80, v20, vm0, $0xb8;
	[tilespmem:$0x10680] =	vst v63  }
0x42e: {  	s1 =	simm.s32 $0xD880;
	v17 =	vperm.xlane v17, v16;
	v20 =	vadd.s32 v2, v21  }
0x42f: {  	[tilespmem:s1], [sflag:$0x4] =	stream.indirect_vreg.gather [hbm4b:s8+s3], $0x80, v18, vm0, $0xb8;
	[tilespmem:$0x10680] =	vst v63  }
0x430: {  	s2 =	simm.s32 $0xD900;
	v17 =	vadd.s32 v2, v17  }
0x431: {  	[tilespmem:s2], [sflag:$0x4] =	stream.indirect_vreg.gather [hbm4b:s8+s3], $0x80, v19, vm0, $0xb8;
	[tilespmem:$0x10680] =	vst v63  }
0x432: {  	s12 =	simm.s32 $0xD980  }
0x433: {  	[tilespmem:s12], [sflag:$0x4] =	stream.indirect_vreg.gather [hbm4b:s8+s3], $0x80, v20, vm0, $0xb8;
	[tilespmem:$0x10680] =	vst v63  }
0x434: {  	s26 =	simm.s32 $0xDA00  }
0x435: {  	[tilespmem:s26], [sflag:$0x4] =	stream.indirect_vreg.gather [hbm4b:s8+s3], $0x80, v17, vm0, $0xb8;
	[tilespmem:$0x10680] =	vst v63  }
0x436: {  	v17 =	vld [tilespmem:$0x1B0];
	_ =	sdelay $0x4  }
0x437: {  	v18 =	vshll.u32 v17, $0x7  }
0x438: {  	v17 =	vand.u32 $0x7, v17;
	v18 =	vand.u32 $0xFFFFFC00, v18  }
0x439: {  	v17 =	vor.u32 v17, v18  }
0x43a: {  	v18 =	vperm.xlane v17, v1;
	_ =	sdelay $0x1  }
0x43b: {  	v19 =	vperm.xlane v17, v3;
	v18 =	vadd.s32 v2, v18;
	_ =	sdelay $0x1  }
0x43c: {  	v20 =	vperm.xlane v17, v4;
	v19 =	vadd.s32 v2, v19;
	_ =	sdelay $0x1  }
0x43d: {  	s1 =	simm.s32 $0xDA80;
	v21 =	vperm.xlane v17, v5;
	v20 =	vadd.s32 v2, v20  }
0x43e: {  	[tilespmem:s1], [sflag:$0x4] =	stream.indirect_vreg.gather [hbm4b:s8+s3], $0x80, v18, vm0, $0xb8;
	[tilespmem:$0x10680] =	vst v63  }
0x43f: {  	s2 =	simm.s32 $0xDB00;
	v18 =	vadd.s32 v2, v21;
	v21 =	vperm.xlane v17, v6  }
0x440: {  	[tilespmem:s2], [sflag:$0x4] =	stream.indirect_vreg.gather [hbm4b:s8+s3], $0x80, v19, vm0, $0xb8;
	[tilespmem:$0x10680] =	vst v63  }
0x441: {  	s12 =	simm.s32 $0xDB80;
	v19 =	vadd.s32 v2, v21;
	v21 =	vperm.xlane v17, v7  }
0x442: {  	[tilespmem:s12], [sflag:$0x4] =	stream.indirect_vreg.gather [hbm4b:s8+s3], $0x80, v20, vm0, $0xb8;
	[tilespmem:$0x10680] =	vst v63  }
0x443: {  	s26 =	simm.s32 $0xDC00;
	v20 =	vadd.s32 v2, v21;
	v21 =	vperm.xlane v17, v8  }
0x444: {  	[tilespmem:s26], [sflag:$0x4] =	stream.indirect_vreg.gather [hbm4b:s8+s3], $0x80, v18, vm0, $0xb8;
	[tilespmem:$0x10680] =	vst v63  }
0x445: {  	s1 =	simm.s32 $0xDC80;
	v18 =	vadd.s32 v2, v21;
	v21 =	vperm.xlane v17, v0  }
0x446: {  	[tilespmem:s1], [sflag:$0x4] =	stream.indirect_vreg.gather [hbm4b:s8+s3], $0x80, v19, vm0, $0xb8;
	[tilespmem:$0x10680] =	vst v63  }
0x447: {  	s2 =	simm.s32 $0xDD00;
	v19 =	vadd.s32 v2, v21;
	v21 =	vperm.xlane v17, v9  }
0x448: {  	[tilespmem:s2], [sflag:$0x4] =	stream.indirect_vreg.gather [hbm4b:s8+s3], $0x80, v20, vm0, $0xb8;
	[tilespmem:$0x10680] =	vst v63  }
0x449: {  	s12 =	simm.s32 $0xDD80;
	v20 =	vadd.s32 v2, v21;
	v21 =	vperm.xlane v17, v10  }
0x44a: {  	[tilespmem:s12], [sflag:$0x4] =	stream.indirect_vreg.gather [hbm4b:s8+s3], $0x80, v18, vm0, $0xb8;
	[tilespmem:$0x10680] =	vst v63  }
0x44b: {  	s26 =	simm.s32 $0xDE00;
	v18 =	vadd.s32 v2, v21;
	v21 =	vperm.xlane v17, v11  }
0x44c: {  	[tilespmem:s26], [sflag:$0x4] =	stream.indirect_vreg.gather [hbm4b:s8+s3], $0x80, v19, vm0, $0xb8;
	[tilespmem:$0x10680] =	vst v63  }
0x44d: {  	s1 =	simm.s32 $0xDE80;
	v19 =	vadd.s32 v2, v21;
	v21 =	vperm.xlane v17, v12  }
0x44e: {  	[tilespmem:s1], [sflag:$0x4] =	stream.indirect_vreg.gather [hbm4b:s8+s3], $0x80, v20, vm0, $0xb8;
	[tilespmem:$0x10680] =	vst v63  }
0x44f: {  	s2 =	simm.s32 $0xDF00;
	v20 =	vadd.s32 v2, v21;
	v21 =	vperm.xlane v17, v13  }
0x450: {  	[tilespmem:s2], [sflag:$0x4] =	stream.indirect_vreg.gather [hbm4b:s8+s3], $0x80, v18, vm0, $0xb8;
	[tilespmem:$0x10680] =	vst v63  }
0x451: {  	s12 =	simm.s32 $0xDF80;
	v18 =	vadd.s32 v2, v21;
	v21 =	vperm.xlane v17, v14  }
0x452: {  	[tilespmem:s12], [sflag:$0x4] =	stream.indirect_vreg.gather [hbm4b:s8+s3], $0x80, v19, vm0, $0xb8;
	[tilespmem:$0x10680] =	vst v63  }
0x453: {  	s26 =	simm.s32 $0xE000;
	v19 =	vadd.s32 v2, v21;
	v21 =	vperm.xlane v17, v15  }
0x454: {  	[tilespmem:s26], [sflag:$0x4] =	stream.indirect_vreg.gather [hbm4b:s8+s3], $0x80, v20, vm0, $0xb8;
	[tilespmem:$0x10680] =	vst v63  }
0x455: {  	s1 =	simm.s32 $0xE080;
	v17 =	vperm.xlane v17, v16;
	v20 =	vadd.s32 v2, v21  }
0x456: {  	[tilespmem:s1], [sflag:$0x4] =	stream.indirect_vreg.gather [hbm4b:s8+s3], $0x80, v18, vm0, $0xb8;
	[tilespmem:$0x10680] =	vst v63  }
0x457: {  	s2 =	simm.s32 $0xE100;
	v17 =	vadd.s32 v2, v17  }
0x458: {  	[tilespmem:s2], [sflag:$0x4] =	stream.indirect_vreg.gather [hbm4b:s8+s3], $0x80, v19, vm0, $0xb8;
	[tilespmem:$0x10680] =	vst v63  }
0x459: {  	s12 =	simm.s32 $0xE180  }
0x45a: {  	[tilespmem:s12], [sflag:$0x4] =	stream.indirect_vreg.gather [hbm4b:s8+s3], $0x80, v20, vm0, $0xb8;
	[tilespmem:$0x10680] =	vst v63  }
0x45b: {  	s26 =	simm.s32 $0xE200  }
0x45c: {  	[tilespmem:s26], [sflag:$0x4] =	stream.indirect_vreg.gather [hbm4b:s8+s3], $0x80, v17, vm0, $0xb8;
	[tilespmem:$0x10680] =	vst v63  }
0x45d: {  	v17 =	vld [tilespmem:$0x1C0];
	_ =	sdelay $0x4  }
0x45e: {  	v18 =	vshll.u32 v17, $0x7  }
0x45f: {  	v17 =	vand.u32 $0x7, v17;
	v18 =	vand.u32 $0xFFFFFC00, v18  }
0x460: {  	v17 =	vor.u32 v17, v18  }
0x461: {  	v18 =	vperm.xlane v17, v1;
	_ =	sdelay $0x1  }
0x462: {  	v19 =	vperm.xlane v17, v3;
	v18 =	vadd.s32 v2, v18;
	_ =	sdelay $0x1  }
0x463: {  	v20 =	vperm.xlane v17, v4;
	v19 =	vadd.s32 v2, v19;
	_ =	sdelay $0x1  }
0x464: {  	s1 =	simm.s32 $0xE280;
	v21 =	vperm.xlane v17, v5;
	v20 =	vadd.s32 v2, v20  }
0x465: {  	[tilespmem:s1], [sflag:$0x4] =	stream.indirect_vreg.gather [hbm4b:s8+s3], $0x80, v18, vm0, $0xb8;
	[tilespmem:$0x10680] =	vst v63  }
0x466: {  	s2 =	simm.s32 $0xE300;
	v18 =	vadd.s32 v2, v21;
	v21 =	vperm.xlane v17, v6  }
0x467: {  	[tilespmem:s2], [sflag:$0x4] =	stream.indirect_vreg.gather [hbm4b:s8+s3], $0x80, v19, vm0, $0xb8;
	[tilespmem:$0x10680] =	vst v63  }
0x468: {  	s12 =	simm.s32 $0xE380;
	v19 =	vadd.s32 v2, v21;
	v21 =	vperm.xlane v17, v7  }
0x469: {  	[tilespmem:s12], [sflag:$0x4] =	stream.indirect_vreg.gather [hbm4b:s8+s3], $0x80, v20, vm0, $0xb8;
	[tilespmem:$0x10680] =	vst v63  }
0x46a: {  	s26 =	simm.s32 $0xE400;
	v20 =	vadd.s32 v2, v21;
	v21 =	vperm.xlane v17, v8  }
0x46b: {  	[tilespmem:s26], [sflag:$0x4] =	stream.indirect_vreg.gather [hbm4b:s8+s3], $0x80, v18, vm0, $0xb8;
	[tilespmem:$0x10680] =	vst v63  }
0x46c: {  	s1 =	simm.s32 $0xE480;
	v18 =	vadd.s32 v2, v21;
	v21 =	vperm.xlane v17, v0  }
0x46d: {  	[tilespmem:s1], [sflag:$0x4] =	stream.indirect_vreg.gather [hbm4b:s8+s3], $0x80, v19, vm0, $0xb8;
	[tilespmem:$0x10680] =	vst v63  }
0x46e: {  	s2 =	simm.s32 $0xE500;
	v19 =	vadd.s32 v2, v21;
	v21 =	vperm.xlane v17, v9  }
0x46f: {  	[tilespmem:s2], [sflag:$0x4] =	stream.indirect_vreg.gather [hbm4b:s8+s3], $0x80, v20, vm0, $0xb8;
	[tilespmem:$0x10680] =	vst v63  }
0x470: {  	s12 =	simm.s32 $0xE580;
	v20 =	vadd.s32 v2, v21;
	v21 =	vperm.xlane v17, v10  }
0x471: {  	[tilespmem:s12], [sflag:$0x4] =	stream.indirect_vreg.gather [hbm4b:s8+s3], $0x80, v18, vm0, $0xb8;
	[tilespmem:$0x10680] =	vst v63  }
0x472: {  	s26 =	simm.s32 $0xE600;
	v18 =	vadd.s32 v2, v21;
	v21 =	vperm.xlane v17, v11  }
0x473: {  	[tilespmem:s26], [sflag:$0x4] =	stream.indirect_vreg.gather [hbm4b:s8+s3], $0x80, v19, vm0, $0xb8;
	[tilespmem:$0x10680] =	vst v63  }
0x474: {  	s1 =	simm.s32 $0xE680;
	v19 =	vadd.s32 v2, v21;
	v21 =	vperm.xlane v17, v12  }
0x475: {  	[tilespmem:s1], [sflag:$0x4] =	stream.indirect_vreg.gather [hbm4b:s8+s3], $0x80, v20, vm0, $0xb8;
	[tilespmem:$0x10680] =	vst v63  }
0x476: {  	s2 =	simm.s32 $0xE700;
	v20 =	vadd.s32 v2, v21;
	v21 =	vperm.xlane v17, v13  }
0x477: {  	[tilespmem:s2], [sflag:$0x4] =	stream.indirect_vreg.gather [hbm4b:s8+s3], $0x80, v18, vm0, $0xb8;
	[tilespmem:$0x10680] =	vst v63  }
0x478: {  	s12 =	simm.s32 $0xE780;
	v18 =	vadd.s32 v2, v21;
	v21 =	vperm.xlane v17, v14  }
0x479: {  	[tilespmem:s12], [sflag:$0x4] =	stream.indirect_vreg.gather [hbm4b:s8+s3], $0x80, v19, vm0, $0xb8;
	[tilespmem:$0x10680] =	vst v63  }
0x47a: {  	s26 =	simm.s32 $0xE800;
	v19 =	vadd.s32 v2, v21;
	v21 =	vperm.xlane v17, v15  }
0x47b: {  	[tilespmem:s26], [sflag:$0x4] =	stream.indirect_vreg.gather [hbm4b:s8+s3], $0x80, v20, vm0, $0xb8;
	[tilespmem:$0x10680] =	vst v63  }
0x47c: {  	s1 =	simm.s32 $0xE880;
	v17 =	vperm.xlane v17, v16;
	v20 =	vadd.s32 v2, v21  }
0x47d: {  	[tilespmem:s1], [sflag:$0x4] =	stream.indirect_vreg.gather [hbm4b:s8+s3], $0x80, v18, vm0, $0xb8;
	[tilespmem:$0x10680] =	vst v63  }
0x47e: {  	s2 =	simm.s32 $0xE900;
	v17 =	vadd.s32 v2, v17  }
0x47f: {  	[tilespmem:s2], [sflag:$0x4] =	stream.indirect_vreg.gather [hbm4b:s8+s3], $0x80, v19, vm0, $0xb8;
	[tilespmem:$0x10680] =	vst v63  }
0x480: {  	s12 =	simm.s32 $0xE980  }
0x481: {  	[tilespmem:s12], [sflag:$0x4] =	stream.indirect_vreg.gather [hbm4b:s8+s3], $0x80, v20, vm0, $0xb8;
	[tilespmem:$0x10680] =	vst v63  }
0x482: {  	s26 =	simm.s32 $0xEA00  }
0x483: {  	[tilespmem:s26], [sflag:$0x4] =	stream.indirect_vreg.gather [hbm4b:s8+s3], $0x80, v17, vm0, $0xb8;
	[tilespmem:$0x10680] =	vst v63  }
0x484: {  	v17 =	vld [tilespmem:$0x1D0];
	_ =	sdelay $0x4  }
0x485: {  	v18 =	vshll.u32 v17, $0x7  }
0x486: {  	v17 =	vand.u32 $0x7, v17;
	v18 =	vand.u32 $0xFFFFFC00, v18  }
0x487: {  	v17 =	vor.u32 v17, v18  }
0x488: {  	v18 =	vperm.xlane v17, v1;
	_ =	sdelay $0x1  }
0x489: {  	v19 =	vperm.xlane v17, v3;
	v18 =	vadd.s32 v2, v18;
	_ =	sdelay $0x1  }
0x48a: {  	v20 =	vperm.xlane v17, v4;
	v19 =	vadd.s32 v2, v19;
	_ =	sdelay $0x1  }
0x48b: {  	s1 =	simm.s32 $0xEA80;
	v21 =	vperm.xlane v17, v5;
	v20 =	vadd.s32 v2, v20  }
0x48c: {  	[tilespmem:s1], [sflag:$0x4] =	stream.indirect_vreg.gather [hbm4b:s8+s3], $0x80, v18, vm0, $0xb8;
	[tilespmem:$0x10680] =	vst v63  }
0x48d: {  	s2 =	simm.s32 $0xEB00;
	v18 =	vadd.s32 v2, v21;
	v21 =	vperm.xlane v17, v6  }
0x48e: {  	[tilespmem:s2], [sflag:$0x4] =	stream.indirect_vreg.gather [hbm4b:s8+s3], $0x80, v19, vm0, $0xb8;
	[tilespmem:$0x10680] =	vst v63  }
0x48f: {  	s12 =	simm.s32 $0xEB80;
	v19 =	vadd.s32 v2, v21;
	v21 =	vperm.xlane v17, v7  }
0x490: {  	[tilespmem:s12], [sflag:$0x4] =	stream.indirect_vreg.gather [hbm4b:s8+s3], $0x80, v20, vm0, $0xb8;
	[tilespmem:$0x10680] =	vst v63  }
0x491: {  	s26 =	simm.s32 $0xEC00;
	v20 =	vadd.s32 v2, v21;
	v21 =	vperm.xlane v17, v8  }
0x492: {  	[tilespmem:s26], [sflag:$0x4] =	stream.indirect_vreg.gather [hbm4b:s8+s3], $0x80, v18, vm0, $0xb8;
	[tilespmem:$0x10680] =	vst v63  }
0x493: {  	s1 =	simm.s32 $0xEC80;
	v18 =	vadd.s32 v2, v21;
	v21 =	vperm.xlane v17, v0  }
0x494: {  	[tilespmem:s1], [sflag:$0x4] =	stream.indirect_vreg.gather [hbm4b:s8+s3], $0x80, v19, vm0, $0xb8;
	[tilespmem:$0x10680] =	vst v63  }
0x495: {  	s2 =	simm.s32 $0xED00;
	v19 =	vadd.s32 v2, v21;
	v21 =	vperm.xlane v17, v9  }
0x496: {  	[tilespmem:s2], [sflag:$0x4] =	stream.indirect_vreg.gather [hbm4b:s8+s3], $0x80, v20, vm0, $0xb8;
	[tilespmem:$0x10680] =	vst v63  }
0x497: {  	s12 =	simm.s32 $0xED80;
	v20 =	vadd.s32 v2, v21;
	v21 =	vperm.xlane v17, v10  }
0x498: {  	[tilespmem:s12], [sflag:$0x4] =	stream.indirect_vreg.gather [hbm4b:s8+s3], $0x80, v18, vm0, $0xb8;
	[tilespmem:$0x10680] =	vst v63  }
0x499: {  	s26 =	simm.s32 $0xEE00;
	v18 =	vadd.s32 v2, v21;
	v21 =	vperm.xlane v17, v11  }
0x49a: {  	[tilespmem:s26], [sflag:$0x4] =	stream.indirect_vreg.gather [hbm4b:s8+s3], $0x80, v19, vm0, $0xb8;
	[tilespmem:$0x10680] =	vst v63  }
0x49b: {  	s1 =	simm.s32 $0xEE80;
	v19 =	vadd.s32 v2, v21;
	v21 =	vperm.xlane v17, v12  }
0x49c: {  	[tilespmem:s1], [sflag:$0x4] =	stream.indirect_vreg.gather [hbm4b:s8+s3], $0x80, v20, vm0, $0xb8;
	[tilespmem:$0x10680] =	vst v63  }
0x49d: {  	s2 =	simm.s32 $0xEF00;
	v20 =	vadd.s32 v2, v21;
	v21 =	vperm.xlane v17, v13  }
0x49e: {  	[tilespmem:s2], [sflag:$0x4] =	stream.indirect_vreg.gather [hbm4b:s8+s3], $0x80, v18, vm0, $0xb8;
	[tilespmem:$0x10680] =	vst v63  }
0x49f: {  	s12 =	simm.s32 $0xEF80;
	v18 =	vadd.s32 v2, v21;
	v21 =	vperm.xlane v17, v14  }
0x4a0: {  	[tilespmem:s12], [sflag:$0x4] =	stream.indirect_vreg.gather [hbm4b:s8+s3], $0x80, v19, vm0, $0xb8;
	[tilespmem:$0x10680] =	vst v63  }
0x4a1: {  	s26 =	simm.s32 $0xF000;
	v19 =	vadd.s32 v2, v21;
	v21 =	vperm.xlane v17, v15  }
0x4a2: {  	[tilespmem:s26], [sflag:$0x4] =	stream.indirect_vreg.gather [hbm4b:s8+s3], $0x80, v20, vm0, $0xb8;
	[tilespmem:$0x10680] =	vst v63  }
0x4a3: {  	s1 =	simm.s32 $0xF080;
	v17 =	vperm.xlane v17, v16;
	v20 =	vadd.s32 v2, v21  }
0x4a4: {  	[tilespmem:s1], [sflag:$0x4] =	stream.indirect_vreg.gather [hbm4b:s8+s3], $0x80, v18, vm0, $0xb8;
	[tilespmem:$0x10680] =	vst v63  }
0x4a5: {  	s2 =	simm.s32 $0xF100;
	v17 =	vadd.s32 v2, v17  }
0x4a6: {  	[tilespmem:s2], [sflag:$0x4] =	stream.indirect_vreg.gather [hbm4b:s8+s3], $0x80, v19, vm0, $0xb8;
	[tilespmem:$0x10680] =	vst v63  }
0x4a7: {  	s12 =	simm.s32 $0xF180  }
0x4a8: {  	[tilespmem:s12], [sflag:$0x4] =	stream.indirect_vreg.gather [hbm4b:s8+s3], $0x80, v20, vm0, $0xb8;
	[tilespmem:$0x10680] =	vst v63  }
0x4a9: {  	s26 =	simm.s32 $0xF200  }
0x4aa: {  	[tilespmem:s26], [sflag:$0x4] =	stream.indirect_vreg.gather [hbm4b:s8+s3], $0x80, v17, vm0, $0xb8;
	[tilespmem:$0x10680] =	vst v63  }
0x4ab: {  	v17 =	vld [tilespmem:$0x1E0];
	_ =	sdelay $0x4  }
0x4ac: {  	v18 =	vshll.u32 v17, $0x7  }
0x4ad: {  	v17 =	vand.u32 $0x7, v17;
	v18 =	vand.u32 $0xFFFFFC00, v18  }
0x4ae: {  	v17 =	vor.u32 v17, v18  }
0x4af: {  	v18 =	vperm.xlane v17, v1;
	_ =	sdelay $0x1  }
0x4b0: {  	v19 =	vperm.xlane v17, v3;
	v18 =	vadd.s32 v2, v18;
	_ =	sdelay $0x1  }
0x4b1: {  	v20 =	vperm.xlane v17, v4;
	v19 =	vadd.s32 v2, v19;
	_ =	sdelay $0x1  }
0x4b2: {  	s1 =	simm.s32 $0xF280;
	v21 =	vperm.xlane v17, v5;
	v20 =	vadd.s32 v2, v20  }
0x4b3: {  	[tilespmem:s1], [sflag:$0x4] =	stream.indirect_vreg.gather [hbm4b:s8+s3], $0x80, v18, vm0, $0xb8;
	[tilespmem:$0x10680] =	vst v63  }
0x4b4: {  	s2 =	simm.s32 $0xF300;
	v18 =	vadd.s32 v2, v21;
	v21 =	vperm.xlane v17, v6  }
0x4b5: {  	[tilespmem:s2], [sflag:$0x4] =	stream.indirect_vreg.gather [hbm4b:s8+s3], $0x80, v19, vm0, $0xb8;
	[tilespmem:$0x10680] =	vst v63  }
0x4b6: {  	s12 =	simm.s32 $0xF380;
	v19 =	vadd.s32 v2, v21;
	v21 =	vperm.xlane v17, v7  }
0x4b7: {  	[tilespmem:s12], [sflag:$0x4] =	stream.indirect_vreg.gather [hbm4b:s8+s3], $0x80, v20, vm0, $0xb8;
	[tilespmem:$0x10680] =	vst v63  }
0x4b8: {  	s26 =	simm.s32 $0xF400;
	v20 =	vadd.s32 v2, v21;
	v21 =	vperm.xlane v17, v8  }
0x4b9: {  	[tilespmem:s26], [sflag:$0x4] =	stream.indirect_vreg.gather [hbm4b:s8+s3], $0x80, v18, vm0, $0xb8;
	[tilespmem:$0x10680] =	vst v63  }
0x4ba: {  	s1 =	simm.s32 $0xF480;
	v18 =	vadd.s32 v2, v21;
	v21 =	vperm.xlane v17, v0  }
0x4bb: {  	[tilespmem:s1], [sflag:$0x4] =	stream.indirect_vreg.gather [hbm4b:s8+s3], $0x80, v19, vm0, $0xb8;
	[tilespmem:$0x10680] =	vst v63  }
0x4bc: {  	s2 =	simm.s32 $0xF500;
	v19 =	vadd.s32 v2, v21;
	v21 =	vperm.xlane v17, v9  }
0x4bd: {  	[tilespmem:s2], [sflag:$0x4] =	stream.indirect_vreg.gather [hbm4b:s8+s3], $0x80, v20, vm0, $0xb8;
	[tilespmem:$0x10680] =	vst v63  }
0x4be: {  	s12 =	simm.s32 $0xF580;
	v20 =	vadd.s32 v2, v21;
	v21 =	vperm.xlane v17, v10  }
0x4bf: {  	[tilespmem:s12], [sflag:$0x4] =	stream.indirect_vreg.gather [hbm4b:s8+s3], $0x80, v18, vm0, $0xb8;
	[tilespmem:$0x10680] =	vst v63  }
0x4c0: {  	s26 =	simm.s32 $0xF600;
	v18 =	vadd.s32 v2, v21;
	v21 =	vperm.xlane v17, v11  }
0x4c1: {  	[tilespmem:s26], [sflag:$0x4] =	stream.indirect_vreg.gather [hbm4b:s8+s3], $0x80, v19, vm0, $0xb8;
	[tilespmem:$0x10680] =	vst v63  }
0x4c2: {  	s1 =	simm.s32 $0xF680;
	v19 =	vadd.s32 v2, v21;
	v21 =	vperm.xlane v17, v12  }
0x4c3: {  	[tilespmem:s1], [sflag:$0x4] =	stream.indirect_vreg.gather [hbm4b:s8+s3], $0x80, v20, vm0, $0xb8;
	[tilespmem:$0x10680] =	vst v63  }
0x4c4: {  	s2 =	simm.s32 $0xF700;
	v20 =	vadd.s32 v2, v21;
	v21 =	vperm.xlane v17, v13  }
0x4c5: {  	[tilespmem:s2], [sflag:$0x4] =	stream.indirect_vreg.gather [hbm4b:s8+s3], $0x80, v18, vm0, $0xb8;
	[tilespmem:$0x10680] =	vst v63  }
0x4c6: {  	s12 =	simm.s32 $0xF780;
	v18 =	vadd.s32 v2, v21;
	v21 =	vperm.xlane v17, v14  }
0x4c7: {  	[tilespmem:s12], [sflag:$0x4] =	stream.indirect_vreg.gather [hbm4b:s8+s3], $0x80, v19, vm0, $0xb8;
	[tilespmem:$0x10680] =	vst v63  }
0x4c8: {  	s26 =	simm.s32 $0xF800;
	v19 =	vadd.s32 v2, v21;
	v21 =	vperm.xlane v17, v15  }
0x4c9: {  	[tilespmem:s26], [sflag:$0x4] =	stream.indirect_vreg.gather [hbm4b:s8+s3], $0x80, v20, vm0, $0xb8;
	[tilespmem:$0x10680] =	vst v63  }
0x4ca: {  	s1 =	simm.s32 $0xF880;
	v17 =	vperm.xlane v17, v16;
	v20 =	vadd.s32 v2, v21  }
0x4cb: {  	[tilespmem:s1], [sflag:$0x4] =	stream.indirect_vreg.gather [hbm4b:s8+s3], $0x80, v18, vm0, $0xb8;
	[tilespmem:$0x10680] =	vst v63  }
0x4cc: {  	s2 =	simm.s32 $0xF900;
	v17 =	vadd.s32 v2, v17  }
0x4cd: {  	[tilespmem:s2], [sflag:$0x4] =	stream.indirect_vreg.gather [hbm4b:s8+s3], $0x80, v19, vm0, $0xb8;
	[tilespmem:$0x10680] =	vst v63  }
0x4ce: {  	s12 =	simm.s32 $0xF980  }
0x4cf: {  	[tilespmem:s12], [sflag:$0x4] =	stream.indirect_vreg.gather [hbm4b:s8+s3], $0x80, v20, vm0, $0xb8;
	[tilespmem:$0x10680] =	vst v63  }
0x4d0: {  	s26 =	simm.s32 $0xFA00  }
0x4d1: {  	[tilespmem:s26], [sflag:$0x4] =	stream.indirect_vreg.gather [hbm4b:s8+s3], $0x80, v17, vm0, $0xb8;
	[tilespmem:$0x10680] =	vst v63  }
0x4d2: {  	v17 =	vld [tilespmem:$0x1F0];
	_ =	sdelay $0x4  }
0x4d3: {  	v18 =	vshll.u32 v17, $0x7  }
0x4d4: {  	v17 =	vand.u32 $0x7, v17;
	v18 =	vand.u32 $0xFFFFFC00, v18  }
0x4d5: {  	v17 =	vor.u32 v17, v18  }
0x4d6: {  	v18 =	vperm.xlane v17, v1;
	_ =	sdelay $0x1  }
0x4d7: {  	v19 =	vperm.xlane v17, v3;
	v18 =	vadd.s32 v2, v18;
	_ =	sdelay $0x1  }
0x4d8: {  	v20 =	vperm.xlane v17, v4;
	v19 =	vadd.s32 v2, v19;
	_ =	sdelay $0x1  }
0x4d9: {  	v21 =	vperm.xlane v17, v5;
	v20 =	vadd.s32 v2, v20  }
0x4da: {  	[tilespmem:s19], [sflag:$0x4] =	stream.indirect_vreg.gather [hbm4b:s8+s3], $0x80, v18, vm0, $0xb8;
	[tilespmem:$0x10680] =	vst v63  }
0x4db: {  	v18 =	vadd.s32 v2, v21;
	v21 =	vperm.xlane v17, v6  }
0x4dc: {  	[tilespmem:s20], [sflag:$0x4] =	stream.indirect_vreg.gather [hbm4b:s8+s3], $0x80, v19, vm0, $0xb8;
	[tilespmem:$0x10680] =	vst v63  }
0x4dd: {  	v19 =	vadd.s32 v2, v21;
	v21 =	vperm.xlane v17, v7  }
0x4de: {  	[tilespmem:s21], [sflag:$0x4] =	stream.indirect_vreg.gather [hbm4b:s8+s3], $0x80, v20, vm0, $0xb8;
	[tilespmem:$0x10680] =	vst v63  }
0x4df: {  	s1 =	simm.s32 $0xFC00;
	v20 =	vadd.s32 v2, v21;
	v21 =	vperm.xlane v17, v8  }
0x4e0: {  	[tilespmem:s1], [sflag:$0x4] =	stream.indirect_vreg.gather [hbm4b:s8+s3], $0x80, v18, vm0, $0xb8;
	[tilespmem:$0x10680] =	vst v63  }
0x4e1: {  	v18 =	vadd.s32 v2, v21;
	v21 =	vperm.xlane v17, v0  }
0x4e2: {  	[tilespmem:s18], [sflag:$0x4] =	stream.indirect_vreg.gather [hbm4b:s8+s3], $0x80, v19, vm0, $0xb8;
	[tilespmem:$0x10680] =	vst v63  }
0x4e3: {  	v19 =	vadd.s32 v2, v21;
	v21 =	vperm.xlane v17, v9  }
0x4e4: {  	[tilespmem:s17], [sflag:$0x4] =	stream.indirect_vreg.gather [hbm4b:s8+s3], $0x80, v20, vm0, $0xb8;
	[tilespmem:$0x10680] =	vst v63  }
0x4e5: {  	v20 =	vadd.s32 v2, v21;
	v21 =	vperm.xlane v17, v10  }
0x4e6: {  	[tilespmem:s16], [sflag:$0x4] =	stream.indirect_vreg.gather [hbm4b:s8+s3], $0x80, v18, vm0, $0xb8;
	[tilespmem:$0x10680] =	vst v63  }
0x4e7: {  	v18 =	vadd.s32 v2, v21;
	v21 =	vperm.xlane v17, v11  }
0x4e8: {  	[tilespmem:s14], [sflag:$0x4] =	stream.indirect_vreg.gather [hbm4b:s8+s3], $0x80, v19, vm0, $0xb8;
	[tilespmem:$0x10680] =	vst v63  }
0x4e9: {  	v19 =	vadd.s32 v2, v21;
	v21 =	vperm.xlane v17, v12  }
0x4ea: {  	[tilespmem:s15], [sflag:$0x4] =	stream.indirect_vreg.gather [hbm4b:s8+s3], $0x80, v20, vm0, $0xb8;
	[tilespmem:$0x10680] =	vst v63  }
0x4eb: {  	v20 =	vadd.s32 v2, v21;
	v21 =	vperm.xlane v17, v13  }
0x4ec: {  	[tilespmem:s13], [sflag:$0x4] =	stream.indirect_vreg.gather [hbm4b:s8+s3], $0x80, v18, vm0, $0xb8;
	[tilespmem:$0x10680] =	vst v63  }
0x4ed: {  	s2 =	simm.s32 $0xFF80;
	v18 =	vadd.s32 v2, v21;
	v21 =	vperm.xlane v17, v14  }
0x4ee: {  	[tilespmem:s2], [sflag:$0x4] =	stream.indirect_vreg.gather [hbm4b:s8+s3], $0x80, v19, vm0, $0xb8;
	[tilespmem:$0x10680] =	vst v63  }
0x4ef: {  	s12 =	simm.s32 $0x10000;
	v19 =	vadd.s32 v2, v21;
	v21 =	vperm.xlane v17, v15  }
0x4f0: {  	[tilespmem:s12], [sflag:$0x4] =	stream.indirect_vreg.gather [hbm4b:s8+s3], $0x80, v20, vm0, $0xb8;
	[tilespmem:$0x10680] =	vst v63  }
0x4f1: {  	s26 =	simm.s32 $0x10080;
	v17 =	vperm.xlane v17, v16;
	v20 =	vadd.s32 v2, v21  }
0x4f2: {  	[tilespmem:s26], [sflag:$0x4] =	stream.indirect_vreg.gather [hbm4b:s8+s3], $0x80, v18, vm0, $0xb8;
	[tilespmem:$0x10680] =	vst v63  }
0x4f3: {  	s1 =	simm.s32 $0x10100;
	v17 =	vadd.s32 v2, v17  }
0x4f4: {  	[tilespmem:s1], [sflag:$0x4] =	stream.indirect_vreg.gather [hbm4b:s8+s3], $0x80, v19, vm0, $0xb8;
	[tilespmem:$0x10680] =	vst v63  }
0x4f5: {  	s2 =	simm.s32 $0x10180  }
0x4f6: {  	[tilespmem:s2], [sflag:$0x4] =	stream.indirect_vreg.gather [hbm4b:s8+s3], $0x80, v20, vm0, $0xb8;
	[tilespmem:$0x10680] =	vst v63  }
0x4f7: {  	s12 =	simm.s32 $0x10200  }
0x4f8: {  	[tilespmem:s12], [sflag:$0x4] =	stream.indirect_vreg.gather [hbm4b:s8+s3], $0x80, v17, vm0, $0xb8;
	[tilespmem:$0x10680] =	vst v63  }
0x4f9: {  	_ =	swait.ge [sflag:s29], $0x4000  }
0x4fa: {  	[sflag:s29] =	ssyncset.done $0x0  }
0x4fb: {  	[sflag:s29] =	ssyncadd.s32 $0xFFFFC000  }
0x4fc: {  	_ =	swait.ge [sflag:s28], $0x4000  }
0x4fd: {  	[sflag:s28] =	ssyncset.done $0x0  }
0x4fe: {  	[sflag:s28] =	ssyncadd.s32 $0xFFFFC000  }
0x4ff: {  	_ =	swait.ge [sflag:s25], $0x4000  }
0x500: {  	[sflag:s25] =	ssyncset.done $0x0  }
0x501: {  	[sflag:s25] =	ssyncadd.s32 $0xFFFFC000  }
0x502: {  	_ =	swait.ge [sflag:s22], $0x4000  }
0x503: {  	s26 =	sand.u32 $0x7, s3;
	[sflag:s22] =	ssyncset.done $0x0  }
0x504: {  	s0 =	sshll.u32 s26, $0x4;
	[sflag:s22] =	ssyncadd.s32 $0xFFFFC000  }
0x505: {  	s0 =	sadd.s32 $0x0, s0;
	v17 =	vld [tilespmem:s3+$0x0]  }
0x506: {  	v18 =	vld [tilespmem:s0+$0x280]  }
0x507: {  	v19 =	vld [tilespmem:s0+$0x300]  }
0x508: {  	v20 =	vld [tilespmem:s0+$0x380]  }
0x509: {  	v21 =	vld [tilespmem:s0+$0x400]  }
0x50a: {  	v22 =	vld [tilespmem:s0+$0x480]  }
0x50b: {  	v23 =	vld [tilespmem:s0+$0x500]  }
0x50c: {  	v18 =	vsel vm0, v18, v19;
	v19 =	vld [tilespmem:s0+$0x580]  }
0x50d: {  	v18 =	vsel vm1, v18, v20;
	v20 =	vld [tilespmem:s0+$0x600]  }
0x50e: {  	v24 =	vld [tilespmem:s0+$0x680];
	v18 =	vsel vm2, v18, v21  }
0x50f: {  	v21 =	vld [tilespmem:s0+$0x700];
	v18 =	vsel vm3, v18, v22  }
0x510: {  	v22 =	vld [tilespmem:s0+$0x780];
	v18 =	vsel vm4, v18, v23  }
0x511: {  	v18 =	vsel vm5, v18, v19;
	v19 =	vld [tilespmem:s0+$0x800]  }
0x512: {  	v18 =	vsel vm6, v18, v20;
	v20 =	vld [tilespmem:s0+$0x880]  }
0x513: {  	v23 =	vld [tilespmem:s0+$0x900];
	v18 =	vsel vm7, v18, v24  }
0x514: {  	v18 =	vsel vm8, v18, v21;
	v21 =	vld [tilespmem:s0+$0x980]  }
0x515: {  	v18 =	vsel vm9, v18, v22;
	v22 =	vld [tilespmem:s0+$0xA00]  }
0x516: {  	v24 =	vadd.s32 $0x10280, v17;
	v17 =	vsel vm10, v18, v19  }
0x517: {  	(v2sf) =	vpush v24, $0x7;
	v17 =	vsel vm11, v17, v20  }
0x518: {  	(v2sf) =	vpush v24, $0x0;
	v17 =	vsel vm12, v17, v23  }
0x519: {  	v17 =	vsel vm13, v17, v21  }
0x51a: {  	(v2sf) =	vpush v24, $0x1;
	v17 =	vsel vm14, v17, v22  }
0x51b: {  	s1 =	simm.s32 $0x1;
	v18 =	vmul.f32 $1.442695020e+00, v17  }
0x51c: {  	s0 =	sand.u32 $0x7, s1;
	(v2sf) =	vpush v24, $0x2  }
0x51d: {  	s2 =	simm.s32 $0x10;
	s0 =	sshll.u32 s0, $0x4;
	(v2sf) =	vpush v24, $0x3;
	(erf) = vpow2.f32 v18  }
0x51e: {  	v19 =	vld [tilespmem:s2+$0x0];
	s0 =	sadd.s32 $0x800, s0  }
0x51f: {  	v20 =	vld [tilespmem:s0+$0x680]  }
0x520: {  	(v2sf) =	vpush v24, $0x4;
	v21 =	vld [tilespmem:s0+$0x300]  }
0x521: {  	v18 =	vld [tilespmem:s0+$0x280]  }
0x522: {  	v22 =	vld [tilespmem:s0+$0x380];
	(v2sf) =	vpush v24, $0x5  }
0x523: {  	v23 =	vld [tilespmem:s0+$0x400]  }
0x524: {  	v25 =	vld [tilespmem:s0+$0x480];
	(v2sf) =	vpush v24, $0x6  }
0x525: {  	v26 =	vld [tilespmem:s0+$0x500]  }
0x526: {  	v27 =	vld [tilespmem:s0+$0x580];
	v18 =	vsel vm0, v18, v21;
	s1 =	spop (v2sf);
	v21 =	vpop (erf)  }
0x527: {  	v18 =	vsel vm1, v18, v22;
	v22 =	vld [tilespmem:s0+$0x600];
	s26 =	spop (v2sf);
	v21 =	vsub.f32 $1.000000000e+00, v21  }
0x528: {  	v18 =	vsel vm2, v18, v23;
	(v2sf) =	vpush v24, $0x8;
	v23 =	vld [tilespmem:s26+$0x0]  }
0x529: {  	v18 =	vsel vm3, v18, v25;
	v25 =	vld [tilespmem:s0+$0x700];
	s12 =	spop (v2sf);
	v21 =	vmul.f32 v21, v21  }
0x52a: {  	(v2sf) =	vpush v24, $0x9;
	v18 =	vsel vm4, v18, v26;
	v26 =	vld [tilespmem:s12+$0x0]  }
0x52b: {  	v28 =	vld [tilespmem:s0+$0x780];
	s2 =	spop (v2sf);
	(v2sf) =	vpush v24, $0xA;
	v27 =	vsel vm5, v18, v27;
	v18 =	vmul.f32 v21, v17  }
0x52c: {  	s12 =	spop (v2sf);
	(v2sf) =	vpush v24, $0xB;
	v17 =	vsel vm6, v27, v22;
	v22 =	vld [tilespmem:s2+$0x0]  }
0x52d: {  	v17 =	vsel vm7, v17, v20;
	v20 =	vld [tilespmem:s0+$0x800];
	v23 =	vmul.f32 v18, v23;
	v27 =	vbroadcast v18, $0x1  }
0x52e: {  	v21 =	vimm.f32 $0.0e+00;
	v25 =	vsel vm8, v17, v25;
	v17 =	vadd.s32 $0x10280, v19;
	v19 =	vld [tilespmem:s12+$0x0]  }
0x52f: {  	v29 =	vld [tilespmem:s0+$0x880];
	s2 =	spop (v2sf);
	v23 =	vnsel vm0, $0x0, v23;
	v26 =	vmul.f32 v27, v26;
	v27 =	vbroadcast v18, $0x2  }
0x530: {  	(v2sf) =	vpush v24, $0xC;
	v25 =	vsel vm9, v25, v28;
	v21 =	vadd.f32 v23, v21;
	v23 =	vld [tilespmem:s2+$0x0]  }
0x531: {  	s12 =	spop (v2sf);
	v28 =	vld [tilespmem:s0+$0x900];
	v26 =	vnsel vm0, $0x0, v26;
	v22 =	vmul.f32 v27, v22;
	v27 =	vbroadcast v18, $0x3  }
0x532: {  	(v2sf) =	vpush v24, $0xD;
	v20 =	vsel vm10, v25, v20;
	v25 =	vld [tilespmem:s12+$0x0];
	v21 =	vadd.f32 v26, v21  }
0x533: {  	s2 =	spop (v2sf);
	v26 =	vld [tilespmem:s0+$0x980];
	v22 =	vnsel vm0, $0x0, v22;
	v19 =	vmul.f32 v27, v19;
	v27 =	vbroadcast v18, $0x4  }
0x534: {  	(v2sf) =	vpush v24, $0xE;
	v20 =	vsel vm11, v20, v29;
	v21 =	vadd.f32 v21, v22;
	v22 =	vld [tilespmem:s2+$0x0]  }
0x535: {  	s30 =	simm.s32 $0x2;
	v29 =	vld [tilespmem:s0+$0xA00];
	v19 =	vnsel vm0, $0x0, v19;
	v23 =	vmul.f32 v27, v23;
	v27 =	vbroadcast v18, $0x5  }
0x536: {  	s26 =	sand.u32 $0x7, s30;
	(v2sf) =	vpush v24, $0xF;
	v20 =	vsel vm12, v20, v28;
	v28 =	vld [tilespmem:s1+$0x0];
	v19 =	vadd.f32 v21, v19  }
0x537: {  	v24 =	vbroadcast v18, $0x6;
	s12 =	spop (v2sf);
	s2 =	sshll.u32 s26, $0x4;
	v21 =	vnsel vm0, $0x0, v23;
	v23 =	vmul.f32 v27, v25  }
0x538: {  	(v2sf) =	vpush v17, $0x7;
	s26 =	sadd.s32 $0x1000, s2;
	v20 =	vsel vm13, v20, v26;
	v26 =	vld [tilespmem:s12+$0x0];
	v25 =	vadd.f32 v19, v21  }
0x539: {  	v30 =	vld [tilespmem:s26+$0x380];
	s12 =	spop (v2sf);
	v23 =	vnsel vm0, $0x0, v23;
	v22 =	vmul.f32 v22, v24;
	v24 =	vbroadcast v18, $0x7  }
0x53a: {  	(v2sf) =	vpush v17, $0x0;
	v27 =	vbroadcast v18, $0x8;
	v23 =	vadd.f32 v25, v23;
	v25 =	vld [tilespmem:s12+$0x0]  }
0x53b: {  	v32 =	vld [tilespmem:s26+$0x400];
	v21 =	vsel vm14, v20, v29;
	s1 =	spop (v2sf);
	v22 =	vnsel vm0, $0x0, v22;
	v24 =	vmul.f32 v28, v24  }
0x53c: {  	(v2sf) =	vpush v17, $0x1;
	v28 =	vmul.f32 $1.442695020e+00, v21;
	v22 =	vadd.f32 v23, v22;
	v23 =	vld [tilespmem:s1+$0x0]  }
0x53d: {  	v29 =	vld [tilespmem:s26+$0x280];
	s2 =	spop (v2sf);
	v26 =	vmul.f32 v26, v27;
	v27 =	vbroadcast v18, $0x9;
	v24 =	vnsel vm0, $0x0, v24  }
0x53e: {  	(v2sf) =	vpush v17, $0x2;
	(erf) = vpow2.f32 v28;
	v22 =	vadd.f32 v22, v24;
	v24 =	vld [tilespmem:s2+$0x0]  }
0x53f: {  	s12 =	spop (v2sf);
	v28 =	vld [tilespmem:s26+$0x300];
	v26 =	vnsel vm0, $0x0, v26;
	v25 =	vmul.f32 v25, v27;
	v27 =	vbroadcast v18, $0xA  }
0x540: {  	s31 =	simm.s32 $0x20;
	(v2sf) =	vpush v17, $0x3;
	v22 =	vadd.f32 v22, v26;
	v26 =	vld [tilespmem:s12+$0x0]  }
0x541: {  	v19 =	vld [tilespmem:s31+$0x0];
	s1 =	spop (v2sf);
	v25 =	vnsel vm0, $0x0, v25;
	v23 =	vmul.f32 v23, v27;
	v27 =	vbroadcast v18, $0xB  }
0x542: {  	(v2sf) =	vpush v17, $0x4;
	v31 =	vld [tilespmem:s1+$0x0];
	v22 =	vadd.f32 v22, v25  }
0x543: {  	v20 =	vld [tilespmem:s26+$0x680];
	s2 =	spop (v2sf);
	v23 =	vnsel vm0, $0x0, v23;
	v24 =	vmul.f32 v24, v27;
	v27 =	vbroadcast v18, $0xC  }
0x544: {  	(v2sf) =	vpush v17, $0x5;
	v28 =	vsel vm0, v29, v28;
	v25 =	vld [tilespmem:s2+$0x0];
	v23 =	vadd.f32 v22, v23  }
0x545: {  	s12 =	spop (v2sf);
	v22 =	vld [tilespmem:s26+$0x480];
	v24 =	vnsel vm0, $0x0, v24;
	v26 =	vmul.f32 v26, v27;
	v27 =	vbroadcast v18, $0xD  }
0x546: {  	(v2sf) =	vpush v17, $0x6;
	v28 =	vsel vm1, v28, v30;
	v33 =	vadd.f32 v23, v24;
	v23 =	vld [tilespmem:s12+$0x0]  }
0x547: {  	v30 =	vbroadcast v18, $0xE;
	v24 =	vld [tilespmem:s26+$0x500];
	v34 =	vpop (erf);
	v35 =	vnsel vm0, $0x0, v26;
	v29 =	vmul.f32 v31, v27  }
0x548: {  	s0 =	simm.s32 $0x6000;
	s1 =	spop (v2sf);
	v28 =	vsel vm2, v28, v32;
	v26 =	vld [tilespmem:s26+$0x580];
	v27 =	vsub.f32 $1.000000000e+00, v34;
	v31 =	vadd.f32 v33, v35  }
.LBB2_2:
0x549: {  	p0 =	sne.s32 s0, $0x3E000;
	v32 =	vld [tilespmem:s26+$0x600];
	s2 =	spop (v2sf);
	v29 =	vnsel vm0, $0x0, v29;
	v25 =	vmul.f32 v25, v30;
	v18 =	vbroadcast v18, $0xF  }
0x54a: {  	v22 =	vsel vm3, v28, v22;
	v28 =	vld [tilespmem:s2+$0x0];
	(v2sf) =	vpush v17, $0x8;
	v29 =	vadd.f32 v31, v29  }
0x54b: {  	v27 =	vmul.f32 v27, v27;
	v30 =	vld [tilespmem:s26+$0x700];
	s2 =	spop (v2sf);
	v25 =	vnsel vm0, $0x0, v25;
	v23 =	vmul.f32 v23, v18  }
0x54c: {  	v18 =	vsel vm4, v22, v24;
	v22 =	vld [tilespmem:s2+$0x0];
	(v2sf) =	vpush v17, $0x9;
	v24 =	vadd.f32 v29, v25  }
0x54d: {  	v25 =	vsel vm5, v18, v26;
	v26 =	vld [tilespmem:s26+$0x780];
	v18 =	vmul.f32 v27, v21;
	s2 =	spop (v2sf);
	v21 =	vnsel vm0, $0x0, v23  }
0x54e: {  	v23 =	vsel vm6, v25, v32;
	v25 =	vld [tilespmem:s2+$0x0];
	(v2sf) =	vpush v17, $0xA;
	v21 =	vadd.f32 v24, v21  }
0x54f: {  	v20 =	vsel vm7, v23, v20;
	v23 =	vld [tilespmem:s26+$0x800];
	v24 =	vmul.f32 v18, v28;
	v27 =	vbroadcast v18, $0x1;
	s2 =	spop (v2sf)  }
0x550: {  	v19 =	vadd.s32 $0x10280, v19;
	v20 =	vsel vm8, v20, v30;
	v28 =	vld [tilespmem:s2+$0x0];
	(v2sf) =	vpush v17, $0xB  }
0x551: {  	v29 =	vld [tilespmem:s26+$0x880];
	v24 =	vnsel vm0, $0x0, v24;
	v22 =	vmul.f32 v27, v22;
	v27 =	vbroadcast v18, $0x2;
	s2 =	spop (v2sf)  }
0x552: {  	v20 =	vsel vm9, v20, v26;
	v21 =	vadd.f32 v24, v21;
	v24 =	vld [tilespmem:s2+$0x0];
	(v2sf) =	vpush v17, $0xC  }
0x553: {  	v26 =	vld [tilespmem:s26+$0x900];
	v22 =	vnsel vm0, $0x0, v22;
	v25 =	vmul.f32 v27, v25;
	v27 =	vbroadcast v18, $0x3;
	s2 =	spop (v2sf)  }
0x554: {  	v20 =	vsel vm10, v20, v23;
	v21 =	vadd.f32 v22, v21;
	v22 =	vld [tilespmem:s2+$0x0];
	(v2sf) =	vpush v17, $0xD  }
0x555: {  	v23 =	vld [tilespmem:s26+$0x980];
	v25 =	vnsel vm0, $0x0, v25;
	v27 =	vmul.f32 v27, v28;
	v28 =	vbroadcast v18, $0x4;
	s2 =	spop (v2sf)  }
0x556: {  	v20 =	vsel vm11, v20, v29;
	v21 =	vadd.f32 v21, v25;
	v25 =	vld [tilespmem:s2+$0x0];
	(v2sf) =	vpush v17, $0xE  }
0x557: {  	v29 =	vld [tilespmem:s26+$0xA00];
	v27 =	vnsel vm0, $0x0, v27;
	v24 =	vmul.f32 v28, v24;
	v28 =	vbroadcast v18, $0x5  }
0x558: {  	v20 =	vsel vm12, v20, v26;
	v21 =	vadd.f32 v21, v27;
	v26 =	vld [tilespmem:s1+$0x0];
	(v2sf) =	vpush v17, $0xF;
	v17 =	vmovc v19  }
0x559: {  	s30 =	sadd.s32 $0x1, s30;
	v19 =	vnsel vm0, $0x0, v24;
	v22 =	vmul.f32 v28, v22;
	v24 =	vbroadcast v18, $0x6;
	s1 =	spop (v2sf)  }
0x55a: {  	s31 =	sadd.s32 $0x10, s31;
	s2 =	sand.u32 $0x7, s30;
	v20 =	vsel vm13, v20, v23;
	(v2sf) =	vpush v17, $0x7;
	v23 =	vadd.f32 v21, v19;
	v27 =	vld [tilespmem:s1+$0x0]  }
0x55b: {  	s1 =	sshll.u32 s2, $0x4;
	s2 =	sshra.s32 s0, $0x2;
	v19 =	vld [tilespmem:s31+$0x0];
	v22 =	vnsel vm0, $0x0, v22;
	v24 =	vmul.f32 v25, v24;
	v25 =	vbroadcast v18, $0x7;
	s12 =	spop (v2sf)  }
0x55c: {  	s26 =	sadd.s32 s2, s1;
	v21 =	vsel vm14, v20, v29;
	(v2sf) =	vpush v17, $0x0;
	v22 =	vadd.f32 v23, v22;
	v23 =	vld [tilespmem:s12+$0x0]  }
0x55d: {  	v20 =	vld [tilespmem:s26+$0x680];
	v24 =	vnsel vm0, $0x0, v24;
	v25 =	vmul.f32 v26, v25;
	v26 =	vbroadcast v18, $0x8;
	s1 =	spop (v2sf)  }
0x55e: {  	v28 =	vmul.f32 $1.442695020e+00, v21;
	(v2sf) =	vpush v17, $0x1;
	v22 =	vadd.f32 v22, v24;
	v24 =	vld [tilespmem:s1+$0x0]  }
0x55f: {  	v29 =	vld [tilespmem:s26+$0x280];
	v25 =	vnsel vm0, $0x0, v25;
	v26 =	vmul.f32 v27, v26;
	v27 =	vbroadcast v18, $0x9;
	s1 =	spop (v2sf)  }
0x560: {  	(erf) = vpow2.f32 v28;
	(v2sf) =	vpush v17, $0x2;
	v22 =	vadd.f32 v22, v25;
	v25 =	vld [tilespmem:s1+$0x0]  }
0x561: {  	v28 =	vld [tilespmem:s26+$0x300];
	v26 =	vnsel vm0, $0x0, v26;
	v23 =	vmul.f32 v23, v27;
	v27 =	vbroadcast v18, $0xA;
	s1 =	spop (v2sf)  }
0x562: {  	(v2sf) =	vpush v17, $0x3;
	v22 =	vadd.f32 v22, v26;
	v26 =	vld [tilespmem:s1+$0x0]  }
0x563: {  	v30 =	vld [tilespmem:s26+$0x380];
	v23 =	vnsel vm0, $0x0, v23;
	v24 =	vmul.f32 v24, v27;
	v27 =	vbroadcast v18, $0xB;
	s1 =	spop (v2sf)  }
0x564: {  	(v2sf) =	vpush v17, $0x4;
	v22 =	vadd.f32 v22, v23;
	v31 =	vld [tilespmem:s1+$0x0]  }
0x565: {  	v32 =	vld [tilespmem:s26+$0x400];
	v23 =	vnsel vm0, $0x0, v24;
	v24 =	vmul.f32 v25, v27;
	v27 =	vbroadcast v18, $0xC;
	s1 =	spop (v2sf)  }
.Ltmp0:
0x566: {  	v28 =	vsel vm0, v29, v28;
	(v2sf) =	vpush v17, $0x5;
	v23 =	vadd.f32 v22, v23;
	v25 =	vld [tilespmem:s1+$0x0];
	(pc) =	sbr.rel @p0 .LBB2_2-.Ltmp0, $4  }
0x567: {  	v22 =	vld [tilespmem:s26+$0x480];
	v24 =	vnsel vm0, $0x0, v24;
	v26 =	vmul.f32 v26, v27;
	v27 =	vbroadcast v18, $0xD;
	s1 =	spop (v2sf)  }
0x568: {  	v28 =	vsel vm1, v28, v30;
	(v2sf) =	vpush v17, $0x6;
	v33 =	vadd.f32 v23, v24;
	v23 =	vld [tilespmem:s1+$0x0]  }
0x569: {  	v30 =	vbroadcast v18, $0xE;
	v24 =	vld [tilespmem:s26+$0x500];
	v34 =	vpop (erf);
	s1 =	spop (v2sf);
	v35 =	vnsel vm0, $0x0, v26;
	v29 =	vmul.f32 v31, v27  }
0x56a: {  	s0 =	sadd.s32 $0x2000, s0;
	v28 =	vsel vm2, v28, v32;
	v26 =	vld [tilespmem:s26+$0x580];
	v27 =	vsub.f32 $1.000000000e+00, v34;
	v31 =	vadd.f32 v33, v35  }
0x56b: {  	v29 =	vnsel vm0, $0x0, v29;
	v25 =	vmul.f32 v25, v30  }
0x56c: {  	v32 =	vld [tilespmem:s26+$0x600];
	s0 =	spop (v2sf);
	v18 =	vbroadcast v18, $0xF;
	(v2sf) =	vpush v17, $0x8;
	v19 =	vadd.s32 $0x10280, v19  }
0x56d: {  	v22 =	vsel vm3, v28, v22;
	v34 =	vld [tilespmem:s0+$0x0];
	v29 =	vadd.f32 v31, v29;
	v27 =	vmul.f32 v27, v27  }
0x56e: {  	v35 =	vld [tilespmem:s26+$0x700];
	s30 =	spop (v2sf);
	v25 =	vnsel vm0, $0x0, v25;
	v18 =	vmul.f32 v23, v18;
	(v2sf) =	vpush v17, $0x9  }
0x56f: {  	v22 =	vsel vm4, v22, v24;
	v36 =	vld [tilespmem:s30+$0x0];
	v37 =	vadd.f32 v29, v25;
	v21 =	vmul.f32 v27, v21  }
0x570: {  	v38 =	vld [tilespmem:s26+$0x780];
	v22 =	vsel vm5, v22, v26;
	s31 =	spop (v2sf);
	v18 =	vnsel vm0, $0x0, v18;
	(v2sf) =	vpush v17, $0xA  }
0x571: {  	v22 =	vsel vm6, v22, v32;
	v39 =	vld [tilespmem:s31+$0x0];
	v41 =	vbroadcast v21, $0x1;
	v44 =	vbroadcast v21, $0x2  }
0x572: {  	v40 =	vld [tilespmem:s26+$0x800];
	v18 =	vadd.f32 v37, v18;
	v47 =	vbroadcast v21, $0x3;
	v27 =	vmul.f32 v21, v34;
	s2 =	spop (v2sf)  }
0x573: {  	v50 =	vbroadcast v21, $0x4;
	v53 =	vbroadcast v21, $0x5;
	(v2sf) =	vpush v17, $0xB;
	v42 =	vld [tilespmem:s2+$0x0]  }
0x574: {  	v43 =	vld [tilespmem:s26+$0x880];
	v55 =	vbroadcast v21, $0x6;
	v27 =	vnsel vm0, $0x0, v27;
	v23 =	vmul.f32 v41, v36;
	s12 =	spop (v2sf)  }
0x575: {  	v58 =	vbroadcast v21, $0x7;
	(v2sf) =	vpush v17, $0xC;
	v18 =	vadd.f32 v27, v18;
	v45 =	vld [tilespmem:s12+$0x0]  }
0x576: {  	v46 =	vld [tilespmem:s26+$0x900];
	v59 =	vbroadcast v21, $0x8;
	v23 =	vnsel vm0, $0x0, v23;
	v26 =	vmul.f32 v44, v39;
	s30 =	spop (v2sf)  }
0x577: {  	v20 =	vsel vm7, v22, v20;
	(v2sf) =	vpush v17, $0xD;
	v18 =	vadd.f32 v23, v18;
	v48 =	vld [tilespmem:s30+$0x0]  }
0x578: {  	v49 =	vld [tilespmem:s26+$0x980];
	v20 =	vsel vm8, v20, v35;
	v26 =	vnsel vm0, $0x0, v26;
	v24 =	vmul.f32 v47, v42;
	s31 =	spop (v2sf)  }
0x579: {  	v20 =	vsel vm9, v20, v38;
	(v2sf) =	vpush v17, $0xE;
	v18 =	vadd.f32 v18, v26;
	v51 =	vld [tilespmem:s31+$0x0]  }
0x57a: {  	v52 =	vld [tilespmem:s26+$0xA00];
	v20 =	vsel vm10, v20, v40;
	v24 =	vnsel vm0, $0x0, v24;
	v25 =	vmul.f32 v50, v45  }
0x57b: {  	v54 =	vld [tilespmem:s1+$0x0];
	v20 =	vsel vm11, v20, v43;
	(v2sf) =	vpush v17, $0xF;
	v18 =	vadd.f32 v18, v24  }
0x57c: {  	(v2sf) =	vpush v19, $0x7;
	s1 =	spop (v2sf);
	v17 =	vnsel vm0, $0x0, v25;
	v22 =	vmul.f32 v53, v48  }
0x57d: {  	v20 =	vsel vm12, v20, v46;
	(v2sf) =	vpush v19, $0x0;
	v56 =	vld [tilespmem:s1+$0x0];
	v17 =	vadd.f32 v18, v17  }
0x57e: {  	v20 =	vsel vm13, v20, v49;
	s2 =	spop (v2sf);
	v18 =	vnsel vm0, $0x0, v22;
	v57 =	vmul.f32 v51, v55  }
0x57f: {  	v20 =	vsel vm14, v20, v52;
	(v2sf) =	vpush v19, $0x1;
	v17 =	vadd.f32 v17, v18;
	v18 =	vld [tilespmem:s2+$0x0]  }
0x580: {  	v60 =	vmul.f32 $1.442695020e+00, v20;
	v24 =	vmul.f32 v54, v58;
	s12 =	spop (v2sf);
	v22 =	vnsel vm0, $0x0, v57  }
0x581: {  	v62 =	vbroadcast v21, $0x9;
	(v2sf) =	vpush v19, $0x2;
	v61 =	vld [tilespmem:s12+$0x0];
	v17 =	vadd.f32 v17, v22  }
0x582: {  	(erf) = vpow2.f32 v60;
	v24 =	vnsel vm0, $0x0, v24;
	v23 =	vmul.f32 v56, v59;
	s26 =	spop (v2sf)  }
0x583: {  	(v2sf) =	vpush v19, $0x3;
	v63 =	vld [tilespmem:s26+$0x0];
	v17 =	vadd.f32 v17, v24  }
0x584: {  	v28 =	vbroadcast v21, $0xA;
	v23 =	vnsel vm0, $0x0, v23;
	s30 =	spop (v2sf);
	v18 =	vmul.f32 v18, v62  }
0x585: {  	(v2sf) =	vpush v19, $0x4;
	v29 =	vld [tilespmem:s30+$0x0];
	v17 =	vadd.f32 v17, v23  }
0x586: {  	v30 =	vbroadcast v21, $0xB;
	v22 =	vmul.f32 v61, v28;
	s31 =	spop (v2sf);
	v18 =	vnsel vm0, $0x0, v18  }
0x587: {  	(v2sf) =	vpush v19, $0x5;
	v17 =	vadd.f32 v17, v18;
	v18 =	vld [tilespmem:s31+$0x0]  }
0x588: {  	v31 =	vbroadcast v21, $0xC;
	s1 =	spop (v2sf);
	v22 =	vnsel vm0, $0x0, v22;
	v24 =	vmul.f32 v63, v30  }
0x589: {  	(v2sf) =	vpush v19, $0x6;
	v32 =	vld [tilespmem:s1+$0x0];
	v17 =	vadd.f32 v17, v22  }
0x58a: {  	v34 =	vbroadcast v21, $0xD;
	s2 =	spop (v2sf);
	v33 =	vnsel vm0, $0x0, v24;
	v23 =	vmul.f32 v29, v31  }
0x58b: {  	v37 =	vbroadcast v21, $0xE;
	v36 =	vpop (erf);
	v35 =	vld [tilespmem:s2+$0x0];
	s0 =	spop (v2sf);
	v17 =	vadd.f32 v17, v33  }
0x58c: {  	v38 =	vsub.f32 $1.000000000e+00, v36;
	s12 =	spop (v2sf);
	v23 =	vnsel vm0, $0x0, v23;
	v18 =	vmul.f32 v18, v34  }
0x58d: {  	v21 =	vbroadcast v21, $0xF;
	(v2sf) =	vpush v19, $0x8;
	v40 =	vld [tilespmem:s12+$0x0];
	v17 =	vadd.f32 v17, v23  }
0x58e: {  	v24 =	vmul.f32 v38, v38;
	s26 =	spop (v2sf);
	v39 =	vmul.f32 v32, v37;
	v18 =	vnsel vm0, $0x0, v18  }
0x58f: {  	(v2sf) =	vpush v19, $0x9;
	v17 =	vadd.f32 v17, v18;
	v18 =	vld [tilespmem:s26+$0x0]  }
0x590: {  	v20 =	vmul.f32 v24, v20;
	v21 =	vmul.f32 v35, v21;
	s30 =	spop (v2sf);
	v23 =	vnsel vm0, $0x0, v39  }
0x591: {  	(v2sf) =	vpush v19, $0xA;
	v41 =	vld [tilespmem:s30+$0x0];
	v17 =	vadd.f32 v17, v23  }
0x592: {  	v24 =	vbroadcast v20, $0x1;
	v21 =	vnsel vm0, $0x0, v21;
	v42 =	vmul.f32 v20, v40;
	s31 =	spop (v2sf)  }
0x593: {  	(v2sf) =	vpush v19, $0xB;
	v43 =	vld [tilespmem:s31+$0x0];
	v17 =	vadd.f32 v17, v21  }
0x594: {  	v44 =	vbroadcast v20, $0x2;
	v23 =	vnsel vm0, $0x0, v42;
	s2 =	spop (v2sf);
	v18 =	vmul.f32 v24, v18  }
0x595: {  	(v2sf) =	vpush v19, $0xC;
	v45 =	vld [tilespmem:s2+$0x0];
	v17 =	vadd.f32 v23, v17  }
0x596: {  	v46 =	vbroadcast v20, $0x3;
	v22 =	vmul.f32 v44, v41;
	s12 =	spop (v2sf);
	v18 =	vnsel vm0, $0x0, v18  }
0x597: {  	(v2sf) =	vpush v19, $0xD;
	v17 =	vadd.f32 v18, v17;
	v18 =	vld [tilespmem:s12+$0x0]  }
0x598: {  	v47 =	vbroadcast v20, $0x4;
	v22 =	vnsel vm0, $0x0, v22;
	v21 =	vmul.f32 v46, v43;
	s26 =	spop (v2sf)  }
0x599: {  	(v2sf) =	vpush v19, $0xE;
	v48 =	vld [tilespmem:s26+$0x0];
	v17 =	vadd.f32 v17, v22  }
0x59a: {  	v49 =	vbroadcast v20, $0x5;
	v21 =	vnsel vm0, $0x0, v21;
	v23 =	vmul.f32 v47, v45  }
0x59b: {  	v50 =	vld [tilespmem:s0+$0x0];
	(v2sf) =	vpush v19, $0xF;
	v17 =	vadd.f32 v17, v21  }
0x59c: {  	v51 =	vbroadcast v20, $0x6;
	s30 =	spop (v2sf);
	v19 =	vnsel vm0, $0x0, v23;
	v18 =	vmul.f32 v49, v18  }
0x59d: {  	v17 =	vadd.f32 v17, v19;
	v19 =	vld [tilespmem:s30+$0x0]  }
0x59e: {  	v52 =	vbroadcast v20, $0x7;
	s31 =	spop (v2sf);
	v22 =	vmul.f32 v48, v51;
	v18 =	vnsel vm0, $0x0, v18  }
0x59f: {  	v17 =	vadd.f32 v17, v18;
	v18 =	vld [tilespmem:s31+$0x0]  }
0x5a0: {  	v53 =	vbroadcast v20, $0x8;
	v21 =	vmul.f32 v50, v52;
	s1 =	spop (v2sf);
	v22 =	vnsel vm0, $0x0, v22  }
0x5a1: {  	v54 =	vld [tilespmem:s1+$0x0];
	v17 =	vadd.f32 v17, v22  }
0x5a2: {  	v55 =	vbroadcast v20, $0x9;
	v21 =	vnsel vm0, $0x0, v21;
	s2 =	spop (v2sf);
	v19 =	vmul.f32 v19, v53  }
0x5a3: {  	v56 =	vld [tilespmem:s2+$0x0];
	v17 =	vadd.f32 v17, v21  }
0x5a4: {  	v57 =	vbroadcast v20, $0xA;
	s12 =	spop (v2sf);
	v19 =	vnsel vm0, $0x0, v19;
	v18 =	vmul.f32 v18, v55  }
0x5a5: {  	v17 =	vadd.f32 v17, v19;
	v19 =	vld [tilespmem:s12+$0x0]  }
0x5a6: {  	v58 =	vbroadcast v20, $0xB;
	v22 =	vmul.f32 v54, v57;
	s26 =	spop (v2sf);
	v18 =	vnsel vm0, $0x0, v18  }
0x5a7: {  	v17 =	vadd.f32 v17, v18;
	v18 =	vld [tilespmem:s26+$0x0]  }
0x5a8: {  	v59 =	vbroadcast v20, $0xC;
	v22 =	vnsel vm0, $0x0, v22;
	v21 =	vmul.f32 v56, v58;
	s30 =	spop (v2sf)  }
0x5a9: {  	v60 =	vld [tilespmem:s30+$0x0];
	v17 =	vadd.f32 v17, v22  }
0x5aa: {  	v61 =	vbroadcast v20, $0xD;
	s31 =	spop (v2sf);
	v21 =	vnsel vm0, $0x0, v21;
	v19 =	vmul.f32 v19, v59  }
0x5ab: {  	v62 =	vld [tilespmem:s31+$0x0];
	v17 =	vadd.f32 v17, v21  }
0x5ac: {  	v63 =	vbroadcast v20, $0xE;
	v19 =	vnsel vm0, $0x0, v19;
	v18 =	vmul.f32 v18, v61  }
0x5ad: {  	v17 =	vadd.f32 v17, v19  }
0x5ae: {  	v20 =	vbroadcast v20, $0xF;
	v19 =	vmul.f32 v60, v63;
	v18 =	vnsel vm0, $0x0, v18  }
0x5af: {  	v17 =	vadd.f32 v17, v18  }
0x5b0: {  	v18 =	vnsel vm0, $0x0, v19;
	v19 =	vmul.f32 v62, v20  }
0x5b1: {  	v17 =	vadd.f32 v17, v18  }
0x5b2: {  	v18 =	vnsel vm0, $0x0, v19  }
0x5b3: {  	s24 =	sadd.s32 $0x1, s24;
	v17 =	vadd.f32 v17, v18  }
0x5b4: {  	p0 =	sne.s32 s24, s10  }
.Ltmp1:
0x5b5: {  	[tilespmem:$0x200] =	vst v17;
	(pc) =	sbr.rel @p0 .LBB2_1-.Ltmp1, $4  }
0x5b6: {  	[hbm4b:s9+s3] =	stream.linear.scatter [tilespmem:s23], [sflag:$0x5], $0x10, $0x38;
	[tilespmem:$0x10680] =	vst v63  }
0x5b7: {  	_ =	swait.ge [sflag:s11], $0x10  }
0x5b8: {  	[sflag:s11] =	ssyncset.done $0x0  }
0x5b9: {  	[sflag:s11] =	ssyncadd.s32 $0xFFFFFFF0  }
0x5ba: {  	_ =	sfence.sel $0x180000  }
0x5bb: {  	[bflag:$0x0] =	sbarrier.arrive $0xFFFF  }
0x5bc: {  	_ =	strace $0x90000047  }
0x5bd: {  	s0 =	stileid.u32;
	[bflag:$0x2] =	sbarrier.arrive $0xFFFF  }
0x5be: {  	p0 =	sne.s32 s0, $0x0;
	s0 =	rddreg [dreg:$0x4]  }
0x5bf: {  	s0 =	sadd.s32 @!p0 $0x100000, s0  }
0x5c0: {  	[sflag:s0] =	ssyncadd.tile.s32 @!p0 $0x1;
	_ =	shalt  }
.Lfunc_end2:
_tile_overlayer_lowered:
.L_overlay_start_2:
0x5c1: {  	(tag) =	ssettag $0x2  }
0x5c2: {  	s0 =	rddreg [dreg:$0x0];
	s2 =	stileid.u32  }
0x5c3: {  	s1 =	rddreg [dreg:$0x1];
	p0 =	sne.s32 s2, $0x0  }
0x5c4: {  	s3 =	rddreg [dreg:$0x2];
	[bflag:$0x3] =	sbarrier.arrive $0xFFFF;
	s2 =	simm.s32 @!p0 $0x1C05  }
0x5c5: {  	[timem:s3], [sflag:s2] =	dma.local @!p0 [hbm:s0], s1  }
0x5c6: {  	s0 =	simm.s32 @!p0 $0x5  }
0x5c7: {  	_ =	swait.ge @!p0 [sflag:s0], s1  }
0x5c8: {  	s1 =	ssub.s32 @!p0 $0x0, s1;
	[sflag:s0] =	ssyncset.done @!p0 $0x0  }
0x5c9: {  	[sflag:s0] =	ssyncadd.s32 @!p0 s1  }
0x5ca: {  	[bflag:$0x3] =	sbarrier.arrive $0xFFFF  }
0x5cb: {  	_ =	shalt  }

</sc_bundles>
